<compile_context>
chip_gen: v7x
topology: tpu7x:2x2x1
jax: 0.10.2.dev20260603
libtpu: 0.0.44.dev20260713+nightly
codegen_flags: <defaults>
</compile_context>

<pallas_src>
import functools
import math

import jax
import jax.numpy as jnp
from jax.experimental import pallas as pl
from jax.experimental.pallas import tpu as pltpu

_POOL_RATIO = 0.5
_BLK = 512


def _rup(v, m):
    return ((v + m - 1) // m) * m


def _mm_kernel(a_ref, b_ref, o_ref, ot_ref=None, *, bm, bn, valid, contract_t,
               emit_t):
    @pl.when(pl.program_id(2) == 0)
    def _():
        o_ref[...] = jnp.zeros_like(o_ref)

    a = a_ref[...].astype(jnp.bfloat16)
    b = b_ref[...].astype(jnp.bfloat16)
    if contract_t:
        o_ref[...] += jax.lax.dot_general(
            a, b, (((1,), (1,)), ((), ())),
            preferred_element_type=jnp.float32)
    else:
        o_ref[...] += jnp.dot(a, b, preferred_element_type=jnp.float32)

    @pl.when(pl.program_id(2) == pl.num_programs(2) - 1)
    def _():
        i = pl.program_id(0)
        j = pl.program_id(1)
        rows = i * bm + jax.lax.broadcasted_iota(jnp.int32, (bm, bn), 0)
        cols = j * bn + jax.lax.broadcasted_iota(jnp.int32, (bm, bn), 1)
        o = jnp.where((rows == cols) & (rows < valid), 1.0, o_ref[...])
        o_ref[...] = o
        if emit_t:
            ot_ref[...] = o.T


def _sq_restrict(a, b, *, bm, bn, bk, valid, contract_t=False, emit_t=False):
    m = a.shape[0]
    n = b.shape[0] if contract_t else b.shape[1]
    k = a.shape[1]
    grid = (m // bm, n // bn, k // bk)
    out_shape = [jax.ShapeDtypeStruct((m, n), jnp.float32)]
    out_specs = [pl.BlockSpec((bm, bn), lambda i, j, kk: (i, j))]
    if emit_t:
        out_shape.append(jax.ShapeDtypeStruct((n, m), jnp.float32))
        out_specs.append(pl.BlockSpec((bn, bm), lambda i, j, kk: (j, i)))
    if contract_t:
        b_spec = pl.BlockSpec((bn, bk), lambda i, j, kk: (j, kk))
    else:
        b_spec = pl.BlockSpec((bk, bn), lambda i, j, kk: (kk, j))
    res = pl.pallas_call(
        functools.partial(_mm_kernel, bm=bm, bn=bn, valid=valid,
                          contract_t=contract_t, emit_t=emit_t),
        grid=grid,
        in_specs=[pl.BlockSpec((bm, bk), lambda i, j, kk: (i, kk)), b_spec],
        out_specs=out_specs,
        out_shape=out_shape,
        compiler_params=pltpu.CompilerParams(
            dimension_semantics=("parallel", "parallel", "arbitrary")),
    )(a, b)
    return res if emit_t else res[0]


def _t_kernel(a_ref, o_ref):
    o_ref[...] = a_ref[...].T


def _transpose(a, *, blk):
    m, k = a.shape
    return pl.pallas_call(
        _t_kernel,
        grid=(m // blk, k // blk),
        in_specs=[pl.BlockSpec((blk, blk), lambda i, j: (i, j))],
        out_specs=pl.BlockSpec((blk, blk), lambda i, j: (j, i)),
        out_shape=jax.ShapeDtypeStruct((k, m), jnp.float32),
        compiler_params=pltpu.CompilerParams(
            dimension_semantics=("parallel", "parallel")),
    )(a)


def _rowsum_kernel(a_ref, o_ref):
    @pl.when(pl.program_id(1) == 0)
    def _():
        o_ref[...] = jnp.zeros_like(o_ref)

    o_ref[...] += jnp.sum(a_ref[...], axis=1, keepdims=True)


def _rowsum(a, *, bm, bk):
    m, k = a.shape
    out = pl.pallas_call(
        _rowsum_kernel,
        grid=(m // bm, k // bk),
        in_specs=[pl.BlockSpec((bm, bk), lambda i, kk: (i, kk))],
        out_specs=pl.BlockSpec((bm, 1), lambda i, kk: (i, 0)),
        out_shape=jax.ShapeDtypeStruct((m, 1), jnp.float32),
        compiler_params=pltpu.CompilerParams(
            dimension_semantics=("parallel", "arbitrary")),
    )(a)
    return out[:, 0]


def _xw_kernel(x_ref, w_ref, dinv_ref, b_ref, o_ref, *, use_dinv, use_b):
    o = jnp.dot(x_ref[...], w_ref[...], preferred_element_type=jnp.float32)
    if use_dinv:
        o = o * dinv_ref[...]
    if use_b:
        o = o + b_ref[...]
    o_ref[...] = o


def _xw(x, w, dinv=None, b=None, *, bm):
    m, din = x.shape
    dout = w.shape[1]
    use_dinv = dinv is not None
    use_b = b is not None
    dinv_in = dinv[:, None] if use_dinv else jnp.zeros((m, 1), jnp.float32)
    b_in = b[None, :] if use_b else jnp.zeros((1, dout), jnp.float32)
    return pl.pallas_call(
        functools.partial(_xw_kernel, use_dinv=use_dinv, use_b=use_b),
        grid=(m // bm,),
        in_specs=[
            pl.BlockSpec((bm, din), lambda i: (i, 0)),
            pl.BlockSpec((din, dout), lambda i: (0, 0)),
            pl.BlockSpec((bm, 1), lambda i: (i, 0)),
            pl.BlockSpec((1, dout), lambda i: (0, 0)),
        ],
        out_specs=pl.BlockSpec((bm, dout), lambda i: (i, 0)),
        out_shape=jax.ShapeDtypeStruct((m, dout), jnp.float32),
        compiler_params=pltpu.CompilerParams(
            dimension_semantics=("parallel",)),
    )(x, w, dinv_in, b_in)


def _gcn_kernel(a_ref, z_ref, zs_ref, dinv_ref, s_ref, b_ref, o_ref, *, relu):
    @pl.when(pl.program_id(1) == 0)
    def _():
        o_ref[...] = s_ref[...] * zs_ref[...]

    o_ref[...] += jnp.dot(a_ref[...], z_ref[...],
                          preferred_element_type=jnp.float32)

    @pl.when(pl.program_id(1) == pl.num_programs(1) - 1)
    def _():
        o = dinv_ref[...] * o_ref[...] + b_ref[...]
        if relu:
            o = jnp.maximum(o, 0.0)
        o_ref[...] = o


def _gcn_conv(a, z, zscale, dinv, b, *, relu, bm, bk):
    m, d = z.shape
    return pl.pallas_call(
        functools.partial(_gcn_kernel, relu=relu),
        grid=(m // bm, m // bk),
        in_specs=[
            pl.BlockSpec((bm, bk), lambda i, kk: (i, kk)),
            pl.BlockSpec((bk, d), lambda i, kk: (kk, 0)),
            pl.BlockSpec((bm, d), lambda i, kk: (i, 0)),
            pl.BlockSpec((bm, 1), lambda i, kk: (i, 0)),
            pl.BlockSpec((bm, 1), lambda i, kk: (i, 0)),
            pl.BlockSpec((1, d), lambda i, kk: (0, 0)),
        ],
        out_specs=pl.BlockSpec((bm, d), lambda i, kk: (i, 0)),
        out_shape=jax.ShapeDtypeStruct((m, d), jnp.float32),
        compiler_params=pltpu.CompilerParams(
            dimension_semantics=("parallel", "arbitrary")),
    )(a, z, z, dinv[:, None], zscale[:, None], b[None, :])


def _pad_rows(a, m):
    return jnp.pad(a, ((0, m - a.shape[0]),) + ((0, 0),) * (a.ndim - 1))


def kernel(x, edge_index, W0, b0, W1, b1, W2, b2, p0, p1,
           Wu0, bu0, Wu1, bu1, Wd, bd):
    n, din = x.shape
    k0 = int(math.ceil(_POOL_RATIO * n))
    k1 = int(math.ceil(_POOL_RATIO * k0))
    np0, np1, np2 = _rup(n, _BLK), _rup(k0, _BLK), _rup(k1, _BLK)
    bmm = 1024 if (np0 % 1024 == 0 and np1 % 1024 == 0) else _BLK

    src = edge_index[0].astype(jnp.int32)
    dst = edge_index[1].astype(jnp.int32)
    selfe = (src == dst).astype(jnp.float32)
    nonself = 1.0 - selfe
    ones_e = jnp.ones_like(selfe)
    arn = jnp.arange(n, dtype=jnp.int32)

    indeg = jnp.zeros((n,), jnp.float32).at[dst].add(ones_e)
    c = jnp.zeros((n,), jnp.float32).at[dst].add(selfe)
    dinv0 = jax.lax.rsqrt(indeg + 2.0)
    dinv0p = _pad_rows(dinv0, np0)
    s0p = _pad_rows(c + 1.0, np0)

    Ms = jnp.zeros((np0, np0), jnp.float32).at[
        jnp.concatenate([dst, arn]), jnp.concatenate([src, arn])
    ].add(jnp.concatenate([nonself, jnp.ones((n,), jnp.float32)]),
          mode='drop')

    z0 = _xw(_pad_rows(x, np0), W0, dinv0p, bm=_BLK)
    x0 = _gcn_conv(Ms, z0, s0p, dinv0p, b0, relu=True, bm=_BLK, bk=_BLK)

    score0 = jnp.tanh((x0[:n] @ p0) / jnp.linalg.norm(p0))
    _, perm0 = jax.lax.top_k(score0, k0)
    xp1 = x0[:n][perm0] * score0[perm0][:, None]

    idxp0 = jnp.concatenate(
        [perm0, jnp.full((np1 - k0,), np0 - 1, jnp.int32)])
    H = Ms[idxp0]
    Mst = _transpose(Ms, blk=_BLK)
    Gr = Mst[idxp0]
    M1S, M1St = _sq_restrict(H, Gr, bm=bmm, bn=bmm, bk=_BLK, valid=k0,
                             contract_t=True, emit_t=True)

    deg1 = _rowsum(M1S, bm=_BLK, bk=_BLK)[:k0] + 1.0
    dinv1 = jax.lax.rsqrt(deg1)
    dinv1p = _pad_rows(dinv1, np1)
    ones1 = jnp.ones((np1,), jnp.float32)

    z1 = _xw(_pad_rows(xp1, np1), W1, dinv1p, bm=_BLK)
    x1 = _gcn_conv(M1S, z1, ones1, dinv1p, b1, relu=True, bm=_BLK, bk=_BLK)

    score1 = jnp.tanh((x1[:k0] @ p1) / jnp.linalg.norm(p1))
    _, perm1 = jax.lax.top_k(score1, k1)
    xp2 = x1[:k0][perm1] * score1[perm1][:, None]

    idxp1 = jnp.concatenate(
        [perm1, jnp.full((np2 - k1,), np1 - 1, jnp.int32)])
    H2 = M1S[idxp1]
    G2r = M1St[idxp1]
    M2S = _sq_restrict(H2, G2r, bm=_BLK, bn=_BLK, bk=_BLK, valid=k1,
                       contract_t=True)

    deg2 = _rowsum(M2S, bm=_BLK, bk=_BLK)[:k1] + 1.0
    dinv2 = jax.lax.rsqrt(deg2)
    dinv2p = _pad_rows(dinv2, np2)
    ones2 = jnp.ones((np2,), jnp.float32)

    z2 = _xw(_pad_rows(xp2, np2), W2, dinv2p, bm=_BLK)
    x2 = _gcn_conv(M2S, z2, ones2, dinv2p, b2, relu=True, bm=_BLK, bk=_BLK)

    up1 = jnp.zeros((k0, 128), jnp.float32).at[perm1].set(x2[:k1])
    cat1 = _pad_rows(jnp.concatenate([x1[:k0], up1], axis=1), np1)
    zu0 = _xw(cat1, Wu0, dinv1p, bm=_BLK)
    xu0 = _gcn_conv(M1S, zu0, ones1, dinv1p, bu0, relu=True, bm=_BLK,
                    bk=_BLK)

    up0 = jnp.zeros((n, 128), jnp.float32).at[perm0].set(xu0[:k0])
    cat0 = _pad_rows(jnp.concatenate([x0[:n], up0], axis=1), np0)
    zu1 = _xw(cat0, Wu1, dinv0p, bm=_BLK)
    xf = _gcn_conv(Ms, zu1, s0p, dinv0p, bu1, relu=False, bm=_BLK, bk=_BLK)

    ncls = Wd.shape[1]
    ncp = _rup(ncls, 128)
    out = _xw(xf, jnp.pad(Wd, ((0, 0), (0, ncp - ncls))), None,
              jnp.pad(bd, (0, ncp - ncls)), bm=_BLK)
    return out[:n, :ncls]

# --- scband reference (transcript-rebuilt; emitter-appended) ---
"""Pipeline reference for scband-graph-unet-45286135169790 (READ-ONLY COPY).

The authoritative reference and input builder live on the scoring server;
editing this copy changes nothing except your own understanding.
"""

import jax, jax.numpy as jnp
import numpy as np
import math

N_NODES = 10000
N_EDGES = 160000
D_IN = 128
N_CLASSES = 40
POOL_RATIO = 0.5


def _glorot(k, shape):
    lim = math.sqrt(6.0 / (shape[0] + shape[1]))
    return jax.random.uniform(k, shape, jnp.float32, -lim, lim)


def setup_inputs(seed: int = 0):
    key = jax.random.key(seed)
    ks = jax.random.split(key, 10)
    return {
        'x': jax.random.normal(ks[0], (N_NODES, D_IN), jnp.float32),
        'edge_index': jax.random.randint(ks[1], (2, N_EDGES), 0, N_NODES),
        'W0': _glorot(ks[2], (128, 128)), 'b0': jnp.zeros((128,), jnp.float32),
        'W1': _glorot(ks[3], (128, 128)), 'b1': jnp.zeros((128,), jnp.float32),
        'W2': _glorot(ks[4], (128, 128)), 'b2': jnp.zeros((128,), jnp.float32),
        'p0': jax.random.uniform(ks[5], (128,), jnp.float32, -0.1, 0.1),
        'p1': jax.random.uniform(ks[6], (128,), jnp.float32, -0.1, 0.1),
        'Wu0': _glorot(ks[7], (256, 128)), 'bu0': jnp.zeros((128,), jnp.float32),
        'Wu1': _glorot(ks[8], (256, 128)), 'bu1': jnp.zeros((128,), jnp.float32),
        'Wd': _glorot(ks[9], (128, N_CLASSES)), 'bd': jnp.zeros((N_CLASSES,), jnp.float32),
    }


def _relu(v):
    return jnp.maximum(v, 0.0)


def _to_dense(edge_index, n):
    # edge_weight = ones(E); dense M[dst, src] += w (duplicates coalesce by sum, same as scatter-add)
    w = jnp.ones((edge_index.shape[1],), jnp.float32)
    M = jnp.zeros((n, n), jnp.float32).at[edge_index[1], edge_index[0]].add(w)
    return jax.lax.stop_gradient(M)


def _gcn(M, x, W, b):
    # GCNConv(improved=True): A_hat = D^-1/2 (A + 2I) D^-1/2 ; out = A_hat @ (x W) + b
    n = M.shape[0]
    Mn = M + 2.0 * jnp.eye(n, dtype=jnp.float32)
    deg = Mn.sum(axis=1)
    dinv = jnp.where(deg > 0.0, jax.lax.rsqrt(deg), 0.0)
    xw = x @ W
    return dinv[:, None] * (Mn @ (dinv[:, None] * xw)) + b


def _augment(M):
    # augment_adj: remove self loops, add self loops (w=1), spspmm(A, A) densely, remove self loops
    n = M.shape[0]
    eye = jnp.eye(n, dtype=jnp.float32)
    Ms = M * (1.0 - eye) + eye
    M2 = (Ms @ Ms) * (1.0 - eye)
    return jax.lax.stop_gradient(M2)


def _topk_pool(x, M, p, ratio):
    # TopKPooling: score = tanh((x . p)/||p||); keep top ceil(ratio*N); x <- x[perm]*score[perm]
    score = jnp.tanh((x @ p) / jnp.linalg.norm(p))
    k = int(math.ceil(ratio * x.shape[0]))
    _, perm = jax.lax.top_k(score, k)
    xp = x[perm] * score[perm][:, None]
    Mp = jax.lax.stop_gradient(M[perm][:, perm])
    return xp, Mp, perm


def _forward(x, edge_index, W0, b0, W1, b1, W2, b2, p0, p1, Wu0, bu0, Wu1, bu1, Wd, bd):
    n = x.shape[0]
    M0 = _to_dense(edge_index, n)
    x = _relu(_gcn(M0, x, W0, b0))
    x0 = x
    Ma = _augment(M0)
    x, M1, perm0 = _topk_pool(x, Ma, p0, POOL_RATIO)
    x = _relu(_gcn(M1, x, W1, b1))
    x1 = x
    Mb = _augment(M1)
    x, M2, perm1 = _topk_pool(x, Mb, p1, POOL_RATIO)
    x = _relu(_gcn(M2, x, W2, b2))
    up = jnp.zeros_like(x1).at[perm1].set(x)
    x = jnp.concatenate([x1, up], axis=-1)  # sum_res=False -> concat (2*channels)
    x = _relu(_gcn(M1, x, Wu0, bu0))
    up = jnp.zeros_like(x0).at[perm0].set(x)
    x = jnp.concatenate([x0, up], axis=-1)
    x = _gcn(M0, x, Wu1, bu1)
    return x @ Wd + bd


def reference(x, edge_index, W0, b0, W1, b1, W2, b2, p0, p1, Wu0, bu0, Wu1, bu1, Wd, bd):
    return _forward(x, edge_index, W0, b0, W1, b1, W2, b2, p0, p1, Wu0, bu0, Wu1, bu1, Wd, bd)

if __name__ == "__main__":
    import jax
    _d = setup_inputs()
    print(jax.jit(kernel)(*tuple(_d.values())))

</pallas_src>

<mosaic_0001>
module attributes {stable_mosaic.version = 14 : i64} {
  func.func @_xw_kernel(%arg0: i32, %arg1: memref<512x128xf32, #tpu.memory_space<vmem>>, %arg2: memref<128x128xf32, #tpu.memory_space<vmem>>, %arg3: memref<512x1xf32, #tpu.memory_space<vmem>>, %arg4: memref<1x128xf32, #tpu.memory_space<vmem>>, %arg5: memref<512x128xf32, #tpu.memory_space<vmem>>) attributes {dimension_semantics = [#tpu.dimension_semantics<parallel>], iteration_bounds = array<i64: 20>, scalar_prefetch = 0 : i64, scratch_operands = 0 : i64, tpu.core_type = #tpu.core_type<tc>, window_params = [{transform_indices = @transform_0, window_bounds = array<i64: 512, 128>}, {pipeline_mode = #tpu.pipeline_mode<synchronous>, transform_indices = @transform_1, window_bounds = array<i64: 128, 128>}, {transform_indices = @transform_2, window_bounds = array<i64: 512, 1>}, {pipeline_mode = #tpu.pipeline_mode<synchronous>, transform_indices = @transform_3, window_bounds = array<i64: 1, 128>}, {transform_indices = @transform_4, window_bounds = array<i64: 512, 128>}]} {
    %get3A = arith.constant 0 : index
    %get3A_0 = arith.constant 0 : index
    %get3A_1 = vector.load %arg1[%get3A, %get3A_0] : memref<512x128xf32, #tpu.memory_space<vmem>>, vector<512x128xf32>
    %get3A_2 = arith.constant 0 : index
    %get3A_3 = arith.constant 0 : index
    %get3A_4 = vector.load %arg2[%get3A_2, %get3A_3] : memref<128x128xf32, #tpu.memory_space<vmem>>, vector<128x128xf32>
    %dot_general3A = arith.constant dense<0.000000e+00> : vector<512x128xf32>
    %dot_general3A_5 = tpu.matmul %get3A_1, %get3A_4, %dot_general3A {dimension_numbers = #tpu.dot_dimension_numbers<[1], [0], [0], [1], [0, 0, 1, 1], [], []>, transpose_lhs_hint = false} : vector<512x128xf32>, vector<128x128xf32>, vector<512x128xf32> -> vector<512x128xf32>
    %get3A_6 = arith.constant 0 : index
    %get3A_7 = arith.constant 0 : index
    %get3A_8 = vector.load %arg3[%get3A_6, %get3A_7] : memref<512x1xf32, #tpu.memory_space<vmem>>, vector<512x1xf32>
    %mul3A = vector.broadcast %get3A_8 : vector<512x1xf32> to vector<512x128xf32>
    %mul3A_9 = arith.mulf %dot_general3A_5, %mul3A : vector<512x128xf32>
    %swap3A = arith.constant 0 : index
    %swap3A_10 = arith.constant 0 : index
    %swap3A_11 = vector.load %arg5[%swap3A, %swap3A_10] : memref<512x128xf32, #tpu.memory_space<vmem>>, vector<512x128xf32>
    tpu.vector_store %arg5[%swap3A, %swap3A_10], %mul3A_9 {strides = array<i32>} : memref<512x128xf32, #tpu.memory_space<vmem>>, vector<512x128xf32>,
    return
  }
  func.func @transform_0(%arg0: i32) -> (i32, i32) {
    %c0_i32 = arith.constant 0 : i32
    %c0_i32_0 = arith.constant 0 : i32
    return %arg0, %c0_i32 : i32, i32
  }
  func.func @transform_1(%arg0: i32) -> (i32, i32) {
    %c0_i32 = arith.constant 0 : i32
    %c0_i32_0 = arith.constant 0 : i32
    %c0_i32_1 = arith.constant 0 : i32
    return %c0_i32, %c0_i32_0 : i32, i32
  }
  func.func @transform_2(%arg0: i32) -> (i32, i32) {
    %c0_i32 = arith.constant 0 : i32
    %c0_i32_0 = arith.constant 0 : i32
    return %arg0, %c0_i32 : i32, i32
  }
  func.func @transform_3(%arg0: i32) -> (i32, i32) {
    %c0_i32 = arith.constant 0 : i32
    %c0_i32_0 = arith.constant 0 : i32
    %c0_i32_1 = arith.constant 0 : i32
    return %c0_i32, %c0_i32_0 : i32, i32
  }
  func.func @transform_4(%arg0: i32) -> (i32, i32) {
    %c0_i32 = arith.constant 0 : i32
    %c0_i32_0 = arith.constant 0 : i32
    return %arg0, %c0_i32 : i32, i32
  }
}

module attributes {stable_mosaic.version = 14 : i64} {
  func.func @_gcn_kernel(%arg0: i32, %arg1: i32, %arg2: memref<512x512xf32, #tpu.memory_space<vmem>>, %arg3: memref<512x128xf32, #tpu.memory_space<vmem>>, %arg4: memref<512x128xf32, #tpu.memory_space<vmem>>, %arg5: memref<512x1xf32, #tpu.memory_space<vmem>>, %arg6: memref<512x1xf32, #tpu.memory_space<vmem>>, %arg7: memref<1x128xf32, #tpu.memory_space<vmem>>, %arg8: memref<512x128xf32, #tpu.memory_space<vmem>>) attributes {dimension_semantics = [#tpu.dimension_semantics<parallel>, #tpu.dimension_semantics<arbitrary>], iteration_bounds = array<i64: 20, 20>, scalar_prefetch = 0 : i64, scratch_operands = 0 : i64, tpu.core_type = #tpu.core_type<tc>, window_params = [{transform_indices = @transform_0, window_bounds = array<i64: 512, 512>}, {transform_indices = @transform_1, window_bounds = array<i64: 512, 128>}, {transform_indices = @transform_2, window_bounds = array<i64: 512, 128>}, {transform_indices = @transform_3, window_bounds = array<i64: 512, 1>}, {transform_indices = @transform_4, window_bounds = array<i64: 512, 1>}, {pipeline_mode = #tpu.pipeline_mode<synchronous>, transform_indices = @transform_5, window_bounds = array<i64: 1, 128>}, {transform_indices = @transform_6, window_bounds = array<i64: 512, 128>}]} {
    %eq3A = arith.constant 0 : i32
    %eq3A_0 = arith.cmpi eq, %arg1, %eq3A : i32
    %convert_element_type3A = arith.extui %eq3A_0 : i1 to i32
    %cond3A = arith.constant 0 : i32
    %cond3A_1 = arith.cmpi ne, %convert_element_type3A, %cond3A : i32
    scf.if %cond3A_1 {
      %get3A_18 = arith.constant 0 : index
      %get3A_19 = arith.constant 0 : index
      %get3A_20 = vector.load %arg6[%get3A_18, %get3A_19] : memref<512x1xf32, #tpu.memory_space<vmem>>, vector<512x1xf32>
      %get3A_21 = arith.constant 0 : index
      %get3A_22 = arith.constant 0 : index
      %get3A_23 = vector.load %arg4[%get3A_21, %get3A_22] : memref<512x128xf32, #tpu.memory_space<vmem>>, vector<512x128xf32>
      %mul3A = vector.broadcast %get3A_20 : vector<512x1xf32> to vector<512x128xf32>
      %mul3A_24 = arith.mulf %mul3A, %get3A_23 : vector<512x128xf32>
      %swap3A_25 = arith.constant 0 : index
      %swap3A_26 = arith.constant 0 : index
      %swap3A_27 = vector.load %arg8[%swap3A_25, %swap3A_26] : memref<512x128xf32, #tpu.memory_space<vmem>>, vector<512x128xf32>
      tpu.vector_store %arg8[%swap3A_25, %swap3A_26], %mul3A_24 {strides = array<i32>} : memref<512x128xf32, #tpu.memory_space<vmem>>, vector<512x128xf32>,
    } else {
    }
    %get3A = arith.constant 0 : index
    %get3A_2 = arith.constant 0 : index
    %get3A_3 = vector.load %arg8[%get3A, %get3A_2] : memref<512x128xf32, #tpu.memory_space<vmem>>, vector<512x128xf32>
    %get3A_4 = arith.constant 0 : index
    %get3A_5 = arith.constant 0 : index
    %get3A_6 = vector.load %arg2[%get3A_4, %get3A_5] : memref<512x512xf32, #tpu.memory_space<vmem>>, vector<512x512xf32>
    %get3A_7 = arith.constant 0 : index
    %get3A_8 = arith.constant 0 : index
    %get3A_9 = vector.load %arg3[%get3A_7, %get3A_8] : memref<512x128xf32, #tpu.memory_space<vmem>>, vector<512x128xf32>
    %dot_general3A = arith.constant dense<0.000000e+00> : vector<512x128xf32>
    %dot_general3A_10 = tpu.matmul %get3A_6, %get3A_9, %dot_general3A {dimension_numbers = #tpu.dot_dimension_numbers<[1], [0], [0], [1], [0, 0, 1, 1], [], []>, transpose_lhs_hint = false} : vector<512x512xf32>, vector<512x128xf32>, vector<512x128xf32> -> vector<512x128xf32>
    %add3A = arith.addf %get3A_3, %dot_general3A_10 : vector<512x128xf32>
    %swap3A = arith.constant 0 : index
    %swap3A_11 = arith.constant 0 : index
    %swap3A_12 = vector.load %arg8[%swap3A, %swap3A_11] : memref<512x128xf32, #tpu.memory_space<vmem>>, vector<512x128xf32>
    tpu.vector_store %arg8[%swap3A, %swap3A_11], %add3A {strides = array<i32>} : memref<512x128xf32, #tpu.memory_space<vmem>>, vector<512x128xf32>,
    %eq3A_13 = arith.constant 19 : i32
    %eq3A_14 = arith.cmpi eq, %arg1, %eq3A_13 : i32
    %convert_element_type3A_15 = arith.extui %eq3A_14 : i1 to i32
    %cond3A_16 = arith.constant 0 : i32
    %cond3A_17 = arith.cmpi ne, %convert_element_type3A_15, %cond3A_16 : i32
    scf.if %cond3A_17 {
      %get3A_18 = arith.constant 0 : index
      %get3A_19 = arith.constant 0 : index
      %get3A_20 = vector.load %arg5[%get3A_18, %get3A_19] : memref<512x1xf32, #tpu.memory_space<vmem>>, vector<512x1xf32>
      %get3A_21 = arith.constant 0 : index
      %get3A_22 = arith.constant 0 : index
      %get3A_23 = vector.load %arg8[%get3A_21, %get3A_22] : memref<512x128xf32, #tpu.memory_space<vmem>>, vector<512x128xf32>
      %mul3A = vector.broadcast %get3A_20 : vector<512x1xf32> to vector<512x128xf32>
      %mul3A_24 = arith.mulf %mul3A, %get3A_23 : vector<512x128xf32>
      %get3A_25 = arith.constant 0 : index
      %get3A_26 = arith.constant 0 : index
      %get3A_27 = vector.load %arg7[%get3A_25, %get3A_26] : memref<1x128xf32, #tpu.memory_space<vmem>>, vector<1x128xf32>
      %add3A_28 = vector.broadcast %get3A_27 : vector<1x128xf32> to vector<512x128xf32>
      %add3A_29 = arith.addf %mul3A_24, %add3A_28 : vector<512x128xf32>
      %max3A = arith.constant 0.000000e+00 : f32
      %max3A_30 = vector.broadcast %max3A : f32 to vector<512x128xf32>
      %max3A_31 = arith.maximumf %add3A_29, %max3A_30 : vector<512x128xf32>
      %swap3A_32 = arith.constant 0 : index
      %swap3A_33 = arith.constant 0 : index
      %swap3A_34 = vector.load %arg8[%swap3A_32, %swap3A_33] : memref<512x128xf32, #tpu.memory_space<vmem>>, vector<512x128xf32>
      tpu.vector_store %arg8[%swap3A_32, %swap3A_33], %max3A_31 {strides = array<i32>} : memref<512x128xf32, #tpu.memory_space<vmem>>, vector<512x128xf32>,
    } else {
    }
    return
  }
  func.func @transform_0(%arg0: i32, %arg1: i32) -> (i32, i32) {
    %c0_i32 = arith.constant 0 : i32
    return %arg0, %arg1 : i32, i32
  }
  func.func @transform_1(%arg0: i32, %arg1: i32) -> (i32, i32) {
    %c0_i32 = arith.constant 0 : i32
    %c0_i32_0 = arith.constant 0 : i32
    return %arg1, %c0_i32 : i32, i32
  }
  func.func @transform_2(%arg0: i32, %arg1: i32) -> (i32, i32) {
    %c0_i32 = arith.constant 0 : i32
    %c0_i32_0 = arith.constant 0 : i32
    return %arg0, %c0_i32 : i32, i32
  }
  func.func @transform_3(%arg0: i32, %arg1: i32) -> (i32, i32) {
    %c0_i32 = arith.constant 0 : i32
    %c0_i32_0 = arith.constant 0 : i32
    return %arg0, %c0_i32 : i32, i32
  }
  func.func @transform_4(%arg0: i32, %arg1: i32) -> (i32, i32) {
    %c0_i32 = arith.constant 0 : i32
    %c0_i32_0 = arith.constant 0 : i32
    return %arg0, %c0_i32 : i32, i32
  }
  func.func @transform_5(%arg0: i32, %arg1: i32) -> (i32, i32) {
    %c0_i32 = arith.constant 0 : i32
    %c0_i32_0 = arith.constant 0 : i32
    %c0_i32_1 = arith.constant 0 : i32
    return %c0_i32, %c0_i32_0 : i32, i32
  }
  func.func @transform_6(%arg0: i32, %arg1: i32) -> (i32, i32) {
    %c0_i32 = arith.constant 0 : i32
    %c0_i32_0 = arith.constant 0 : i32
    return %arg0, %c0_i32 : i32, i32
  }
}

module attributes {stable_mosaic.version = 14 : i64} {
  func.func @_t_kernel(%arg0: i32, %arg1: i32, %arg2: memref<512x512xf32, #tpu.memory_space<vmem>>, %arg3: memref<512x512xf32, #tpu.memory_space<vmem>>) attributes {dimension_semantics = [#tpu.dimension_semantics<parallel>, #tpu.dimension_semantics<parallel>], iteration_bounds = array<i64: 20, 20>, scalar_prefetch = 0 : i64, scratch_operands = 0 : i64, tpu.core_type = #tpu.core_type<tc>, window_params = [{transform_indices = @transform_0, window_bounds = array<i64: 512, 512>}, {transform_indices = @transform_1, window_bounds = array<i64: 512, 512>}]} {
    %get3A = arith.constant 0 : index
    %get3A_0 = arith.constant 0 : index
    %get3A_1 = vector.load %arg2[%get3A, %get3A_0] : memref<512x512xf32, #tpu.memory_space<vmem>>, vector<512x512xf32>
    %transpose3A = tpu.transpose %get3A_1, [1, 0] : vector<512x512xf32> -> vector<512x512xf32>
    %swap3A = arith.constant 0 : index
    %swap3A_2 = arith.constant 0 : index
    %swap3A_3 = vector.load %arg3[%swap3A, %swap3A_2] : memref<512x512xf32, #tpu.memory_space<vmem>>, vector<512x512xf32>
    tpu.vector_store %arg3[%swap3A, %swap3A_2], %transpose3A {strides = array<i32>} : memref<512x512xf32, #tpu.memory_space<vmem>>, vector<512x512xf32>,
    return
  }
  func.func @transform_0(%arg0: i32, %arg1: i32) -> (i32, i32) {
    %c0_i32 = arith.constant 0 : i32
    return %arg0, %arg1 : i32, i32
  }
  func.func @transform_1(%arg0: i32, %arg1: i32) -> (i32, i32) {
    %c0_i32 = arith.constant 0 : i32
    return %arg1, %arg0 : i32, i32
  }
}

module attributes {stable_mosaic.version = 14 : i64} {
  func.func @_mm_kernel(%arg0: i32, %arg1: i32, %arg2: i32, %arg3: memref<1024x512xf32, #tpu.memory_space<vmem>>, %arg4: memref<1024x512xf32, #tpu.memory_space<vmem>>, %arg5: memref<1024x1024xf32, #tpu.memory_space<vmem>>, %arg6: memref<1024x1024xf32, #tpu.memory_space<vmem>>) attributes {dimension_semantics = [#tpu.dimension_semantics<parallel>, #tpu.dimension_semantics<parallel>, #tpu.dimension_semantics<arbitrary>], iteration_bounds = array<i64: 5, 5, 20>, scalar_prefetch = 0 : i64, scratch_operands = 0 : i64, tpu.core_type = #tpu.core_type<tc>, window_params = [{transform_indices = @transform_0, window_bounds = array<i64: 1024, 512>}, {transform_indices = @transform_1, window_bounds = array<i64: 1024, 512>}, {transform_indices = @transform_2, window_bounds = array<i64: 1024, 1024>}, {transform_indices = @transform_3, window_bounds = array<i64: 1024, 1024>}]} {
    %eq3A = arith.constant 0 : i32
    %eq3A_0 = arith.cmpi eq, %arg2, %eq3A : i32
    %convert_element_type3A = arith.extui %eq3A_0 : i1 to i32
    %cond3A = arith.constant 0 : i32
    %cond3A_1 = arith.cmpi ne, %convert_element_type3A, %cond3A : i32
    scf.if %cond3A_1 {
      %broadcast_in_dim3A = arith.constant 0.000000e+00 : f32
      %broadcast_in_dim3A_20 = vector.broadcast %broadcast_in_dim3A : f32 to vector<1024x1024xf32>
      %swap3A_21 = arith.constant 0 : index
      %swap3A_22 = arith.constant 0 : index
      %swap3A_23 = vector.load %arg5[%swap3A_21, %swap3A_22] : memref<1024x1024xf32, #tpu.memory_space<vmem>>, vector<1024x1024xf32>
      tpu.vector_store %arg5[%swap3A_21, %swap3A_22], %broadcast_in_dim3A_20 {strides = array<i32>} : memref<1024x1024xf32, #tpu.memory_space<vmem>>, vector<1024x1024xf32>,
    } else {
    }
    %get3A = arith.constant 0 : index
    %get3A_2 = arith.constant 0 : index
    %get3A_3 = vector.load %arg3[%get3A, %get3A_2] : memref<1024x512xf32, #tpu.memory_space<vmem>>, vector<1024x512xf32>
    %convert_element_type3A_4 = arith.truncf %get3A_3 : vector<1024x512xf32> to vector<1024x512xbf16>
    %get3A_5 = arith.constant 0 : index
    %get3A_6 = arith.constant 0 : index
    %get3A_7 = vector.load %arg4[%get3A_5, %get3A_6] : memref<1024x512xf32, #tpu.memory_space<vmem>>, vector<1024x512xf32>
    %convert_element_type3A_8 = arith.truncf %get3A_7 : vector<1024x512xf32> to vector<1024x512xbf16>
    %get3A_9 = arith.constant 0 : index
    %get3A_10 = arith.constant 0 : index
    %get3A_11 = vector.load %arg5[%get3A_9, %get3A_10] : memref<1024x1024xf32, #tpu.memory_space<vmem>>, vector<1024x1024xf32>
    %dot_general3A = arith.constant dense<0.000000e+00> : vector<1024x1024xf32>
    %dot_general3A_12 = tpu.matmul %convert_element_type3A_4, %convert_element_type3A_8, %dot_general3A {dimension_numbers = #tpu.dot_dimension_numbers<[1], [1], [0], [0], [0, 0, 1, 0], [], []>, transpose_lhs_hint = false} : vector<1024x512xbf16>, vector<1024x512xbf16>, vector<1024x1024xf32> -> vector<1024x1024xf32>
    %add3A = arith.addf %get3A_11, %dot_general3A_12 : vector<1024x1024xf32>
    %swap3A = arith.constant 0 : index
    %swap3A_13 = arith.constant 0 : index
    %swap3A_14 = vector.load %arg5[%swap3A, %swap3A_13] : memref<1024x1024xf32, #tpu.memory_space<vmem>>, vector<1024x1024xf32>
    tpu.vector_store %arg5[%swap3A, %swap3A_13], %add3A {strides = array<i32>} : memref<1024x1024xf32, #tpu.memory_space<vmem>>, vector<1024x1024xf32>,
    %eq3A_15 = arith.constant 19 : i32
    %eq3A_16 = arith.cmpi eq, %arg2, %eq3A_15 : i32
    %convert_element_type3A_17 = arith.extui %eq3A_16 : i1 to i32
    %cond3A_18 = arith.constant 0 : i32
    %cond3A_19 = arith.cmpi ne, %convert_element_type3A_17, %cond3A_18 : i32
    scf.if %cond3A_19 {
      %mul3A = arith.constant 1024 : i32
      %mul3A_20 = arith.muli %arg0, %mul3A : i32
      %iota3A = tpu.iota {dimensions = array<i32: 0>} : vector<1024x1024xi32>
      %add3A_21 = vector.broadcast %mul3A_20 : i32 to vector<1024x1024xi32>
      %add3A_22 = arith.addi %add3A_21, %iota3A : vector<1024x1024xi32>
      %mul3A_23 = arith.constant 1024 : i32
      %mul3A_24 = arith.muli %arg1, %mul3A_23 : i32
      %iota3A_25 = tpu.iota {dimensions = array<i32: 1>} : vector<1024x1024xi32>
      %add3A_26 = vector.broadcast %mul3A_24 : i32 to vector<1024x1024xi32>
      %add3A_27 = arith.addi %add3A_26, %iota3A_25 : vector<1024x1024xi32>
      %eq3A_28 = arith.cmpi eq, %add3A_22, %add3A_27 : vector<1024x1024xi32>
      %lt3A = arith.constant 5000 : i32
      %lt3A_29 = vector.broadcast %lt3A : i32 to vector<1024x1024xi32>
      %lt3A_30 = arith.cmpi slt, %add3A_22, %lt3A_29 : vector<1024x1024xi32>
      %and3A = arith.andi %eq3A_28, %lt3A_30 : vector<1024x1024xi1>
      %get3A_31 = arith.constant 0 : index
      %get3A_32 = arith.constant 0 : index
      %get3A_33 = vector.load %arg5[%get3A_31, %get3A_32] : memref<1024x1024xf32, #tpu.memory_space<vmem>>, vector<1024x1024xf32>
      %jit3A = arith.constant 1.000000e+00 : f32
      %broadcast_in_dim3A = vector.broadcast %jit3A : f32 to vector<1024x1024xf32>
      %select_n3A = arith.select %and3A, %broadcast_in_dim3A, %get3A_33 : vector<1024x1024xi1>, vector<1024x1024xf32>
      %swap3A_34 = arith.constant 0 : index
      %swap3A_35 = arith.constant 0 : index
      %swap3A_36 = vector.load %arg5[%swap3A_34, %swap3A_35] : memref<1024x1024xf32, #tpu.memory_space<vmem>>, vector<1024x1024xf32>
      tpu.vector_store %arg5[%swap3A_34, %swap3A_35], %select_n3A {strides = array<i32>} : memref<1024x1024xf32, #tpu.memory_space<vmem>>, vector<1024x1024xf32>,
      %transpose3A = tpu.transpose %select_n3A, [1, 0] : vector<1024x1024xf32> -> vector<1024x1024xf32>
      %swap3A_37 = arith.constant 0 : index
      %swap3A_38 = arith.constant 0 : index
      %swap3A_39 = vector.load %arg6[%swap3A_37, %swap3A_38] : memref<1024x1024xf32, #tpu.memory_space<vmem>>, vector<1024x1024xf32>
      tpu.vector_store %arg6[%swap3A_37, %swap3A_38], %transpose3A {strides = array<i32>} : memref<1024x1024xf32, #tpu.memory_space<vmem>>, vector<1024x1024xf32>,
    } else {
    }
    return
  }
  func.func @transform_0(%arg0: i32, %arg1: i32, %arg2: i32) -> (i32, i32) {
    %c0_i32 = arith.constant 0 : i32
    return %arg0, %arg2 : i32, i32
  }
  func.func @transform_1(%arg0: i32, %arg1: i32, %arg2: i32) -> (i32, i32) {
    %c0_i32 = arith.constant 0 : i32
    return %arg1, %arg2 : i32, i32
  }
  func.func @transform_2(%arg0: i32, %arg1: i32, %arg2: i32) -> (i32, i32) {
    %c0_i32 = arith.constant 0 : i32
    return %arg0, %arg1 : i32, i32
  }
  func.func @transform_3(%arg0: i32, %arg1: i32, %arg2: i32) -> (i32, i32) {
    %c0_i32 = arith.constant 0 : i32
    return %arg1, %arg0 : i32, i32
  }
}

module attributes {stable_mosaic.version = 14 : i64} {
  func.func @_rowsum_kernel(%arg0: i32, %arg1: i32, %arg2: memref<512x512xf32, #tpu.memory_space<vmem>>, %arg3: memref<512x1xf32, #tpu.memory_space<vmem>>) attributes {dimension_semantics = [#tpu.dimension_semantics<parallel>, #tpu.dimension_semantics<arbitrary>], iteration_bounds = array<i64: 10, 10>, scalar_prefetch = 0 : i64, scratch_operands = 0 : i64, tpu.core_type = #tpu.core_type<tc>, window_params = [{transform_indices = @transform_0, window_bounds = array<i64: 512, 512>}, {transform_indices = @transform_1, window_bounds = array<i64: 512, 1>}]} {
    %eq3A = arith.constant 0 : i32
    %eq3A_0 = arith.cmpi eq, %arg1, %eq3A : i32
    %convert_element_type3A = arith.extui %eq3A_0 : i1 to i32
    %cond3A = arith.constant 0 : i32
    %cond3A_1 = arith.cmpi ne, %convert_element_type3A, %cond3A : i32
    scf.if %cond3A_1 {
      %broadcast_in_dim3A_10 = arith.constant 0.000000e+00 : f32
      %broadcast_in_dim3A_11 = vector.broadcast %broadcast_in_dim3A_10 : f32 to vector<512x1xf32>
      %swap3A_12 = arith.constant 0 : index
      %swap3A_13 = arith.constant 0 : index
      %swap3A_14 = vector.load %arg3[%swap3A_12, %swap3A_13] : memref<512x1xf32, #tpu.memory_space<vmem>>, vector<512x1xf32>
      tpu.vector_store %arg3[%swap3A_12, %swap3A_13], %broadcast_in_dim3A_11 {strides = array<i32>} : memref<512x1xf32, #tpu.memory_space<vmem>>, vector<512x1xf32>,
    } else {
    }
    %get3A = arith.constant 0 : index
    %get3A_2 = arith.constant 0 : index
    %get3A_3 = vector.load %arg3[%get3A, %get3A_2] : memref<512x1xf32, #tpu.memory_space<vmem>>, vector<512x1xf32>
    %get3A_4 = arith.constant 0 : index
    %get3A_5 = arith.constant 0 : index
    %get3A_6 = vector.load %arg2[%get3A_4, %get3A_5] : memref<512x512xf32, #tpu.memory_space<vmem>>, vector<512x512xf32>
    %reduce_sum3A = arith.constant dense<0.000000e+00> : vector<512xf32>
    %reduce_sum3A_7 = vector.multi_reduction <add>, %get3A_6, %reduce_sum3A [1] : vector<512x512xf32> to vector<512xf32>
    %broadcast_in_dim3A = vector.shape_cast %reduce_sum3A_7 : vector<512xf32> to vector<512x1xf32>
    %add3A = arith.addf %get3A_3, %broadcast_in_dim3A : vector<512x1xf32>
    %swap3A = arith.constant 0 : index
    %swap3A_8 = arith.constant 0 : index
    %swap3A_9 = vector.load %arg3[%swap3A, %swap3A_8] : memref<512x1xf32, #tpu.memory_space<vmem>>, vector<512x1xf32>
    tpu.vector_store %arg3[%swap3A, %swap3A_8], %add3A {strides = array<i32>} : memref<512x1xf32, #tpu.memory_space<vmem>>, vector<512x1xf32>,
    return
  }
  func.func @transform_0(%arg0: i32, %arg1: i32) -> (i32, i32) {
    %c0_i32 = arith.constant 0 : i32
    return %arg0, %arg1 : i32, i32
  }
  func.func @transform_1(%arg0: i32, %arg1: i32) -> (i32, i32) {
    %c0_i32 = arith.constant 0 : i32
    %c0_i32_0 = arith.constant 0 : i32
    return %arg0, %c0_i32 : i32, i32
  }
}

module attributes {stable_mosaic.version = 14 : i64} {
  func.func @_xw_kernel(%arg0: i32, %arg1: memref<512x128xf32, #tpu.memory_space<vmem>>, %arg2: memref<128x128xf32, #tpu.memory_space<vmem>>, %arg3: memref<512x1xf32, #tpu.memory_space<vmem>>, %arg4: memref<1x128xf32, #tpu.memory_space<vmem>>, %arg5: memref<512x128xf32, #tpu.memory_space<vmem>>) attributes {dimension_semantics = [#tpu.dimension_semantics<parallel>], iteration_bounds = array<i64: 10>, scalar_prefetch = 0 : i64, scratch_operands = 0 : i64, tpu.core_type = #tpu.core_type<tc>, window_params = [{transform_indices = @transform_0, window_bounds = array<i64: 512, 128>}, {pipeline_mode = #tpu.pipeline_mode<synchronous>, transform_indices = @transform_1, window_bounds = array<i64: 128, 128>}, {transform_indices = @transform_2, window_bounds = array<i64: 512, 1>}, {pipeline_mode = #tpu.pipeline_mode<synchronous>, transform_indices = @transform_3, window_bounds = array<i64: 1, 128>}, {transform_indices = @transform_4, window_bounds = array<i64: 512, 128>}]} {
    %get3A = arith.constant 0 : index
    %get3A_0 = arith.constant 0 : index
    %get3A_1 = vector.load %arg1[%get3A, %get3A_0] : memref<512x128xf32, #tpu.memory_space<vmem>>, vector<512x128xf32>
    %get3A_2 = arith.constant 0 : index
    %get3A_3 = arith.constant 0 : index
    %get3A_4 = vector.load %arg2[%get3A_2, %get3A_3] : memref<128x128xf32, #tpu.memory_space<vmem>>, vector<128x128xf32>
    %dot_general3A = arith.constant dense<0.000000e+00> : vector<512x128xf32>
    %dot_general3A_5 = tpu.matmul %get3A_1, %get3A_4, %dot_general3A {dimension_numbers = #tpu.dot_dimension_numbers<[1], [0], [0], [1], [0, 0, 1, 1], [], []>, transpose_lhs_hint = false} : vector<512x128xf32>, vector<128x128xf32>, vector<512x128xf32> -> vector<512x128xf32>
    %get3A_6 = arith.constant 0 : index
    %get3A_7 = arith.constant 0 : index
    %get3A_8 = vector.load %arg3[%get3A_6, %get3A_7] : memref<512x1xf32, #tpu.memory_space<vmem>>, vector<512x1xf32>
    %mul3A = vector.broadcast %get3A_8 : vector<512x1xf32> to vector<512x128xf32>
    %mul3A_9 = arith.mulf %dot_general3A_5, %mul3A : vector<512x128xf32>
    %swap3A = arith.constant 0 : index
    %swap3A_10 = arith.constant 0 : index
    %swap3A_11 = vector.load %arg5[%swap3A, %swap3A_10] : memref<512x128xf32, #tpu.memory_space<vmem>>, vector<512x128xf32>
    tpu.vector_store %arg5[%swap3A, %swap3A_10], %mul3A_9 {strides = array<i32>} : memref<512x128xf32, #tpu.memory_space<vmem>>, vector<512x128xf32>,
    return
  }
  func.func @transform_0(%arg0: i32) -> (i32, i32) {
    %c0_i32 = arith.constant 0 : i32
    %c0_i32_0 = arith.constant 0 : i32
    return %arg0, %c0_i32 : i32, i32
  }
  func.func @transform_1(%arg0: i32) -> (i32, i32) {
    %c0_i32 = arith.constant 0 : i32
    %c0_i32_0 = arith.constant 0 : i32
    %c0_i32_1 = arith.constant 0 : i32
    return %c0_i32, %c0_i32_0 : i32, i32
  }
  func.func @transform_2(%arg0: i32) -> (i32, i32) {
    %c0_i32 = arith.constant 0 : i32
    %c0_i32_0 = arith.constant 0 : i32
    return %arg0, %c0_i32 : i32, i32
  }
  func.func @transform_3(%arg0: i32) -> (i32, i32) {
    %c0_i32 = arith.constant 0 : i32
    %c0_i32_0 = arith.constant 0 : i32
    %c0_i32_1 = arith.constant 0 : i32
    return %c0_i32, %c0_i32_0 : i32, i32
  }
  func.func @transform_4(%arg0: i32) -> (i32, i32) {
    %c0_i32 = arith.constant 0 : i32
    %c0_i32_0 = arith.constant 0 : i32
    return %arg0, %c0_i32 : i32, i32
  }
}

module attributes {stable_mosaic.version = 14 : i64} {
  func.func @_gcn_kernel(%arg0: i32, %arg1: i32, %arg2: memref<512x512xf32, #tpu.memory_space<vmem>>, %arg3: memref<512x128xf32, #tpu.memory_space<vmem>>, %arg4: memref<512x128xf32, #tpu.memory_space<vmem>>, %arg5: memref<512x1xf32, #tpu.memory_space<vmem>>, %arg6: memref<512x1xf32, #tpu.memory_space<vmem>>, %arg7: memref<1x128xf32, #tpu.memory_space<vmem>>, %arg8: memref<512x128xf32, #tpu.memory_space<vmem>>) attributes {dimension_semantics = [#tpu.dimension_semantics<parallel>, #tpu.dimension_semantics<arbitrary>], iteration_bounds = array<i64: 10, 10>, scalar_prefetch = 0 : i64, scratch_operands = 0 : i64, tpu.core_type = #tpu.core_type<tc>, window_params = [{transform_indices = @transform_0, window_bounds = array<i64: 512, 512>}, {transform_indices = @transform_1, window_bounds = array<i64: 512, 128>}, {transform_indices = @transform_2, window_bounds = array<i64: 512, 128>}, {transform_indices = @transform_3, window_bounds = array<i64: 512, 1>}, {transform_indices = @transform_4, window_bounds = array<i64: 512, 1>}, {pipeline_mode = #tpu.pipeline_mode<synchronous>, transform_indices = @transform_5, window_bounds = array<i64: 1, 128>}, {transform_indices = @transform_6, window_bounds = array<i64: 512, 128>}]} {
    %eq3A = arith.constant 0 : i32
    %eq3A_0 = arith.cmpi eq, %arg1, %eq3A : i32
    %convert_element_type3A = arith.extui %eq3A_0 : i1 to i32
    %cond3A = arith.constant 0 : i32
    %cond3A_1 = arith.cmpi ne, %convert_element_type3A, %cond3A : i32
    scf.if %cond3A_1 {
      %get3A_18 = arith.constant 0 : index
      %get3A_19 = arith.constant 0 : index
      %get3A_20 = vector.load %arg6[%get3A_18, %get3A_19] : memref<512x1xf32, #tpu.memory_space<vmem>>, vector<512x1xf32>
      %get3A_21 = arith.constant 0 : index
      %get3A_22 = arith.constant 0 : index
      %get3A_23 = vector.load %arg4[%get3A_21, %get3A_22] : memref<512x128xf32, #tpu.memory_space<vmem>>, vector<512x128xf32>
      %mul3A = vector.broadcast %get3A_20 : vector<512x1xf32> to vector<512x128xf32>
      %mul3A_24 = arith.mulf %mul3A, %get3A_23 : vector<512x128xf32>
      %swap3A_25 = arith.constant 0 : index
      %swap3A_26 = arith.constant 0 : index
      %swap3A_27 = vector.load %arg8[%swap3A_25, %swap3A_26] : memref<512x128xf32, #tpu.memory_space<vmem>>, vector<512x128xf32>
      tpu.vector_store %arg8[%swap3A_25, %swap3A_26], %mul3A_24 {strides = array<i32>} : memref<512x128xf32, #tpu.memory_space<vmem>>, vector<512x128xf32>,
    } else {
    }
    %get3A = arith.constant 0 : index
    %get3A_2 = arith.constant 0 : index
    %get3A_3 = vector.load %arg8[%get3A, %get3A_2] : memref<512x128xf32, #tpu.memory_space<vmem>>, vector<512x128xf32>
    %get3A_4 = arith.constant 0 : index
    %get3A_5 = arith.constant 0 : index
    %get3A_6 = vector.load %arg2[%get3A_4, %get3A_5] : memref<512x512xf32, #tpu.memory_space<vmem>>, vector<512x512xf32>
    %get3A_7 = arith.constant 0 : index
    %get3A_8 = arith.constant 0 : index
    %get3A_9 = vector.load %arg3[%get3A_7, %get3A_8] : memref<512x128xf32, #tpu.memory_space<vmem>>, vector<512x128xf32>
    %dot_general3A = arith.constant dense<0.000000e+00> : vector<512x128xf32>
    %dot_general3A_10 = tpu.matmul %get3A_6, %get3A_9, %dot_general3A {dimension_numbers = #tpu.dot_dimension_numbers<[1], [0], [0], [1], [0, 0, 1, 1], [], []>, transpose_lhs_hint = false} : vector<512x512xf32>, vector<512x128xf32>, vector<512x128xf32> -> vector<512x128xf32>
    %add3A = arith.addf %get3A_3, %dot_general3A_10 : vector<512x128xf32>
    %swap3A = arith.constant 0 : index
    %swap3A_11 = arith.constant 0 : index
    %swap3A_12 = vector.load %arg8[%swap3A, %swap3A_11] : memref<512x128xf32, #tpu.memory_space<vmem>>, vector<512x128xf32>
    tpu.vector_store %arg8[%swap3A, %swap3A_11], %add3A {strides = array<i32>} : memref<512x128xf32, #tpu.memory_space<vmem>>, vector<512x128xf32>,
    %eq3A_13 = arith.constant 9 : i32
    %eq3A_14 = arith.cmpi eq, %arg1, %eq3A_13 : i32
    %convert_element_type3A_15 = arith.extui %eq3A_14 : i1 to i32
    %cond3A_16 = arith.constant 0 : i32
    %cond3A_17 = arith.cmpi ne, %convert_element_type3A_15, %cond3A_16 : i32
    scf.if %cond3A_17 {
      %get3A_18 = arith.constant 0 : index
      %get3A_19 = arith.constant 0 : index
      %get3A_20 = vector.load %arg5[%get3A_18, %get3A_19] : memref<512x1xf32, #tpu.memory_space<vmem>>, vector<512x1xf32>
      %get3A_21 = arith.constant 0 : index
      %get3A_22 = arith.constant 0 : index
      %get3A_23 = vector.load %arg8[%get3A_21, %get3A_22] : memref<512x128xf32, #tpu.memory_space<vmem>>, vector<512x128xf32>
      %mul3A = vector.broadcast %get3A_20 : vector<512x1xf32> to vector<512x128xf32>
      %mul3A_24 = arith.mulf %mul3A, %get3A_23 : vector<512x128xf32>
      %get3A_25 = arith.constant 0 : index
      %get3A_26 = arith.constant 0 : index
      %get3A_27 = vector.load %arg7[%get3A_25, %get3A_26] : memref<1x128xf32, #tpu.memory_space<vmem>>, vector<1x128xf32>
      %add3A_28 = vector.broadcast %get3A_27 : vector<1x128xf32> to vector<512x128xf32>
      %add3A_29 = arith.addf %mul3A_24, %add3A_28 : vector<512x128xf32>
      %max3A = arith.constant 0.000000e+00 : f32
      %max3A_30 = vector.broadcast %max3A : f32 to vector<512x128xf32>
      %max3A_31 = arith.maximumf %add3A_29, %max3A_30 : vector<512x128xf32>
      %swap3A_32 = arith.constant 0 : index
      %swap3A_33 = arith.constant 0 : index
      %swap3A_34 = vector.load %arg8[%swap3A_32, %swap3A_33] : memref<512x128xf32, #tpu.memory_space<vmem>>, vector<512x128xf32>
      tpu.vector_store %arg8[%swap3A_32, %swap3A_33], %max3A_31 {strides = array<i32>} : memref<512x128xf32, #tpu.memory_space<vmem>>, vector<512x128xf32>,
    } else {
    }
    return
  }
  func.func @transform_0(%arg0: i32, %arg1: i32) -> (i32, i32) {
    %c0_i32 = arith.constant 0 : i32
    return %arg0, %arg1 : i32, i32
  }
  func.func @transform_1(%arg0: i32, %arg1: i32) -> (i32, i32) {
    %c0_i32 = arith.constant 0 : i32
    %c0_i32_0 = arith.constant 0 : i32
    return %arg1, %c0_i32 : i32, i32
  }
  func.func @transform_2(%arg0: i32, %arg1: i32) -> (i32, i32) {
    %c0_i32 = arith.constant 0 : i32
    %c0_i32_0 = arith.constant 0 : i32
    return %arg0, %c0_i32 : i32, i32
  }
  func.func @transform_3(%arg0: i32, %arg1: i32) -> (i32, i32) {
    %c0_i32 = arith.constant 0 : i32
    %c0_i32_0 = arith.constant 0 : i32
    return %arg0, %c0_i32 : i32, i32
  }
  func.func @transform_4(%arg0: i32, %arg1: i32) -> (i32, i32) {
    %c0_i32 = arith.constant 0 : i32
    %c0_i32_0 = arith.constant 0 : i32
    return %arg0, %c0_i32 : i32, i32
  }
  func.func @transform_5(%arg0: i32, %arg1: i32) -> (i32, i32) {
    %c0_i32 = arith.constant 0 : i32
    %c0_i32_0 = arith.constant 0 : i32
    %c0_i32_1 = arith.constant 0 : i32
    return %c0_i32, %c0_i32_0 : i32, i32
  }
  func.func @transform_6(%arg0: i32, %arg1: i32) -> (i32, i32) {
    %c0_i32 = arith.constant 0 : i32
    %c0_i32_0 = arith.constant 0 : i32
    return %arg0, %c0_i32 : i32, i32
  }
}

module attributes {stable_mosaic.version = 14 : i64} {
  func.func @_mm_kernel(%arg0: i32, %arg1: i32, %arg2: i32, %arg3: memref<512x512xf32, #tpu.memory_space<vmem>>, %arg4: memref<512x512xf32, #tpu.memory_space<vmem>>, %arg5: memref<512x512xf32, #tpu.memory_space<vmem>>) attributes {dimension_semantics = [#tpu.dimension_semantics<parallel>, #tpu.dimension_semantics<parallel>, #tpu.dimension_semantics<arbitrary>], iteration_bounds = array<i64: 5, 5, 10>, scalar_prefetch = 0 : i64, scratch_operands = 0 : i64, tpu.core_type = #tpu.core_type<tc>, window_params = [{transform_indices = @transform_0, window_bounds = array<i64: 512, 512>}, {transform_indices = @transform_1, window_bounds = array<i64: 512, 512>}, {transform_indices = @transform_2, window_bounds = array<i64: 512, 512>}]} {
    %eq3A = arith.constant 0 : i32
    %eq3A_0 = arith.cmpi eq, %arg2, %eq3A : i32
    %convert_element_type3A = arith.extui %eq3A_0 : i1 to i32
    %cond3A = arith.constant 0 : i32
    %cond3A_1 = arith.cmpi ne, %convert_element_type3A, %cond3A : i32
    scf.if %cond3A_1 {
      %broadcast_in_dim3A = arith.constant 0.000000e+00 : f32
      %broadcast_in_dim3A_20 = vector.broadcast %broadcast_in_dim3A : f32 to vector<512x512xf32>
      %swap3A_21 = arith.constant 0 : index
      %swap3A_22 = arith.constant 0 : index
      %swap3A_23 = vector.load %arg5[%swap3A_21, %swap3A_22] : memref<512x512xf32, #tpu.memory_space<vmem>>, vector<512x512xf32>
      tpu.vector_store %arg5[%swap3A_21, %swap3A_22], %broadcast_in_dim3A_20 {strides = array<i32>} : memref<512x512xf32, #tpu.memory_space<vmem>>, vector<512x512xf32>,
    } else {
    }
    %get3A = arith.constant 0 : index
    %get3A_2 = arith.constant 0 : index
    %get3A_3 = vector.load %arg3[%get3A, %get3A_2] : memref<512x512xf32, #tpu.memory_space<vmem>>, vector<512x512xf32>
    %convert_element_type3A_4 = arith.truncf %get3A_3 : vector<512x512xf32> to vector<512x512xbf16>
    %get3A_5 = arith.constant 0 : index
    %get3A_6 = arith.constant 0 : index
    %get3A_7 = vector.load %arg4[%get3A_5, %get3A_6] : memref<512x512xf32, #tpu.memory_space<vmem>>, vector<512x512xf32>
    %convert_element_type3A_8 = arith.truncf %get3A_7 : vector<512x512xf32> to vector<512x512xbf16>
    %get3A_9 = arith.constant 0 : index
    %get3A_10 = arith.constant 0 : index
    %get3A_11 = vector.load %arg5[%get3A_9, %get3A_10] : memref<512x512xf32, #tpu.memory_space<vmem>>, vector<512x512xf32>
    %dot_general3A = arith.constant dense<0.000000e+00> : vector<512x512xf32>
    %dot_general3A_12 = tpu.matmul %convert_element_type3A_4, %convert_element_type3A_8, %dot_general3A {dimension_numbers = #tpu.dot_dimension_numbers<[1], [1], [0], [0], [0, 0, 1, 0], [], []>, transpose_lhs_hint = false} : vector<512x512xbf16>, vector<512x512xbf16>, vector<512x512xf32> -> vector<512x512xf32>
    %add3A = arith.addf %get3A_11, %dot_general3A_12 : vector<512x512xf32>
    %swap3A = arith.constant 0 : index
    %swap3A_13 = arith.constant 0 : index
    %swap3A_14 = vector.load %arg5[%swap3A, %swap3A_13] : memref<512x512xf32, #tpu.memory_space<vmem>>, vector<512x512xf32>
    tpu.vector_store %arg5[%swap3A, %swap3A_13], %add3A {strides = array<i32>} : memref<512x512xf32, #tpu.memory_space<vmem>>, vector<512x512xf32>,
    %eq3A_15 = arith.constant 9 : i32
    %eq3A_16 = arith.cmpi eq, %arg2, %eq3A_15 : i32
    %convert_element_type3A_17 = arith.extui %eq3A_16 : i1 to i32
    %cond3A_18 = arith.constant 0 : i32
    %cond3A_19 = arith.cmpi ne, %convert_element_type3A_17, %cond3A_18 : i32
    scf.if %cond3A_19 {
      %mul3A = arith.constant 512 : i32
      %mul3A_20 = arith.muli %arg0, %mul3A : i32
      %iota3A = tpu.iota {dimensions = array<i32: 0>} : vector<512x512xi32>
      %add3A_21 = vector.broadcast %mul3A_20 : i32 to vector<512x512xi32>
      %add3A_22 = arith.addi %add3A_21, %iota3A : vector<512x512xi32>
      %mul3A_23 = arith.constant 512 : i32
      %mul3A_24 = arith.muli %arg1, %mul3A_23 : i32
      %iota3A_25 = tpu.iota {dimensions = array<i32: 1>} : vector<512x512xi32>
      %add3A_26 = vector.broadcast %mul3A_24 : i32 to vector<512x512xi32>
      %add3A_27 = arith.addi %add3A_26, %iota3A_25 : vector<512x512xi32>
      %eq3A_28 = arith.cmpi eq, %add3A_22, %add3A_27 : vector<512x512xi32>
      %lt3A = arith.constant 2500 : i32
      %lt3A_29 = vector.broadcast %lt3A : i32 to vector<512x512xi32>
      %lt3A_30 = arith.cmpi slt, %add3A_22, %lt3A_29 : vector<512x512xi32>
      %and3A = arith.andi %eq3A_28, %lt3A_30 : vector<512x512xi1>
      %get3A_31 = arith.constant 0 : index
      %get3A_32 = arith.constant 0 : index
      %get3A_33 = vector.load %arg5[%get3A_31, %get3A_32] : memref<512x512xf32, #tpu.memory_space<vmem>>, vector<512x512xf32>
      %jit3A = arith.constant 1.000000e+00 : f32
      %broadcast_in_dim3A = vector.broadcast %jit3A : f32 to vector<512x512xf32>
      %select_n3A = arith.select %and3A, %broadcast_in_dim3A, %get3A_33 : vector<512x512xi1>, vector<512x512xf32>
      %swap3A_34 = arith.constant 0 : index
      %swap3A_35 = arith.constant 0 : index
      %swap3A_36 = vector.load %arg5[%swap3A_34, %swap3A_35] : memref<512x512xf32, #tpu.memory_space<vmem>>, vector<512x512xf32>
      tpu.vector_store %arg5[%swap3A_34, %swap3A_35], %select_n3A {strides = array<i32>} : memref<512x512xf32, #tpu.memory_space<vmem>>, vector<512x512xf32>,
    } else {
    }
    return
  }
  func.func @transform_0(%arg0: i32, %arg1: i32, %arg2: i32) -> (i32, i32) {
    %c0_i32 = arith.constant 0 : i32
    return %arg0, %arg2 : i32, i32
  }
  func.func @transform_1(%arg0: i32, %arg1: i32, %arg2: i32) -> (i32, i32) {
    %c0_i32 = arith.constant 0 : i32
    return %arg1, %arg2 : i32, i32
  }
  func.func @transform_2(%arg0: i32, %arg1: i32, %arg2: i32) -> (i32, i32) {
    %c0_i32 = arith.constant 0 : i32
    return %arg0, %arg1 : i32, i32
  }
}

module attributes {stable_mosaic.version = 14 : i64} {
  func.func @_rowsum_kernel(%arg0: i32, %arg1: i32, %arg2: memref<512x512xf32, #tpu.memory_space<vmem>>, %arg3: memref<512x1xf32, #tpu.memory_space<vmem>>) attributes {dimension_semantics = [#tpu.dimension_semantics<parallel>, #tpu.dimension_semantics<arbitrary>], iteration_bounds = array<i64: 5, 5>, scalar_prefetch = 0 : i64, scratch_operands = 0 : i64, tpu.core_type = #tpu.core_type<tc>, window_params = [{transform_indices = @transform_0, window_bounds = array<i64: 512, 512>}, {transform_indices = @transform_1, window_bounds = array<i64: 512, 1>}]} {
    %eq3A = arith.constant 0 : i32
    %eq3A_0 = arith.cmpi eq, %arg1, %eq3A : i32
    %convert_element_type3A = arith.extui %eq3A_0 : i1 to i32
    %cond3A = arith.constant 0 : i32
    %cond3A_1 = arith.cmpi ne, %convert_element_type3A, %cond3A : i32
    scf.if %cond3A_1 {
      %broadcast_in_dim3A_10 = arith.constant 0.000000e+00 : f32
      %broadcast_in_dim3A_11 = vector.broadcast %broadcast_in_dim3A_10 : f32 to vector<512x1xf32>
      %swap3A_12 = arith.constant 0 : index
      %swap3A_13 = arith.constant 0 : index
      %swap3A_14 = vector.load %arg3[%swap3A_12, %swap3A_13] : memref<512x1xf32, #tpu.memory_space<vmem>>, vector<512x1xf32>
      tpu.vector_store %arg3[%swap3A_12, %swap3A_13], %broadcast_in_dim3A_11 {strides = array<i32>} : memref<512x1xf32, #tpu.memory_space<vmem>>, vector<512x1xf32>,
    } else {
    }
    %get3A = arith.constant 0 : index
    %get3A_2 = arith.constant 0 : index
    %get3A_3 = vector.load %arg3[%get3A, %get3A_2] : memref<512x1xf32, #tpu.memory_space<vmem>>, vector<512x1xf32>
    %get3A_4 = arith.constant 0 : index
    %get3A_5 = arith.constant 0 : index
    %get3A_6 = vector.load %arg2[%get3A_4, %get3A_5] : memref<512x512xf32, #tpu.memory_space<vmem>>, vector<512x512xf32>
    %reduce_sum3A = arith.constant dense<0.000000e+00> : vector<512xf32>
    %reduce_sum3A_7 = vector.multi_reduction <add>, %get3A_6, %reduce_sum3A [1] : vector<512x512xf32> to vector<512xf32>
    %broadcast_in_dim3A = vector.shape_cast %reduce_sum3A_7 : vector<512xf32> to vector<512x1xf32>
    %add3A = arith.addf %get3A_3, %broadcast_in_dim3A : vector<512x1xf32>
    %swap3A = arith.constant 0 : index
    %swap3A_8 = arith.constant 0 : index
    %swap3A_9 = vector.load %arg3[%swap3A, %swap3A_8] : memref<512x1xf32, #tpu.memory_space<vmem>>, vector<512x1xf32>
    tpu.vector_store %arg3[%swap3A, %swap3A_8], %add3A {strides = array<i32>} : memref<512x1xf32, #tpu.memory_space<vmem>>, vector<512x1xf32>,
    return
  }
  func.func @transform_0(%arg0: i32, %arg1: i32) -> (i32, i32) {
    %c0_i32 = arith.constant 0 : i32
    return %arg0, %arg1 : i32, i32
  }
  func.func @transform_1(%arg0: i32, %arg1: i32) -> (i32, i32) {
    %c0_i32 = arith.constant 0 : i32
    %c0_i32_0 = arith.constant 0 : i32
    return %arg0, %c0_i32 : i32, i32
  }
}

module attributes {stable_mosaic.version = 14 : i64} {
  func.func @_xw_kernel(%arg0: i32, %arg1: memref<512x128xf32, #tpu.memory_space<vmem>>, %arg2: memref<128x128xf32, #tpu.memory_space<vmem>>, %arg3: memref<512x1xf32, #tpu.memory_space<vmem>>, %arg4: memref<1x128xf32, #tpu.memory_space<vmem>>, %arg5: memref<512x128xf32, #tpu.memory_space<vmem>>) attributes {dimension_semantics = [#tpu.dimension_semantics<parallel>], iteration_bounds = array<i64: 5>, scalar_prefetch = 0 : i64, scratch_operands = 0 : i64, tpu.core_type = #tpu.core_type<tc>, window_params = [{transform_indices = @transform_0, window_bounds = array<i64: 512, 128>}, {pipeline_mode = #tpu.pipeline_mode<synchronous>, transform_indices = @transform_1, window_bounds = array<i64: 128, 128>}, {transform_indices = @transform_2, window_bounds = array<i64: 512, 1>}, {pipeline_mode = #tpu.pipeline_mode<synchronous>, transform_indices = @transform_3, window_bounds = array<i64: 1, 128>}, {transform_indices = @transform_4, window_bounds = array<i64: 512, 128>}]} {
    %get3A = arith.constant 0 : index
    %get3A_0 = arith.constant 0 : index
    %get3A_1 = vector.load %arg1[%get3A, %get3A_0] : memref<512x128xf32, #tpu.memory_space<vmem>>, vector<512x128xf32>
    %get3A_2 = arith.constant 0 : index
    %get3A_3 = arith.constant 0 : index
    %get3A_4 = vector.load %arg2[%get3A_2, %get3A_3] : memref<128x128xf32, #tpu.memory_space<vmem>>, vector<128x128xf32>
    %dot_general3A = arith.constant dense<0.000000e+00> : vector<512x128xf32>
    %dot_general3A_5 = tpu.matmul %get3A_1, %get3A_4, %dot_general3A {dimension_numbers = #tpu.dot_dimension_numbers<[1], [0], [0], [1], [0, 0, 1, 1], [], []>, transpose_lhs_hint = false} : vector<512x128xf32>, vector<128x128xf32>, vector<512x128xf32> -> vector<512x128xf32>
    %get3A_6 = arith.constant 0 : index
    %get3A_7 = arith.constant 0 : index
    %get3A_8 = vector.load %arg3[%get3A_6, %get3A_7] : memref<512x1xf32, #tpu.memory_space<vmem>>, vector<512x1xf32>
    %mul3A = vector.broadcast %get3A_8 : vector<512x1xf32> to vector<512x128xf32>
    %mul3A_9 = arith.mulf %dot_general3A_5, %mul3A : vector<512x128xf32>
    %swap3A = arith.constant 0 : index
    %swap3A_10 = arith.constant 0 : index
    %swap3A_11 = vector.load %arg5[%swap3A, %swap3A_10] : memref<512x128xf32, #tpu.memory_space<vmem>>, vector<512x128xf32>
    tpu.vector_store %arg5[%swap3A, %swap3A_10], %mul3A_9 {strides = array<i32>} : memref<512x128xf32, #tpu.memory_space<vmem>>, vector<512x128xf32>,
    return
  }
  func.func @transform_0(%arg0: i32) -> (i32, i32) {
    %c0_i32 = arith.constant 0 : i32
    %c0_i32_0 = arith.constant 0 : i32
    return %arg0, %c0_i32 : i32, i32
  }
  func.func @transform_1(%arg0: i32) -> (i32, i32) {
    %c0_i32 = arith.constant 0 : i32
    %c0_i32_0 = arith.constant 0 : i32
    %c0_i32_1 = arith.constant 0 : i32
    return %c0_i32, %c0_i32_0 : i32, i32
  }
  func.func @transform_2(%arg0: i32) -> (i32, i32) {
    %c0_i32 = arith.constant 0 : i32
    %c0_i32_0 = arith.constant 0 : i32
    return %arg0, %c0_i32 : i32, i32
  }
  func.func @transform_3(%arg0: i32) -> (i32, i32) {
    %c0_i32 = arith.constant 0 : i32
    %c0_i32_0 = arith.constant 0 : i32
    %c0_i32_1 = arith.constant 0 : i32
    return %c0_i32, %c0_i32_0 : i32, i32
  }
  func.func @transform_4(%arg0: i32) -> (i32, i32) {
    %c0_i32 = arith.constant 0 : i32
    %c0_i32_0 = arith.constant 0 : i32
    return %arg0, %c0_i32 : i32, i32
  }
}

module attributes {stable_mosaic.version = 14 : i64} {
  func.func @_gcn_kernel(%arg0: i32, %arg1: i32, %arg2: memref<512x512xf32, #tpu.memory_space<vmem>>, %arg3: memref<512x128xf32, #tpu.memory_space<vmem>>, %arg4: memref<512x128xf32, #tpu.memory_space<vmem>>, %arg5: memref<512x1xf32, #tpu.memory_space<vmem>>, %arg6: memref<512x1xf32, #tpu.memory_space<vmem>>, %arg7: memref<1x128xf32, #tpu.memory_space<vmem>>, %arg8: memref<512x128xf32, #tpu.memory_space<vmem>>) attributes {dimension_semantics = [#tpu.dimension_semantics<parallel>, #tpu.dimension_semantics<arbitrary>], iteration_bounds = array<i64: 5, 5>, scalar_prefetch = 0 : i64, scratch_operands = 0 : i64, tpu.core_type = #tpu.core_type<tc>, window_params = [{transform_indices = @transform_0, window_bounds = array<i64: 512, 512>}, {transform_indices = @transform_1, window_bounds = array<i64: 512, 128>}, {transform_indices = @transform_2, window_bounds = array<i64: 512, 128>}, {transform_indices = @transform_3, window_bounds = array<i64: 512, 1>}, {transform_indices = @transform_4, window_bounds = array<i64: 512, 1>}, {pipeline_mode = #tpu.pipeline_mode<synchronous>, transform_indices = @transform_5, window_bounds = array<i64: 1, 128>}, {transform_indices = @transform_6, window_bounds = array<i64: 512, 128>}]} {
    %eq3A = arith.constant 0 : i32
    %eq3A_0 = arith.cmpi eq, %arg1, %eq3A : i32
    %convert_element_type3A = arith.extui %eq3A_0 : i1 to i32
    %cond3A = arith.constant 0 : i32
    %cond3A_1 = arith.cmpi ne, %convert_element_type3A, %cond3A : i32
    scf.if %cond3A_1 {
      %get3A_18 = arith.constant 0 : index
      %get3A_19 = arith.constant 0 : index
      %get3A_20 = vector.load %arg6[%get3A_18, %get3A_19] : memref<512x1xf32, #tpu.memory_space<vmem>>, vector<512x1xf32>
      %get3A_21 = arith.constant 0 : index
      %get3A_22 = arith.constant 0 : index
      %get3A_23 = vector.load %arg4[%get3A_21, %get3A_22] : memref<512x128xf32, #tpu.memory_space<vmem>>, vector<512x128xf32>
      %mul3A = vector.broadcast %get3A_20 : vector<512x1xf32> to vector<512x128xf32>
      %mul3A_24 = arith.mulf %mul3A, %get3A_23 : vector<512x128xf32>
      %swap3A_25 = arith.constant 0 : index
      %swap3A_26 = arith.constant 0 : index
      %swap3A_27 = vector.load %arg8[%swap3A_25, %swap3A_26] : memref<512x128xf32, #tpu.memory_space<vmem>>, vector<512x128xf32>
      tpu.vector_store %arg8[%swap3A_25, %swap3A_26], %mul3A_24 {strides = array<i32>} : memref<512x128xf32, #tpu.memory_space<vmem>>, vector<512x128xf32>,
    } else {
    }
    %get3A = arith.constant 0 : index
    %get3A_2 = arith.constant 0 : index
    %get3A_3 = vector.load %arg8[%get3A, %get3A_2] : memref<512x128xf32, #tpu.memory_space<vmem>>, vector<512x128xf32>
    %get3A_4 = arith.constant 0 : index
    %get3A_5 = arith.constant 0 : index
    %get3A_6 = vector.load %arg2[%get3A_4, %get3A_5] : memref<512x512xf32, #tpu.memory_space<vmem>>, vector<512x512xf32>
    %get3A_7 = arith.constant 0 : index
    %get3A_8 = arith.constant 0 : index
    %get3A_9 = vector.load %arg3[%get3A_7, %get3A_8] : memref<512x128xf32, #tpu.memory_space<vmem>>, vector<512x128xf32>
    %dot_general3A = arith.constant dense<0.000000e+00> : vector<512x128xf32>
    %dot_general3A_10 = tpu.matmul %get3A_6, %get3A_9, %dot_general3A {dimension_numbers = #tpu.dot_dimension_numbers<[1], [0], [0], [1], [0, 0, 1, 1], [], []>, transpose_lhs_hint = false} : vector<512x512xf32>, vector<512x128xf32>, vector<512x128xf32> -> vector<512x128xf32>
    %add3A = arith.addf %get3A_3, %dot_general3A_10 : vector<512x128xf32>
    %swap3A = arith.constant 0 : index
    %swap3A_11 = arith.constant 0 : index
    %swap3A_12 = vector.load %arg8[%swap3A, %swap3A_11] : memref<512x128xf32, #tpu.memory_space<vmem>>, vector<512x128xf32>
    tpu.vector_store %arg8[%swap3A, %swap3A_11], %add3A {strides = array<i32>} : memref<512x128xf32, #tpu.memory_space<vmem>>, vector<512x128xf32>,
    %eq3A_13 = arith.constant 4 : i32
    %eq3A_14 = arith.cmpi eq, %arg1, %eq3A_13 : i32
    %convert_element_type3A_15 = arith.extui %eq3A_14 : i1 to i32
    %cond3A_16 = arith.constant 0 : i32
    %cond3A_17 = arith.cmpi ne, %convert_element_type3A_15, %cond3A_16 : i32
    scf.if %cond3A_17 {
      %get3A_18 = arith.constant 0 : index
      %get3A_19 = arith.constant 0 : index
      %get3A_20 = vector.load %arg5[%get3A_18, %get3A_19] : memref<512x1xf32, #tpu.memory_space<vmem>>, vector<512x1xf32>
      %get3A_21 = arith.constant 0 : index
      %get3A_22 = arith.constant 0 : index
      %get3A_23 = vector.load %arg8[%get3A_21, %get3A_22] : memref<512x128xf32, #tpu.memory_space<vmem>>, vector<512x128xf32>
      %mul3A = vector.broadcast %get3A_20 : vector<512x1xf32> to vector<512x128xf32>
      %mul3A_24 = arith.mulf %mul3A, %get3A_23 : vector<512x128xf32>
      %get3A_25 = arith.constant 0 : index
      %get3A_26 = arith.constant 0 : index
      %get3A_27 = vector.load %arg7[%get3A_25, %get3A_26] : memref<1x128xf32, #tpu.memory_space<vmem>>, vector<1x128xf32>
      %add3A_28 = vector.broadcast %get3A_27 : vector<1x128xf32> to vector<512x128xf32>
      %add3A_29 = arith.addf %mul3A_24, %add3A_28 : vector<512x128xf32>
      %max3A = arith.constant 0.000000e+00 : f32
      %max3A_30 = vector.broadcast %max3A : f32 to vector<512x128xf32>
      %max3A_31 = arith.maximumf %add3A_29, %max3A_30 : vector<512x128xf32>
      %swap3A_32 = arith.constant 0 : index
      %swap3A_33 = arith.constant 0 : index
      %swap3A_34 = vector.load %arg8[%swap3A_32, %swap3A_33] : memref<512x128xf32, #tpu.memory_space<vmem>>, vector<512x128xf32>
      tpu.vector_store %arg8[%swap3A_32, %swap3A_33], %max3A_31 {strides = array<i32>} : memref<512x128xf32, #tpu.memory_space<vmem>>, vector<512x128xf32>,
    } else {
    }
    return
  }
  func.func @transform_0(%arg0: i32, %arg1: i32) -> (i32, i32) {
    %c0_i32 = arith.constant 0 : i32
    return %arg0, %arg1 : i32, i32
  }
  func.func @transform_1(%arg0: i32, %arg1: i32) -> (i32, i32) {
    %c0_i32 = arith.constant 0 : i32
    %c0_i32_0 = arith.constant 0 : i32
    return %arg1, %c0_i32 : i32, i32
  }
  func.func @transform_2(%arg0: i32, %arg1: i32) -> (i32, i32) {
    %c0_i32 = arith.constant 0 : i32
    %c0_i32_0 = arith.constant 0 : i32
    return %arg0, %c0_i32 : i32, i32
  }
  func.func @transform_3(%arg0: i32, %arg1: i32) -> (i32, i32) {
    %c0_i32 = arith.constant 0 : i32
    %c0_i32_0 = arith.constant 0 : i32
    return %arg0, %c0_i32 : i32, i32
  }
  func.func @transform_4(%arg0: i32, %arg1: i32) -> (i32, i32) {
    %c0_i32 = arith.constant 0 : i32
    %c0_i32_0 = arith.constant 0 : i32
    return %arg0, %c0_i32 : i32, i32
  }
  func.func @transform_5(%arg0: i32, %arg1: i32) -> (i32, i32) {
    %c0_i32 = arith.constant 0 : i32
    %c0_i32_0 = arith.constant 0 : i32
    %c0_i32_1 = arith.constant 0 : i32
    return %c0_i32, %c0_i32_0 : i32, i32
  }
  func.func @transform_6(%arg0: i32, %arg1: i32) -> (i32, i32) {
    %c0_i32 = arith.constant 0 : i32
    %c0_i32_0 = arith.constant 0 : i32
    return %arg0, %c0_i32 : i32, i32
  }
}

module attributes {stable_mosaic.version = 14 : i64} {
  func.func @_xw_kernel(%arg0: i32, %arg1: memref<512x256xf32, #tpu.memory_space<vmem>>, %arg2: memref<256x128xf32, #tpu.memory_space<vmem>>, %arg3: memref<512x1xf32, #tpu.memory_space<vmem>>, %arg4: memref<1x128xf32, #tpu.memory_space<vmem>>, %arg5: memref<512x128xf32, #tpu.memory_space<vmem>>) attributes {dimension_semantics = [#tpu.dimension_semantics<parallel>], iteration_bounds = array<i64: 10>, scalar_prefetch = 0 : i64, scratch_operands = 0 : i64, tpu.core_type = #tpu.core_type<tc>, window_params = [{transform_indices = @transform_0, window_bounds = array<i64: 512, 256>}, {pipeline_mode = #tpu.pipeline_mode<synchronous>, transform_indices = @transform_1, window_bounds = array<i64: 256, 128>}, {transform_indices = @transform_2, window_bounds = array<i64: 512, 1>}, {pipeline_mode = #tpu.pipeline_mode<synchronous>, transform_indices = @transform_3, window_bounds = array<i64: 1, 128>}, {transform_indices = @transform_4, window_bounds = array<i64: 512, 128>}]} {
    %get3A = arith.constant 0 : index
    %get3A_0 = arith.constant 0 : index
    %get3A_1 = vector.load %arg1[%get3A, %get3A_0] : memref<512x256xf32, #tpu.memory_space<vmem>>, vector<512x256xf32>
    %get3A_2 = arith.constant 0 : index
    %get3A_3 = arith.constant 0 : index
    %get3A_4 = vector.load %arg2[%get3A_2, %get3A_3] : memref<256x128xf32, #tpu.memory_space<vmem>>, vector<256x128xf32>
    %dot_general3A = arith.constant dense<0.000000e+00> : vector<512x128xf32>
    %dot_general3A_5 = tpu.matmul %get3A_1, %get3A_4, %dot_general3A {dimension_numbers = #tpu.dot_dimension_numbers<[1], [0], [0], [1], [0, 0, 1, 1], [], []>, transpose_lhs_hint = false} : vector<512x256xf32>, vector<256x128xf32>, vector<512x128xf32> -> vector<512x128xf32>
    %get3A_6 = arith.constant 0 : index
    %get3A_7 = arith.constant 0 : index
    %get3A_8 = vector.load %arg3[%get3A_6, %get3A_7] : memref<512x1xf32, #tpu.memory_space<vmem>>, vector<512x1xf32>
    %mul3A = vector.broadcast %get3A_8 : vector<512x1xf32> to vector<512x128xf32>
    %mul3A_9 = arith.mulf %dot_general3A_5, %mul3A : vector<512x128xf32>
    %swap3A = arith.constant 0 : index
    %swap3A_10 = arith.constant 0 : index
    %swap3A_11 = vector.load %arg5[%swap3A, %swap3A_10] : memref<512x128xf32, #tpu.memory_space<vmem>>, vector<512x128xf32>
    tpu.vector_store %arg5[%swap3A, %swap3A_10], %mul3A_9 {strides = array<i32>} : memref<512x128xf32, #tpu.memory_space<vmem>>, vector<512x128xf32>,
    return
  }
  func.func @transform_0(%arg0: i32) -> (i32, i32) {
    %c0_i32 = arith.constant 0 : i32
    %c0_i32_0 = arith.constant 0 : i32
    return %arg0, %c0_i32 : i32, i32
  }
  func.func @transform_1(%arg0: i32) -> (i32, i32) {
    %c0_i32 = arith.constant 0 : i32
    %c0_i32_0 = arith.constant 0 : i32
    %c0_i32_1 = arith.constant 0 : i32
    return %c0_i32, %c0_i32_0 : i32, i32
  }
  func.func @transform_2(%arg0: i32) -> (i32, i32) {
    %c0_i32 = arith.constant 0 : i32
    %c0_i32_0 = arith.constant 0 : i32
    return %arg0, %c0_i32 : i32, i32
  }
  func.func @transform_3(%arg0: i32) -> (i32, i32) {
    %c0_i32 = arith.constant 0 : i32
    %c0_i32_0 = arith.constant 0 : i32
    %c0_i32_1 = arith.constant 0 : i32
    return %c0_i32, %c0_i32_0 : i32, i32
  }
  func.func @transform_4(%arg0: i32) -> (i32, i32) {
    %c0_i32 = arith.constant 0 : i32
    %c0_i32_0 = arith.constant 0 : i32
    return %arg0, %c0_i32 : i32, i32
  }
}

module attributes {stable_mosaic.version = 14 : i64} {
  func.func @_xw_kernel(%arg0: i32, %arg1: memref<512x256xf32, #tpu.memory_space<vmem>>, %arg2: memref<256x128xf32, #tpu.memory_space<vmem>>, %arg3: memref<512x1xf32, #tpu.memory_space<vmem>>, %arg4: memref<1x128xf32, #tpu.memory_space<vmem>>, %arg5: memref<512x128xf32, #tpu.memory_space<vmem>>) attributes {dimension_semantics = [#tpu.dimension_semantics<parallel>], iteration_bounds = array<i64: 20>, scalar_prefetch = 0 : i64, scratch_operands = 0 : i64, tpu.core_type = #tpu.core_type<tc>, window_params = [{transform_indices = @transform_0, window_bounds = array<i64: 512, 256>}, {pipeline_mode = #tpu.pipeline_mode<synchronous>, transform_indices = @transform_1, window_bounds = array<i64: 256, 128>}, {transform_indices = @transform_2, window_bounds = array<i64: 512, 1>}, {pipeline_mode = #tpu.pipeline_mode<synchronous>, transform_indices = @transform_3, window_bounds = array<i64: 1, 128>}, {transform_indices = @transform_4, window_bounds = array<i64: 512, 128>}]} {
    %get3A = arith.constant 0 : index
    %get3A_0 = arith.constant 0 : index
    %get3A_1 = vector.load %arg1[%get3A, %get3A_0] : memref<512x256xf32, #tpu.memory_space<vmem>>, vector<512x256xf32>
    %get3A_2 = arith.constant 0 : index
    %get3A_3 = arith.constant 0 : index
    %get3A_4 = vector.load %arg2[%get3A_2, %get3A_3] : memref<256x128xf32, #tpu.memory_space<vmem>>, vector<256x128xf32>
    %dot_general3A = arith.constant dense<0.000000e+00> : vector<512x128xf32>
    %dot_general3A_5 = tpu.matmul %get3A_1, %get3A_4, %dot_general3A {dimension_numbers = #tpu.dot_dimension_numbers<[1], [0], [0], [1], [0, 0, 1, 1], [], []>, transpose_lhs_hint = false} : vector<512x256xf32>, vector<256x128xf32>, vector<512x128xf32> -> vector<512x128xf32>
    %get3A_6 = arith.constant 0 : index
    %get3A_7 = arith.constant 0 : index
    %get3A_8 = vector.load %arg3[%get3A_6, %get3A_7] : memref<512x1xf32, #tpu.memory_space<vmem>>, vector<512x1xf32>
    %mul3A = vector.broadcast %get3A_8 : vector<512x1xf32> to vector<512x128xf32>
    %mul3A_9 = arith.mulf %dot_general3A_5, %mul3A : vector<512x128xf32>
    %swap3A = arith.constant 0 : index
    %swap3A_10 = arith.constant 0 : index
    %swap3A_11 = vector.load %arg5[%swap3A, %swap3A_10] : memref<512x128xf32, #tpu.memory_space<vmem>>, vector<512x128xf32>
    tpu.vector_store %arg5[%swap3A, %swap3A_10], %mul3A_9 {strides = array<i32>} : memref<512x128xf32, #tpu.memory_space<vmem>>, vector<512x128xf32>,
    return
  }
  func.func @transform_0(%arg0: i32) -> (i32, i32) {
    %c0_i32 = arith.constant 0 : i32
    %c0_i32_0 = arith.constant 0 : i32
    return %arg0, %c0_i32 : i32, i32
  }
  func.func @transform_1(%arg0: i32) -> (i32, i32) {
    %c0_i32 = arith.constant 0 : i32
    %c0_i32_0 = arith.constant 0 : i32
    %c0_i32_1 = arith.constant 0 : i32
    return %c0_i32, %c0_i32_0 : i32, i32
  }
  func.func @transform_2(%arg0: i32) -> (i32, i32) {
    %c0_i32 = arith.constant 0 : i32
    %c0_i32_0 = arith.constant 0 : i32
    return %arg0, %c0_i32 : i32, i32
  }
  func.func @transform_3(%arg0: i32) -> (i32, i32) {
    %c0_i32 = arith.constant 0 : i32
    %c0_i32_0 = arith.constant 0 : i32
    %c0_i32_1 = arith.constant 0 : i32
    return %c0_i32, %c0_i32_0 : i32, i32
  }
  func.func @transform_4(%arg0: i32) -> (i32, i32) {
    %c0_i32 = arith.constant 0 : i32
    %c0_i32_0 = arith.constant 0 : i32
    return %arg0, %c0_i32 : i32, i32
  }
}

module attributes {stable_mosaic.version = 14 : i64} {
  func.func @_gcn_kernel(%arg0: i32, %arg1: i32, %arg2: memref<512x512xf32, #tpu.memory_space<vmem>>, %arg3: memref<512x128xf32, #tpu.memory_space<vmem>>, %arg4: memref<512x128xf32, #tpu.memory_space<vmem>>, %arg5: memref<512x1xf32, #tpu.memory_space<vmem>>, %arg6: memref<512x1xf32, #tpu.memory_space<vmem>>, %arg7: memref<1x128xf32, #tpu.memory_space<vmem>>, %arg8: memref<512x128xf32, #tpu.memory_space<vmem>>) attributes {dimension_semantics = [#tpu.dimension_semantics<parallel>, #tpu.dimension_semantics<arbitrary>], iteration_bounds = array<i64: 20, 20>, scalar_prefetch = 0 : i64, scratch_operands = 0 : i64, tpu.core_type = #tpu.core_type<tc>, window_params = [{transform_indices = @transform_0, window_bounds = array<i64: 512, 512>}, {transform_indices = @transform_1, window_bounds = array<i64: 512, 128>}, {transform_indices = @transform_2, window_bounds = array<i64: 512, 128>}, {transform_indices = @transform_3, window_bounds = array<i64: 512, 1>}, {transform_indices = @transform_4, window_bounds = array<i64: 512, 1>}, {pipeline_mode = #tpu.pipeline_mode<synchronous>, transform_indices = @transform_5, window_bounds = array<i64: 1, 128>}, {transform_indices = @transform_6, window_bounds = array<i64: 512, 128>}]} {
    %eq3A = arith.constant 0 : i32
    %eq3A_0 = arith.cmpi eq, %arg1, %eq3A : i32
    %convert_element_type3A = arith.extui %eq3A_0 : i1 to i32
    %cond3A = arith.constant 0 : i32
    %cond3A_1 = arith.cmpi ne, %convert_element_type3A, %cond3A : i32
    scf.if %cond3A_1 {
      %get3A_18 = arith.constant 0 : index
      %get3A_19 = arith.constant 0 : index
      %get3A_20 = vector.load %arg6[%get3A_18, %get3A_19] : memref<512x1xf32, #tpu.memory_space<vmem>>, vector<512x1xf32>
      %get3A_21 = arith.constant 0 : index
      %get3A_22 = arith.constant 0 : index
      %get3A_23 = vector.load %arg4[%get3A_21, %get3A_22] : memref<512x128xf32, #tpu.memory_space<vmem>>, vector<512x128xf32>
      %mul3A = vector.broadcast %get3A_20 : vector<512x1xf32> to vector<512x128xf32>
      %mul3A_24 = arith.mulf %mul3A, %get3A_23 : vector<512x128xf32>
      %swap3A_25 = arith.constant 0 : index
      %swap3A_26 = arith.constant 0 : index
      %swap3A_27 = vector.load %arg8[%swap3A_25, %swap3A_26] : memref<512x128xf32, #tpu.memory_space<vmem>>, vector<512x128xf32>
      tpu.vector_store %arg8[%swap3A_25, %swap3A_26], %mul3A_24 {strides = array<i32>} : memref<512x128xf32, #tpu.memory_space<vmem>>, vector<512x128xf32>,
    } else {
    }
    %get3A = arith.constant 0 : index
    %get3A_2 = arith.constant 0 : index
    %get3A_3 = vector.load %arg8[%get3A, %get3A_2] : memref<512x128xf32, #tpu.memory_space<vmem>>, vector<512x128xf32>
    %get3A_4 = arith.constant 0 : index
    %get3A_5 = arith.constant 0 : index
    %get3A_6 = vector.load %arg2[%get3A_4, %get3A_5] : memref<512x512xf32, #tpu.memory_space<vmem>>, vector<512x512xf32>
    %get3A_7 = arith.constant 0 : index
    %get3A_8 = arith.constant 0 : index
    %get3A_9 = vector.load %arg3[%get3A_7, %get3A_8] : memref<512x128xf32, #tpu.memory_space<vmem>>, vector<512x128xf32>
    %dot_general3A = arith.constant dense<0.000000e+00> : vector<512x128xf32>
    %dot_general3A_10 = tpu.matmul %get3A_6, %get3A_9, %dot_general3A {dimension_numbers = #tpu.dot_dimension_numbers<[1], [0], [0], [1], [0, 0, 1, 1], [], []>, transpose_lhs_hint = false} : vector<512x512xf32>, vector<512x128xf32>, vector<512x128xf32> -> vector<512x128xf32>
    %add3A = arith.addf %get3A_3, %dot_general3A_10 : vector<512x128xf32>
    %swap3A = arith.constant 0 : index
    %swap3A_11 = arith.constant 0 : index
    %swap3A_12 = vector.load %arg8[%swap3A, %swap3A_11] : memref<512x128xf32, #tpu.memory_space<vmem>>, vector<512x128xf32>
    tpu.vector_store %arg8[%swap3A, %swap3A_11], %add3A {strides = array<i32>} : memref<512x128xf32, #tpu.memory_space<vmem>>, vector<512x128xf32>,
    %eq3A_13 = arith.constant 19 : i32
    %eq3A_14 = arith.cmpi eq, %arg1, %eq3A_13 : i32
    %convert_element_type3A_15 = arith.extui %eq3A_14 : i1 to i32
    %cond3A_16 = arith.constant 0 : i32
    %cond3A_17 = arith.cmpi ne, %convert_element_type3A_15, %cond3A_16 : i32
    scf.if %cond3A_17 {
      %get3A_18 = arith.constant 0 : index
      %get3A_19 = arith.constant 0 : index
      %get3A_20 = vector.load %arg5[%get3A_18, %get3A_19] : memref<512x1xf32, #tpu.memory_space<vmem>>, vector<512x1xf32>
      %get3A_21 = arith.constant 0 : index
      %get3A_22 = arith.constant 0 : index
      %get3A_23 = vector.load %arg8[%get3A_21, %get3A_22] : memref<512x128xf32, #tpu.memory_space<vmem>>, vector<512x128xf32>
      %mul3A = vector.broadcast %get3A_20 : vector<512x1xf32> to vector<512x128xf32>
      %mul3A_24 = arith.mulf %mul3A, %get3A_23 : vector<512x128xf32>
      %get3A_25 = arith.constant 0 : index
      %get3A_26 = arith.constant 0 : index
      %get3A_27 = vector.load %arg7[%get3A_25, %get3A_26] : memref<1x128xf32, #tpu.memory_space<vmem>>, vector<1x128xf32>
      %add3A_28 = vector.broadcast %get3A_27 : vector<1x128xf32> to vector<512x128xf32>
      %add3A_29 = arith.addf %mul3A_24, %add3A_28 : vector<512x128xf32>
      %swap3A_30 = arith.constant 0 : index
      %swap3A_31 = arith.constant 0 : index
      %swap3A_32 = vector.load %arg8[%swap3A_30, %swap3A_31] : memref<512x128xf32, #tpu.memory_space<vmem>>, vector<512x128xf32>
      tpu.vector_store %arg8[%swap3A_30, %swap3A_31], %add3A_29 {strides = array<i32>} : memref<512x128xf32, #tpu.memory_space<vmem>>, vector<512x128xf32>,
    } else {
    }
    return
  }
  func.func @transform_0(%arg0: i32, %arg1: i32) -> (i32, i32) {
    %c0_i32 = arith.constant 0 : i32
    return %arg0, %arg1 : i32, i32
  }
  func.func @transform_1(%arg0: i32, %arg1: i32) -> (i32, i32) {
    %c0_i32 = arith.constant 0 : i32
    %c0_i32_0 = arith.constant 0 : i32
    return %arg1, %c0_i32 : i32, i32
  }
  func.func @transform_2(%arg0: i32, %arg1: i32) -> (i32, i32) {
    %c0_i32 = arith.constant 0 : i32
    %c0_i32_0 = arith.constant 0 : i32
    return %arg0, %c0_i32 : i32, i32
  }
  func.func @transform_3(%arg0: i32, %arg1: i32) -> (i32, i32) {
    %c0_i32 = arith.constant 0 : i32
    %c0_i32_0 = arith.constant 0 : i32
    return %arg0, %c0_i32 : i32, i32
  }
  func.func @transform_4(%arg0: i32, %arg1: i32) -> (i32, i32) {
    %c0_i32 = arith.constant 0 : i32
    %c0_i32_0 = arith.constant 0 : i32
    return %arg0, %c0_i32 : i32, i32
  }
  func.func @transform_5(%arg0: i32, %arg1: i32) -> (i32, i32) {
    %c0_i32 = arith.constant 0 : i32
    %c0_i32_0 = arith.constant 0 : i32
    %c0_i32_1 = arith.constant 0 : i32
    return %c0_i32, %c0_i32_0 : i32, i32
  }
  func.func @transform_6(%arg0: i32, %arg1: i32) -> (i32, i32) {
    %c0_i32 = arith.constant 0 : i32
    %c0_i32_0 = arith.constant 0 : i32
    return %arg0, %c0_i32 : i32, i32
  }
}

module attributes {stable_mosaic.version = 14 : i64} {
  func.func @_xw_kernel(%arg0: i32, %arg1: memref<512x128xf32, #tpu.memory_space<vmem>>, %arg2: memref<128x128xf32, #tpu.memory_space<vmem>>, %arg3: memref<512x1xf32, #tpu.memory_space<vmem>>, %arg4: memref<1x128xf32, #tpu.memory_space<vmem>>, %arg5: memref<512x128xf32, #tpu.memory_space<vmem>>) attributes {dimension_semantics = [#tpu.dimension_semantics<parallel>], iteration_bounds = array<i64: 20>, scalar_prefetch = 0 : i64, scratch_operands = 0 : i64, tpu.core_type = #tpu.core_type<tc>, window_params = [{transform_indices = @transform_0, window_bounds = array<i64: 512, 128>}, {pipeline_mode = #tpu.pipeline_mode<synchronous>, transform_indices = @transform_1, window_bounds = array<i64: 128, 128>}, {transform_indices = @transform_2, window_bounds = array<i64: 512, 1>}, {pipeline_mode = #tpu.pipeline_mode<synchronous>, transform_indices = @transform_3, window_bounds = array<i64: 1, 128>}, {transform_indices = @transform_4, window_bounds = array<i64: 512, 128>}]} {
    %get3A = arith.constant 0 : index
    %get3A_0 = arith.constant 0 : index
    %get3A_1 = vector.load %arg1[%get3A, %get3A_0] : memref<512x128xf32, #tpu.memory_space<vmem>>, vector<512x128xf32>
    %get3A_2 = arith.constant 0 : index
    %get3A_3 = arith.constant 0 : index
    %get3A_4 = vector.load %arg2[%get3A_2, %get3A_3] : memref<128x128xf32, #tpu.memory_space<vmem>>, vector<128x128xf32>
    %dot_general3A = arith.constant dense<0.000000e+00> : vector<512x128xf32>
    %dot_general3A_5 = tpu.matmul %get3A_1, %get3A_4, %dot_general3A {dimension_numbers = #tpu.dot_dimension_numbers<[1], [0], [0], [1], [0, 0, 1, 1], [], []>, transpose_lhs_hint = false} : vector<512x128xf32>, vector<128x128xf32>, vector<512x128xf32> -> vector<512x128xf32>
    %get3A_6 = arith.constant 0 : index
    %get3A_7 = arith.constant 0 : index
    %get3A_8 = vector.load %arg4[%get3A_6, %get3A_7] : memref<1x128xf32, #tpu.memory_space<vmem>>, vector<1x128xf32>
    %add3A = vector.broadcast %get3A_8 : vector<1x128xf32> to vector<512x128xf32>
    %add3A_9 = arith.addf %dot_general3A_5, %add3A : vector<512x128xf32>
    %swap3A = arith.constant 0 : index
    %swap3A_10 = arith.constant 0 : index
    %swap3A_11 = vector.load %arg5[%swap3A, %swap3A_10] : memref<512x128xf32, #tpu.memory_space<vmem>>, vector<512x128xf32>
    tpu.vector_store %arg5[%swap3A, %swap3A_10], %add3A_9 {strides = array<i32>} : memref<512x128xf32, #tpu.memory_space<vmem>>, vector<512x128xf32>,
    return
  }
  func.func @transform_0(%arg0: i32) -> (i32, i32) {
    %c0_i32 = arith.constant 0 : i32
    %c0_i32_0 = arith.constant 0 : i32
    return %arg0, %c0_i32 : i32, i32
  }
  func.func @transform_1(%arg0: i32) -> (i32, i32) {
    %c0_i32 = arith.constant 0 : i32
    %c0_i32_0 = arith.constant 0 : i32
    %c0_i32_1 = arith.constant 0 : i32
    return %c0_i32, %c0_i32_0 : i32, i32
  }
  func.func @transform_2(%arg0: i32) -> (i32, i32) {
    %c0_i32 = arith.constant 0 : i32
    %c0_i32_0 = arith.constant 0 : i32
    return %arg0, %c0_i32 : i32, i32
  }
  func.func @transform_3(%arg0: i32) -> (i32, i32) {
    %c0_i32 = arith.constant 0 : i32
    %c0_i32_0 = arith.constant 0 : i32
    %c0_i32_1 = arith.constant 0 : i32
    return %c0_i32, %c0_i32_0 : i32, i32
  }
  func.func @transform_4(%arg0: i32) -> (i32, i32) {
    %c0_i32 = arith.constant 0 : i32
    %c0_i32_0 = arith.constant 0 : i32
    return %arg0, %c0_i32 : i32, i32
  }
}

</mosaic_0001>

<sc_bundles>
// kernel: gather_offload_async_start.1
scs
__scs_entry_jumppad:
0x0: {  	(pc) =	sbr.rel $0x88, $3  }
0x1: {  	(tag) =	ssettag $0x0;
	lr =	simm.s32 $0x1  }
0x2: {  	[smem:$0x3F91] =	sst lr;
	_ =	strace $0xD0000000  }
0x3: {  	_ = 	snop  }
0x4: {  	_ = 	snop  }
0x5: {  	_ = 	snop  }
0x6: {  	_ = 	snop  }
0x7: {  	_ = 	snop  }
__scs_overlays_trampoline_lowered:
0x8: {  	[smem:$0x3FA0] =	sst s0  }
0x9: {  	[smem:$0x3FA1] =	sst s1  }
0xa: {  	[smem:$0x3FA2] =	sst s2  }
0xb: {  	[smem:$0x3FA3] =	sst s3  }
0xc: {  	[smem:$0x3FA4] =	sst s4  }
0xd: {  	[smem:$0x3FA5] =	sst s5  }
0xe: {  	[smem:$0x3FA6] =	sst s6  }
0xf: {  	[smem:$0x3FA7] =	sst s7  }
0x10: {  	[smem:$0x3FA8] =	sst s8  }
0x11: {  	[smem:$0x3FA9] =	sst s9;
	s0 =	simm.s32 @!p0 $0x0  }
0x12: {  	s1 =	sld [smem:$0x3F8F];
	s0 =	simm.s32 @p0 $0x1  }
0x13: {  	[smem:$0x3FAA] =	sst s0;
	s0 =	simm.s32 @!p1 $0x0  }
0x14: {  	s2 =	sld [smem:$0x3F8E];
	s0 =	simm.s32 @p1 $0x1  }
0x15: {  	[smem:$0x3FAB] =	sst s0;
	s0 =	simm.s32 @!p2 $0x0  }
0x16: {  	s3 =	sld [smem:$0x3FDB];
	s0 =	simm.s32 @p2 $0x1  }
0x17: {  	s4 =	simm.s32 $0x1BF5;
	[smem:$0x3FAD] =	sst s0  }
0x18: {  	s0 =	sld [smem:$0x3F90];
	_ =	swait.ge [sflag:s4], $0x0  }
0x19: {  	s7 =	sld [smem:$0x3F91]  }
0x1a: {  	s8 =	sadd.s32 $0xFFFFE003, lr  }
0x1b: {  	s9 =	sadd.s32 $0xFFFFFEF7, lr;
	s5 =	simm.s32 $0xFFFFFFFF;
	p2 =	slt.u32 s8, $0xFFFFF086  }
0x1c: {  	p1 =	slt.u32 s9, $0xF7A;
	s5 =	simm.s32 @!p2 $0x0  }
0x1d: {  	s5 =	simm.s32 @p1 $0x1;
	p0 =	seq.s32 s7, s2  }
0x1e: {  	s7 =	smul.u32 @!p0 $0xF7A, s2;
	p2 =	seq.s32 @!p0 s5, $0x0  }
0x1f: {  	s9 =	smul.u32 $0xF7A, s1;
	s8 =	simm.s32 @!p0 $0x1BF5;
	p2 =	por !p2, p0  }
0x20: {  	[sflag:s8] =	ssyncset.s32 @!p0 $0xFFFFF086;
	s6 =	sadd.s32 @!p0 s3, s7;
	s7 =	simm.s32 @!p0 $0x108  }
0x21: {  	s3 =	sadd.s32 s3, s9;
	s6 =	sadd.s32 @!p0 $0x88, s6;
	s7 =	simm.s32 @p2 $0x1082  }
0x22: {  	[simem:s7], [sflag:s8] =	dma.local @!p0 [hbm:s6], $0xF7A  }
0x23: {  	s9 =	sor.u32 $0xD0000000, s2;
	s6 =	simm.s32 $0x108;
	_ =	swait.ge @!p0 [sflag:s8], $0x0  }
0x24: {  	s3 =	sadd.s32 $0x88, s3;
	s6 =	simm.s32 @!p1 $0x1082;
	[sflag:s4] =	ssyncset.s32 $0xFFFFF086  }
0x25: {  	[simem:s6], [sflag:s4] =	dma.local [hbm:s3], $0xF7A  }
0x26: {  	[smem:$0x3F91] =	sst s1;
	(tag) =	ssettag s2;
	_ =	strace s9  }
0x27: {  	s1 =	sld [smem:$0x3FA1]  }
0x28: {  	s2 =	sld [smem:$0x3FA2]  }
0x29: {  	s4 =	sld [smem:$0x3FA4]  }
0x2a: {  	p0 =	seq.s32 s5, $0x0;
	s5 =	sld [smem:$0x3FA5]  }
0x2b: {  	s6 =	sld [smem:$0x3FA6]  }
0x2c: {  	s7 =	sld [smem:$0x3FA7]  }
0x2d: {  	s3 =	simm.s32 $0x108;
	s8 =	sld [smem:$0x3FA8]  }
0x2e: {  	s3 =	simm.s32 @!p0 $0x1082;
	s9 =	sld [smem:$0x3FA9]  }
0x2f: {  	lr =	sadd.s32 s0, s3;
	s0 =	sld [smem:$0x3FA0]  }
0x30: {  	s3 =	sld [smem:$0x3FA3]  }
0x31: {  	[smem:$0x3FAC] =	sst s10  }
0x32: {  	s10 =	sld [smem:$0x3FAA];
	_ =	sdelay $0x3  }
0x33: {  	p0 =	seq.s32 s10, $0x1;
	s10 =	sld [smem:$0x3FAC];
	_ =	sdelay $0x3  }
0x34: {  	[smem:$0x3FAC] =	sst s10  }
0x35: {  	s10 =	sld [smem:$0x3FAB];
	_ =	sdelay $0x3  }
0x36: {  	p1 =	seq.s32 s10, $0x1;
	s10 =	sld [smem:$0x3FAC];
	_ =	sdelay $0x3  }
0x37: {  	[smem:$0x3FAC] =	sst s10  }
0x38: {  	s10 =	sld [smem:$0x3FAD]  }
0x39: {  	_ = 	snop;
	(pc) =	sbr.ind lr, $3  }
0x3a: {  	_ = 	snop  }
0x3b: {  	_ = 	snop  }
0x3c: {  	p2 =	seq.s32 s10, $0x1;
	s10 =	sld [smem:$0x3FAC]  }
0x3d: {  	_ =	shalt  }
0x3e: {  	_ =	shalt  }
0x3f: {  	_ =	shalt  }
0x40: {  	_ =	shalt  }
0x41: {  	_ =	shalt  }
0x42: {  	_ =	shalt  }
0x43: {  	_ =	shalt  }
0x44: {  	_ =	shalt  }
0x45: {  	_ =	shalt  }
0x46: {  	_ =	shalt  }
0x47: {  	_ =	shalt  }
0x48: {  	_ =	shalt  }
0x49: {  	_ =	shalt  }
0x4a: {  	_ =	shalt  }
0x4b: {  	_ =	shalt  }
0x4c: {  	_ =	shalt  }
0x4d: {  	_ =	shalt  }
0x4e: {  	_ =	shalt  }
0x4f: {  	_ =	shalt  }
0x50: {  	_ =	shalt  }
0x51: {  	_ =	shalt  }
0x52: {  	_ =	shalt  }
0x53: {  	_ =	shalt  }
0x54: {  	_ =	shalt  }
0x55: {  	_ =	shalt  }
0x56: {  	_ =	shalt  }
0x57: {  	_ =	shalt  }
0x58: {  	_ =	shalt  }
0x59: {  	_ =	shalt  }
0x5a: {  	_ =	shalt  }
0x5b: {  	_ =	shalt  }
0x5c: {  	_ =	shalt  }
0x5d: {  	_ =	shalt  }
0x5e: {  	_ =	shalt  }
0x5f: {  	_ =	shalt  }
0x60: {  	_ =	shalt  }
0x61: {  	_ =	shalt  }
0x62: {  	_ =	shalt  }
0x63: {  	_ =	shalt  }
0x64: {  	_ =	shalt  }
0x65: {  	_ =	shalt  }
0x66: {  	_ =	shalt  }
0x67: {  	_ =	shalt  }
0x68: {  	_ =	shalt  }
0x69: {  	_ =	shalt  }
0x6a: {  	_ =	shalt  }
0x6b: {  	_ =	shalt  }
0x6c: {  	_ =	shalt  }
0x6d: {  	_ =	shalt  }
0x6e: {  	_ =	shalt  }
0x6f: {  	_ =	shalt  }
0x70: {  	_ =	shalt  }
0x71: {  	_ =	shalt  }
0x72: {  	_ =	shalt  }
0x73: {  	_ =	shalt  }
0x74: {  	_ =	shalt  }
0x75: {  	_ =	shalt  }
0x76: {  	_ =	shalt  }
0x77: {  	_ =	shalt  }
0x78: {  	_ =	shalt  }
0x79: {  	_ =	shalt  }
0x7a: {  	_ =	shalt  }
0x7b: {  	_ =	shalt  }
0x7c: {  	_ =	shalt  }
0x7d: {  	_ =	shalt  }
0x7e: {  	_ =	shalt  }
0x7f: {  	_ =	shalt  }
0x80: {  	_ =	shalt  }
0x81: {  	_ =	shalt  }
0x82: {  	_ =	shalt  }
0x83: {  	_ =	shalt  }
0x84: {  	_ =	shalt  }
0x85: {  	_ =	shalt  }
0x86: {  	_ =	shalt  }
0x87: {  	_ =	shalt  }
.Lfunc_end0:
.L_simem_size_0:
called_computation.4_lowered:
.L_overlay_start_0:
0x88: {  	s0 =	sld [smem:$0x3FD9]  }
0x89: {  	s1 =	sld [smem:$0x3FFE];
	_ =	sdelay $0x3  }
0x8a: {  	s0 =	sadd.s32 s1, s0  }
0x8b: {  	[smem:$0x3FB8] =	sst s0  }
0x8c: {  	_ = 	snop  }
0x8d: {  	(tm) =	ssettm $0x1  }
0x8e: {  	s15 =	sld [smem:$0x3FFB];
	_ =	sdelay $0x3  }
0x8f: {  	_ =	strace s15  }
0x90: {  	s0 =	sld [smem:$0x3FFC];
	_ =	sdelay $0x3  }
0x91: {  	_ =	strace s0  }
0x92: {  	s0 =	sld [smem:$0x3FFD];
	_ =	sdelay $0x3  }
0x93: {  	_ =	strace s0  }
0x94: {  	_ =	strace $0x8FFFFFFF  }
0x95: {  	s16 =	sld [smem:$0x3FDB];
	_ =	sdelay $0x1  }
0x96: {  	s17 =	simm.s32 $_scs_section_size  }
0x97: {  	s2 =	simm.s32 $_size__tile_overlayer_lowered;
	s3 =	simm.s32 $_tile_overlayer_lowered  }
0x98: {  	s20 =	simm.s32 $0x1BFF;
	s19 =	sshll.u32 s3, $0x1;
	s0 =	sadd.s32 s17, s16  }
0x99: {  	s4 =	simm.s32 $0x0;
	s18 =	sshll.u32 s2, $0x1;
	s2 =	sadd.s32 s19, s0  }
0x9a: {  	[timem:s4], [sflag:s20] =	dma.local [hbm:s2], s18  }
0x9b: {  	_ =	swait.ge [sflag:s20], s18  }
0x9c: {  	s1 =	ssub.s32 $0x0, s18;
	[sflag:s20] =	ssyncset.done $0x0  }
0x9d: {  	[sflag:s20] =	ssyncadd.s32 s1;
	_ =	sdelay $0x1  }
0x9e: {  	s21 =	simm.s32 $0x1B8B  }
0x9f: {  	_ =	swait.ge [sflag:s21], $0x1  }
0xa0: {  	[sflag:s21] =	ssyncset.done $0x0  }
0xa1: {  	s23 =	simm.s32 $0x1B8E;
	s22 =	sld [smem:$0x3FFE];
	[sflag:s21] =	ssyncadd.s32 $0xFFFFFFFF  }
0xa2: {  	s24 =	simm.s32 $execute0_lowered;
	[smem:$0x3FD2] =	sst s23  }
0xa3: {  	s2 =	sshll.u32 s24, $0x1;
	_ =	strace $0x8000004F;
	[dreg:$0x1] =	wrdreg $0xFFFFFFFF  }
0xa4: {  	s25 =	simm.s32 $_size_execute0_lowered;
	s0 =	sadd.s32 s0, s2;
	[dreg:$0x0] =	wrdreg $0x0  }
0xa5: {  	s2 =	sshll.u32 s25, $0x1;
	[dreg:$0x2] =	wrdreg s0  }
0xa6: {  	[dreg:$0x3] =	wrdreg s2  }
0xa7: {  	[dreg:$0x4] =	wrdreg $0xC0  }
0xa8: {  	_ =	task [dreg:s4], $0x5FFFF  }
0xa9: {  	[dreg:$0x1] =	wrdreg $0xFFFFFFFF  }
0xaa: {  	[dreg:$0x0] =	wrdreg $0x60  }
0xab: {  	[dreg:$0x2] =	wrdreg s22  }
0xac: {  	[dreg:$0x3] =	wrdreg $0xA  }
0xad: {  	_ =	task.clear_ibuf [dreg:s4], $0x4FFFF;
	_ =	strace $0x9000004F  }
0xae: {  	s26 =	simm.s32 $0xA;
	_ =	strace $0x80000051  }
0xaf: {  	_ =	swait.ge [sflag:s26], $0x1  }
0xb0: {  	[sflag:s26] =	ssyncadd.s32 $0xFFFFFFFF  }
0xb1: {  	_ =	strace $0x90000051  }
0xb2: {  	_ =	sfence  }
0xb3: {  	s28 =	sld [smem:$0x0];
	_ =	sdelay $0x1  }
0xb4: {  	s29 =	srdreg.scid  }
0xb5: {  	s30 =	sshll.u32 s29, $0xD;
	s31 =	sshrl.u32 s29, $0x2  }
0xb6: {  	s1 =	sand.u32 $0x1, s29;
	s2 =	sand.u32 $0x4000, s30;
	s0 =	sadd.s32 s31, s28  }
0xb7: {  	s1 =	sor.u32 s2, s1;
	s0 =	sshll.u32 s0, $0x11  }
0xb8: {  	s0 =	sor.u32 s0, s1  }
0xb9: {  	s0 =	sadd.s32 $0x8F2B, s0  }
0xba: {  	[sflag:s0] =	ssyncadd.remote.s32 $0x1  }
0xbb: {  	_ =	sfence.sel $0xFFFF  }
0xbc: {  	[dreg:$0x0] =	wrdreg $0xFFFFFFFF;
	(pc) =	sbr.abs _section_cstart, $3  }
0xbd: {  	[dreg:$0x1] =	wrdreg $0xFFFFFFFF  }
0xbe: {  	_ =	task.clear_ibuf [dreg:s4], $0x2FFFF;
	_ =	strace $0x9FFFFFFF  }
0xbf: {  	(tm) =	ssettm $0x7FFFFFFF  }
tec
execute0_lowered:
.L_overlay_start_1:
0x0: {  	(tag) =	ssettag $0x1  }
0x1: {  	s5 =	rddreg [dreg:$0x0]  }
0x2: {  	s0 =	rddreg [dreg:$0x1]  }
0x3: {  	_ =	strace $0x80000050;
	s1 =	stileid.u32;
	s6 =	simm.s32 $0x1  }
0x4: {  	s8 =	simm.s32 $0x2;
	s30 =	simm.s32 $0x3;
	s12 =	simm.s32 $0x0  }
0x5: {  	s9 =	simm.s32 $0x0;
	s10 =	simm.s32 $0x0;
	s4 =	sshll.u32 s1, $0x4  }
0x6: {  	s2 =	sadd.s32 $0x27400, s5;
	s3 =	sadd.s32 $0x27E00, s5;
	s7 =	ssub.s32 $0x1380, s4  }
0x7: {  	s5 =	sadd.s32 $0x28200, s5;
	[sflag:s6] =	ssyncpa.u1 $0x0;
	s6 =	sshrl.u32 s7, $0x8  }
0x8: {  	[sflag:s8] =	ssyncpa.u1 $0x0;
	s11 =	smov.u32 s4;
	s31 =	sshll.u32 s6, $0x4  }
0x9: {  	[sflag:s30] =	ssyncpa.u1 $0x0;
	s7 =	sadd.s32 $0x2, s6;
	s8 =	sadd.s32 $0x30, s31  }
.LBB2_1:
0xa: {  	p0 =	sgt.u32 s10, s6  }
0xb: {  	s13 =	sxor.u32 @!p0 $0xFFFFFFFF, s9;
	s14 =	sshrl.u32 @!p0 s11, $0x3  }
0xc: {  	s15 =	sand.u32 @!p0 $0x7, s11;
	s13 =	sand.u32 @!p0 $0x10, s13;
	s14 =	sadd.s32 @!p0 s3, s14  }
0xd: {  	[tilespmem:s13], [sflag:$0x2] =	stream.linear.gather @!p0 [hbm4b:s14+s15], $0x10, $0x38;
	[tilespmem:$0x40] =	vst v63  }
0xe: {  	p0 =	seq.s32 s9, $0x0  }
0xf: {  	p1 =	sge.u32 @!p0 s10, s7  }
0x10: {  	p0 =	por p1, p0  }
0x11: {  	s13 =	simm.s32 @!p0 $0x2  }
0x12: {  	_ =	swait.ge @!p0 [sflag:s13], $0x10  }
0x13: {  	[sflag:s13] =	ssyncset.done @!p0 $0x0  }
0x14: {  	[sflag:s13] =	ssyncadd.s32 @!p0 $0xFFFFFFF0;
	s13 =	sand.u32 @!p0 $0x10, s9  }
0x15: {  	(ifvalue) =	ssetifvalue @!p0 $0x7FFFFFFF;
	v0 =	vld.msk @!p0 [tilespmem:s13+$0x0 ss:$0x1], $0xffff;
	_ =	sdelay $0x4  }
0x16: {  	vm0 =	vgt.s32 @!p0 v0, $0x0  }
0x17: {  	v0 =	vnsel @!p0 vm0, $0x0, v0  }
0x18: {  	v0 =	vmin.u32 @!p0 v0, $0x270F;
	_ =	sdelay $0x3  }
0x19: {  	s14 =	simm.s32 @!p0 $0x0;
	s13 =	sor.u32 @!p0 $0x20, s13;
	(ifvalue) =	ssetifvalue @!p0 $0x7FFFFFFF;
	vm0 =	vmmov @!p0 $0xffff  }
0x1a: {  	[tilespmem:s13], [sflag:$0x1] =	stream.indirect_vreg.gather @!p0 [hbm4b:s2+s14], $0x1, v0, vm0, $0x4038;
	[tilespmem:$0x40] =	vst v63  }
0x1b: {  	s14 =	simm.s32 @!p0 $0x1  }
0x1c: {  	_ =	swait.ge @!p0 [sflag:s14], $0x10  }
0x1d: {  	s15 =	sshrl.u32 @!p0 s12, $0x3;
	[sflag:s14] =	ssyncset.done @!p0 $0x0  }
0x1e: {  	s12 =	sand.u32 @!p0 $0x7, s12;
	[sflag:s14] =	ssyncadd.s32 @!p0 $0xFFFFFFF0;
	s14 =	sadd.s32 @!p0 s5, s15  }
0x1f: {  	[hbm4b:s14+s12] =	stream.linear.scatter @!p0 [tilespmem:s13], [sflag:$0x3], $0x10, $0x38;
	[tilespmem:$0x40] =	vst v63  }
0x20: {  	s14 =	sadd.s32 $0x100, s11  }
0x21: {  	s9 =	sadd.s32 $0x10, s9;
	p1 =	sgt.s32 s14, $0x1387  }
0x22: {  	s14 =	smov.u32 @p1 s4;
	p1 =	sne.s32 s8, s9  }
.Ltmp0:
0x23: {  	p0 =	slt.u32 s10, $0x2;
	(pc) =	sbr.rel @p1 .LBB2_1-.Ltmp0, $4  }
0x24: {  	s13 =	simm.s32 @!p0 $0x3  }
0x25: {  	_ =	swait.ge @!p0 [sflag:s13], $0x10  }
0x26: {  	s12 =	smov.u32 s11;
	[sflag:s13] =	ssyncset.done @!p0 $0x0  }
0x27: {  	s10 =	sadd.s32 $0x1, s10;
	s11 =	smov.u32 s14;
	[sflag:s13] =	ssyncadd.s32 @!p0 $0xFFFFFFF0  }
0x28: {  	_ =	sfence.sel $0x180000  }
0x29: {  	s2 =	simm.s32 $0x2;
	[bflag:$0x0] =	sbarrier.arrive $0xFFFF  }
0x2a: {  	s30 =	simm.s32 $0x3;
	[sflag:s2] =	ssyncpa.u1 $0x1  }
0x2b: {  	s31 =	simm.s32 $0x1;
	[sflag:s30] =	ssyncpa.u1 $0x1  }
0x2c: {  	[sflag:s31] =	ssyncpa.u1 $0x1  }
0x2d: {  	p0 =	sne.s32 s1, $0x0;
	_ =	strace $0x90000050  }
0x2e: {  	s0 =	sadd.s32 @!p0 $0x100000, s0;
	[bflag:$0x2] =	sbarrier.arrive $0xFFFF  }
0x2f: {  	[sflag:s0] =	ssyncadd.tile.s32 @!p0 $0x1;
	_ =	shalt  }
.Lfunc_end2:
_tile_overlayer_lowered:
.L_overlay_start_2:
0x30: {  	(tag) =	ssettag $0x2  }
0x31: {  	s0 =	rddreg [dreg:$0x0];
	s2 =	stileid.u32  }
0x32: {  	s1 =	rddreg [dreg:$0x1];
	p0 =	sne.s32 s2, $0x0  }
0x33: {  	s3 =	rddreg [dreg:$0x2];
	[bflag:$0x3] =	sbarrier.arrive $0xFFFF;
	s2 =	simm.s32 @!p0 $0x1C01  }
0x34: {  	[timem:s3], [sflag:s2] =	dma.local @!p0 [hbm:s0], s1  }
0x35: {  	s0 =	simm.s32 @!p0 $0x1  }
0x36: {  	_ =	swait.ge @!p0 [sflag:s0], s1  }
0x37: {  	s1 =	ssub.s32 @!p0 $0x0, s1;
	[sflag:s0] =	ssyncset.done @!p0 $0x0  }
0x38: {  	[sflag:s0] =	ssyncadd.s32 @!p0 s1  }
0x39: {  	[bflag:$0x3] =	sbarrier.arrive $0xFFFF  }
0x3a: {  	_ =	shalt  }

// kernel: gather_offload_async_start.2
scs
__scs_entry_jumppad:
0x0: {  	(pc) =	sbr.rel $0x88, $3  }
0x1: {  	(tag) =	ssettag $0x0;
	lr =	simm.s32 $0x1  }
0x2: {  	[smem:$0x3F91] =	sst lr;
	_ =	strace $0xD0000000  }
0x3: {  	_ = 	snop  }
0x4: {  	_ = 	snop  }
0x5: {  	_ = 	snop  }
0x6: {  	_ = 	snop  }
0x7: {  	_ = 	snop  }
__scs_overlays_trampoline_lowered:
0x8: {  	[smem:$0x3FA0] =	sst s0  }
0x9: {  	[smem:$0x3FA1] =	sst s1  }
0xa: {  	[smem:$0x3FA2] =	sst s2  }
0xb: {  	[smem:$0x3FA3] =	sst s3  }
0xc: {  	[smem:$0x3FA4] =	sst s4  }
0xd: {  	[smem:$0x3FA5] =	sst s5  }
0xe: {  	[smem:$0x3FA6] =	sst s6  }
0xf: {  	[smem:$0x3FA7] =	sst s7  }
0x10: {  	[smem:$0x3FA8] =	sst s8  }
0x11: {  	[smem:$0x3FA9] =	sst s9;
	s0 =	simm.s32 @!p0 $0x0  }
0x12: {  	s1 =	sld [smem:$0x3F8F];
	s0 =	simm.s32 @p0 $0x1  }
0x13: {  	[smem:$0x3FAA] =	sst s0;
	s0 =	simm.s32 @!p1 $0x0  }
0x14: {  	s2 =	sld [smem:$0x3F8E];
	s0 =	simm.s32 @p1 $0x1  }
0x15: {  	[smem:$0x3FAB] =	sst s0;
	s0 =	simm.s32 @!p2 $0x0  }
0x16: {  	s3 =	sld [smem:$0x3FDB];
	s0 =	simm.s32 @p2 $0x1  }
0x17: {  	s4 =	simm.s32 $0x1BF5;
	[smem:$0x3FAD] =	sst s0  }
0x18: {  	s0 =	sld [smem:$0x3F90];
	_ =	swait.ge [sflag:s4], $0x0  }
0x19: {  	s7 =	sld [smem:$0x3F91]  }
0x1a: {  	s8 =	sadd.s32 $0xFFFFE003, lr  }
0x1b: {  	s9 =	sadd.s32 $0xFFFFFEF7, lr;
	s5 =	simm.s32 $0xFFFFFFFF;
	p2 =	slt.u32 s8, $0xFFFFF086  }
0x1c: {  	p1 =	slt.u32 s9, $0xF7A;
	s5 =	simm.s32 @!p2 $0x0  }
0x1d: {  	s5 =	simm.s32 @p1 $0x1;
	p0 =	seq.s32 s7, s2  }
0x1e: {  	s7 =	smul.u32 @!p0 $0xF7A, s2;
	p2 =	seq.s32 @!p0 s5, $0x0  }
0x1f: {  	s9 =	smul.u32 $0xF7A, s1;
	s8 =	simm.s32 @!p0 $0x1BF5;
	p2 =	por !p2, p0  }
0x20: {  	[sflag:s8] =	ssyncset.s32 @!p0 $0xFFFFF086;
	s6 =	sadd.s32 @!p0 s3, s7;
	s7 =	simm.s32 @!p0 $0x108  }
0x21: {  	s3 =	sadd.s32 s3, s9;
	s6 =	sadd.s32 @!p0 $0x88, s6;
	s7 =	simm.s32 @p2 $0x1082  }
0x22: {  	[simem:s7], [sflag:s8] =	dma.local @!p0 [hbm:s6], $0xF7A  }
0x23: {  	s9 =	sor.u32 $0xD0000000, s2;
	s6 =	simm.s32 $0x108;
	_ =	swait.ge @!p0 [sflag:s8], $0x0  }
0x24: {  	s3 =	sadd.s32 $0x88, s3;
	s6 =	simm.s32 @!p1 $0x1082;
	[sflag:s4] =	ssyncset.s32 $0xFFFFF086  }
0x25: {  	[simem:s6], [sflag:s4] =	dma.local [hbm:s3], $0xF7A  }
0x26: {  	[smem:$0x3F91] =	sst s1;
	(tag) =	ssettag s2;
	_ =	strace s9  }
0x27: {  	s1 =	sld [smem:$0x3FA1]  }
0x28: {  	s2 =	sld [smem:$0x3FA2]  }
0x29: {  	s4 =	sld [smem:$0x3FA4]  }
0x2a: {  	p0 =	seq.s32 s5, $0x0;
	s5 =	sld [smem:$0x3FA5]  }
0x2b: {  	s6 =	sld [smem:$0x3FA6]  }
0x2c: {  	s7 =	sld [smem:$0x3FA7]  }
0x2d: {  	s3 =	simm.s32 $0x108;
	s8 =	sld [smem:$0x3FA8]  }
0x2e: {  	s3 =	simm.s32 @!p0 $0x1082;
	s9 =	sld [smem:$0x3FA9]  }
0x2f: {  	lr =	sadd.s32 s0, s3;
	s0 =	sld [smem:$0x3FA0]  }
0x30: {  	s3 =	sld [smem:$0x3FA3]  }
0x31: {  	[smem:$0x3FAC] =	sst s10  }
0x32: {  	s10 =	sld [smem:$0x3FAA];
	_ =	sdelay $0x3  }
0x33: {  	p0 =	seq.s32 s10, $0x1;
	s10 =	sld [smem:$0x3FAC];
	_ =	sdelay $0x3  }
0x34: {  	[smem:$0x3FAC] =	sst s10  }
0x35: {  	s10 =	sld [smem:$0x3FAB];
	_ =	sdelay $0x3  }
0x36: {  	p1 =	seq.s32 s10, $0x1;
	s10 =	sld [smem:$0x3FAC];
	_ =	sdelay $0x3  }
0x37: {  	[smem:$0x3FAC] =	sst s10  }
0x38: {  	s10 =	sld [smem:$0x3FAD]  }
0x39: {  	_ = 	snop;
	(pc) =	sbr.ind lr, $3  }
0x3a: {  	_ = 	snop  }
0x3b: {  	_ = 	snop  }
0x3c: {  	p2 =	seq.s32 s10, $0x1;
	s10 =	sld [smem:$0x3FAC]  }
0x3d: {  	_ =	shalt  }
0x3e: {  	_ =	shalt  }
0x3f: {  	_ =	shalt  }
0x40: {  	_ =	shalt  }
0x41: {  	_ =	shalt  }
0x42: {  	_ =	shalt  }
0x43: {  	_ =	shalt  }
0x44: {  	_ =	shalt  }
0x45: {  	_ =	shalt  }
0x46: {  	_ =	shalt  }
0x47: {  	_ =	shalt  }
0x48: {  	_ =	shalt  }
0x49: {  	_ =	shalt  }
0x4a: {  	_ =	shalt  }
0x4b: {  	_ =	shalt  }
0x4c: {  	_ =	shalt  }
0x4d: {  	_ =	shalt  }
0x4e: {  	_ =	shalt  }
0x4f: {  	_ =	shalt  }
0x50: {  	_ =	shalt  }
0x51: {  	_ =	shalt  }
0x52: {  	_ =	shalt  }
0x53: {  	_ =	shalt  }
0x54: {  	_ =	shalt  }
0x55: {  	_ =	shalt  }
0x56: {  	_ =	shalt  }
0x57: {  	_ =	shalt  }
0x58: {  	_ =	shalt  }
0x59: {  	_ =	shalt  }
0x5a: {  	_ =	shalt  }
0x5b: {  	_ =	shalt  }
0x5c: {  	_ =	shalt  }
0x5d: {  	_ =	shalt  }
0x5e: {  	_ =	shalt  }
0x5f: {  	_ =	shalt  }
0x60: {  	_ =	shalt  }
0x61: {  	_ =	shalt  }
0x62: {  	_ =	shalt  }
0x63: {  	_ =	shalt  }
0x64: {  	_ =	shalt  }
0x65: {  	_ =	shalt  }
0x66: {  	_ =	shalt  }
0x67: {  	_ =	shalt  }
0x68: {  	_ =	shalt  }
0x69: {  	_ =	shalt  }
0x6a: {  	_ =	shalt  }
0x6b: {  	_ =	shalt  }
0x6c: {  	_ =	shalt  }
0x6d: {  	_ =	shalt  }
0x6e: {  	_ =	shalt  }
0x6f: {  	_ =	shalt  }
0x70: {  	_ =	shalt  }
0x71: {  	_ =	shalt  }
0x72: {  	_ =	shalt  }
0x73: {  	_ =	shalt  }
0x74: {  	_ =	shalt  }
0x75: {  	_ =	shalt  }
0x76: {  	_ =	shalt  }
0x77: {  	_ =	shalt  }
0x78: {  	_ =	shalt  }
0x79: {  	_ =	shalt  }
0x7a: {  	_ =	shalt  }
0x7b: {  	_ =	shalt  }
0x7c: {  	_ =	shalt  }
0x7d: {  	_ =	shalt  }
0x7e: {  	_ =	shalt  }
0x7f: {  	_ =	shalt  }
0x80: {  	_ =	shalt  }
0x81: {  	_ =	shalt  }
0x82: {  	_ =	shalt  }
0x83: {  	_ =	shalt  }
0x84: {  	_ =	shalt  }
0x85: {  	_ =	shalt  }
0x86: {  	_ =	shalt  }
0x87: {  	_ =	shalt  }
.Lfunc_end0:
.L_simem_size_0:
called_computation.5_lowered:
.L_overlay_start_0:
0x88: {  	s2 =	sld [smem:$0x3FD9]  }
0x89: {  	s3 =	sld [smem:$0x3FFE];
	_ =	sdelay $0x1  }
0x8a: {  	s1 =	srdreg.scid  }
0x8b: {  	s0 =	sand.u32 $0x1, s1  }
0x8c: {  	s17 =	sshll.u32 s0, $0xA;
	s2 =	sadd.s32 s3, s2  }
0x8d: {  	s2 =	sadd.s32 s2, s17  }
0x8e: {  	[smem:$0x3FB8] =	sst s2  }
0x8f: {  	_ = 	snop  }
0x90: {  	s18 =	sld [smem:$0x3FD0];
	(tm) =	ssettm $0x1  }
0x91: {  	s19 =	sld [smem:$0x3FFB];
	_ =	sdelay $0x3  }
0x92: {  	_ =	strace s19  }
0x93: {  	s2 =	sld [smem:$0x3FFC];
	_ =	sdelay $0x3  }
0x94: {  	_ =	strace s2  }
0x95: {  	s2 =	sld [smem:$0x3FFD];
	_ =	sdelay $0x3  }
0x96: {  	_ =	strace s2  }
0x97: {  	_ =	strace $0x8FFFFFFF  }
0x98: {  	s20 =	sld [smem:$0x3FDB];
	_ =	sdelay $0x1  }
0x99: {  	s4 =	simm.s32 $_scs_section_size  }
0x9a: {  	s5 =	simm.s32 $_size__tile_overlayer_lowered;
	s6 =	simm.s32 $_tile_overlayer_lowered  }
0x9b: {  	s7 =	simm.s32 $0x1BFF;
	s21 =	sshll.u32 s6, $0x1;
	s4 =	sadd.s32 s4, s20  }
0x9c: {  	s22 =	simm.s32 $0x0;
	s5 =	sshll.u32 s5, $0x1;
	s6 =	sadd.s32 s21, s4  }
0x9d: {  	[timem:s22], [sflag:s7] =	dma.local [hbm:s6], s5  }
0x9e: {  	_ =	swait.ge [sflag:s7], s5  }
0x9f: {  	s5 =	ssub.s32 $0x0, s5;
	[sflag:s7] =	ssyncset.done $0x0  }
0xa0: {  	[sflag:s7] =	ssyncadd.s32 s5;
	_ =	sdelay $0x1  }
0xa1: {  	s23 =	simm.s32 $0x1B8B  }
0xa2: {  	_ =	swait.ge [sflag:s23], $0x1  }
0xa3: {  	[sflag:s23] =	ssyncset.done $0x0  }
0xa4: {  	[sflag:s23] =	ssyncadd.s32 $0xFFFFFFFF  }
0xa5: {  	s5 =	sld [smem:$0x0]  }
0xa6: {  	s6 =	sand.u32 $0xFFFFFFFE, s1  }
0xa7: {  	p0 =	sne.s32 s1, s6  }
0xa8: {  	s6 =	sshll.u32 @p0 s6, $0xE  }
0xa9: {  	s6 =	sadd.s32 @p0 $0x11B8D, s6;
	s7 =	sshll.u32 @p0 s5, $0x11  }
0xaa: {  	s6 =	sor.u32 @p0 s7, s6  }
0xab: {  	[sflag:s6] =	ssyncadd.remote.s32 @p0 $0x1;
	_ =	sdelay $0x1  }
0xac: {  	s6 =	simm.s32 @p0 $0x1B8D  }
0xad: {  	_ =	swait.eq @p0 [sflag:s6], $0x1  }
0xae: {  	[sflag:s6] =	ssyncadd.s32 @p0 $0xFFFFFFFF  }
0xaf: {  	s7 =	sshll.u32 @!p0 s1, $0xE  }
0xb0: {  	s7 =	sor.u32 @!p0 $0x4000, s7;
	s6 =	simm.s32 @!p0 $0x1B8D  }
0xb1: {  	s5 =	sshll.u32 @!p0 s5, $0x11;
	s7 =	sadd.s32 @!p0 $0x11B8D, s7;
	_ =	swait.eq @!p0 [sflag:s6], $0x1  }
0xb2: {  	s5 =	sor.u32 @!p0 s5, s7;
	[sflag:s6] =	ssyncadd.s32 @!p0 $0xFFFFFFFF  }
0xb3: {  	s25 =	simm.s32 $0x1B8E;
	s24 =	sld [smem:$0x3FFE];
	[sflag:s5] =	ssyncadd.remote.s32 @!p0 $0x1  }
0xb4: {  	s26 =	simm.s32 $execute0_lowered;
	[smem:$0x3FD2] =	sst s25  }
0xb5: {  	s6 =	sshll.u32 s26, $0x1;
	_ =	strace $0x80000058;
	[dreg:$0x1] =	wrdreg $0xFFFFFFFF  }
0xb6: {  	s28 =	simm.s32 $_size_execute0_lowered;
	s4 =	sadd.s32 s4, s6;
	[dreg:$0x0] =	wrdreg $0x0  }
0xb7: {  	s6 =	sshll.u32 s28, $0x1;
	[dreg:$0x2] =	wrdreg s4  }
0xb8: {  	[dreg:$0x3] =	wrdreg s6  }
0xb9: {  	[dreg:$0x4] =	wrdreg $0xC0  }
0xba: {  	_ =	task [dreg:s22], $0x5FFFF  }
0xbb: {  	[dreg:$0x1] =	wrdreg $0xFFFFFFFF  }
0xbc: {  	[dreg:$0x0] =	wrdreg $0x60  }
0xbd: {  	[dreg:$0x2] =	wrdreg s24  }
0xbe: {  	[dreg:$0x3] =	wrdreg s18  }
0xbf: {  	[dreg:$0x4] =	wrdreg $0xB  }
0xc0: {  	_ =	task.clear_ibuf [dreg:s22], $0x5FFFF;
	_ =	strace $0x90000058  }
0xc1: {  	s29 =	simm.s32 $0xB;
	_ =	strace $0x8000005A  }
0xc2: {  	_ =	swait.ge [sflag:s29], $0x1  }
0xc3: {  	[sflag:s29] =	ssyncadd.s32 $0xFFFFFFFF  }
0xc4: {  	_ =	strace $0x9000005A  }
0xc5: {  	_ =	sfence  }
0xc6: {  	s30 =	sld [smem:$0x0];
	_ =	sdelay $0x2  }
0xc7: {  	s31 =	sshll.u32 s1, $0xD;
	s1 =	sshrl.u32 s1, $0x2  }
0xc8: {  	s4 =	sand.u32 $0x4000, s31;
	s1 =	sadd.s32 s1, s30  }
0xc9: {  	s0 =	sor.u32 s4, s0;
	s1 =	sshll.u32 s1, $0x11  }
0xca: {  	s0 =	sor.u32 s1, s0  }
0xcb: {  	s0 =	sadd.s32 $0x8F2B, s0  }
0xcc: {  	[sflag:s0] =	ssyncadd.remote.s32 $0x1  }
0xcd: {  	_ =	sfence.sel $0xFFFF  }
0xce: {  	[dreg:$0x0] =	wrdreg $0xFFFFFFFF;
	(pc) =	sbr.abs _section_cstart, $3  }
0xcf: {  	[dreg:$0x1] =	wrdreg $0xFFFFFFFF  }
0xd0: {  	_ =	task.clear_ibuf [dreg:s22], $0x2FFFF;
	_ =	strace $0x9FFFFFFF  }
0xd1: {  	(tm) =	ssettm $0x7FFFFFFF  }
tec
execute0_lowered:
.L_overlay_start_1:
0x0: {  	(tag) =	ssettag $0x1  }
0x1: {  	s7 =	rddreg [dreg:$0x0]  }
0x2: {  	s0 =	srdreg.scid;
	s2 =	rddreg [dreg:$0x1]  }
0x3: {  	s1 =	stileid.u32;
	s5 =	simm.s32 $0x2;
	s9 =	simm.s32 $0x3  }
0x4: {  	s3 =	sshll.u32 s0, $0x4;
	s0 =	rddreg [dreg:$0x2];
	_ =	strace $0x80000059  }
.Ltmp0:
0x5: {  	s4 =	sand.u32 $0x10, s3;
	s3 =	simm.s32 $0x1;
	(pc) =	sbr.rel .LBB2_1-.Ltmp0, $4  }
0x6: {  	s11 =	simm.s32 $0x0;
	s4 =	sor.u32 s1, s4;
	[sflag:s3] =	ssyncpa.u1 $0x0  }
0x7: {  	p0 =	por $0x0, $0x0;
	s4 =	smul.u32 $0xA0, s4;
	[sflag:s5] =	ssyncpa.u1 $0x0  }
0x8: {  	s6 =	sadd.s32 $0xD11A00, s7;
	s7 =	sadd.s32 $0x1FD1A00, s7;
	[sflag:s9] =	ssyncpa.u1 $0x0  }
0x9: {  	vm0 =	vmmov $0xf;
	s9 =	simm.s32 $0x0;
	s8 =	sadd.s32 $0xA0, s4;
	s10 =	smov.u32 s4  }
.LBB2_6:
0xa: {  	[hbm:s15] =	stream.linear.scatter [tilespmem:s12], [sflag:$0x3], $0x200, $0x38;
	[tilespmem:$0x14008] =	vst v63  }
.LBB2_7:
0xb: {  	p1 =	slt.u32 s9, $0x2;
	s11 =	sadd.s32 $0x4, s10  }
0xc: {  	s13 =	smov.u32 s4;
	s9 =	sadd.s32 $0x1, s9;
	p2 =	slt.s32 s11, s8  }
0xd: {  	s13 =	smov.u32 @p2 s11;
	p2 =	sne.s32 s9, $0x2A  }
.Ltmp1:
0xe: {  	_ = 	snop;
	(pc) =	sbr.rel @!p2 .LBB2_8-.Ltmp1, $4  }
0xf: {  	s12 =	simm.s32 @!p1 $0x3  }
0x10: {  	_ =	swait.ge @!p1 [sflag:s12], $0xA000  }
0x11: {  	p0 =	por !p0, !p0;
	[sflag:s12] =	ssyncset.done @!p1 $0x0  }
0x12: {  	s11 =	smov.u32 s10;
	s10 =	smov.u32 s13;
	[sflag:s12] =	ssyncadd.s32 @!p1 $0xFFFF6000  }
.LBB2_1:
0x13: {  	p1 =	sgt.u32 s9, $0x27  }
0x14: {  	s12 =	sxor.u32 @!p1 $0xFFFFFFFF, s9  }
0x15: {  	s31 =	sadd.s32 $0xFFFFFFFF, s9;
	s13 =	sshrl.u32 @!p1 s10, $0x3;
	s12 =	sshll.u32 @!p1 s12, $0x2  }
0x16: {  	s14 =	sand.u32 @!p1 $0x7, s10;
	s13 =	sadd.s32 @!p1 s2, s13;
	s12 =	sand.u32 @!p1 $0x4, s12  }
0x17: {  	[tilespmem:s12], [sflag:$0x2] =	stream.linear.gather @!p1 [hbm4b:s13+s14], $0x4, $0x38;
	[tilespmem:$0x14008] =	vst v63  }
0x18: {  	p1 =	sgt.u32 s31, $0x27  }
.Ltmp2:
0x19: {  	_ = 	snop;
	(pc) =	sbr.rel @p1 .LBB2_7-.Ltmp2, $1  }
0x1a: {  	_ =	sdelay $0x3  }
0x1b: {  	_ =	swait.ge [sflag:s5], $0x4  }
0x1c: {  	s12 =	sand.u32 $0x1, s9;
	[sflag:s5] =	ssyncset.done $0x0  }
0x1d: {  	s12 =	sshll.u32 s12, $0x2;
	[sflag:s5] =	ssyncadd.s32 $0xFFFFFFFC  }
0x1e: {  	v0 =	vld.msk [tilespmem:s12+$0x0 ss:$0x1], $0xf;
	_ =	sdelay $0x4  }
0x1f: {  	vm1 =	vgt.s32 v0, $0x0  }
0x20: {  	v0 =	vnsel vm1, $0x0, v0  }
0x21: {  	v0 =	vmin.u32 v0, $0x27FF  }
0x22: {  	v1 =	vshrl.u32 v0, $0x3  }
0x23: {  	v0 =	vshll.u32 v0, $0x7;
	v1 =	vmul.u32 $0x14000, v1  }
0x24: {  	s12 =	simm.s32 $0x1;
	v0 =	vand.u32 $0x380, v0  }
0x25: {  	s12 =	simm.s32 @!p0 $0x0;
	v0 =	vor.u32 v0, v1  }
0x26: {  	s12 =	smul.u32 $0x28000, s12;
	v0 =	vshrl.u32 v0, $0x3;
	_ =	sdelay $0x1  }
0x27: {  	s12 =	sshrl.u32 s12, $0x2  }
0x28: {  	s12 =	sor.u32 $0x8, s12  }
0x29: {  	s13 =	simm.s32 $0x800;
	s14 =	sadd.s32 $0x0, s12  }
.LBB2_3:
0x2a: {  	[tilespmem:s14], [sflag:$0x1] =	stream.indirect_vreg.gather [hbm:s6], $0x80, v0, vm0, $0x38;
	[tilespmem:$0x14008] =	vst v63  }
0x2b: {  	v0 =	vadd.s32 $0x80, v0;
	s14 =	smov.u32 s13;
	p1 =	sne.s32 s13, $0x27800  }
.Ltmp3:
0x2c: {  	s13 =	sadd.s32 $0x800, s13;
	(pc) =	sbr.rel @p1 .LBB2_3-.Ltmp3, $3  }
0x2d: {  	_ =	sdelay $0x1  }
0x2e: {  	s14 =	sshra.s32 s14, $0x2  }
0x2f: {  	s14 =	sadd.s32 s14, s12  }
0x30: {  	_ =	sdelay $0x3  }
0x31: {  	[tilespmem:s14], [sflag:$0x1] =	stream.indirect_vreg.gather [hbm:s6], $0x80, v0, vm0, $0x38;
	[tilespmem:$0x14008] =	vst v63  }
0x32: {  	s13 =	sshrl.u32 s11, $0x3  }
0x33: {  	s13 =	smul.u32 $0x2800, s13  }
0x34: {  	s31 =	sshll.u32 s11, $0x4  }
0x35: {  	_ =	swait.ge [sflag:s3], $0xA000;
	s11 =	sand.u32 $0x70, s31;
	s13 =	sadd.s32 s13, s7  }
0x36: {  	s14 =	sadd.s32 $0x200, s12;
	[sflag:s3] =	ssyncset.done $0x0;
	s11 =	sadd.s32 s11, s13  }
0x37: {  	[sflag:s3] =	ssyncadd.s32 $0xFFFF6000;
	s13 =	simm.s32 $0x80;
	s15 =	sadd.s32 $0x0, s11  }
.LBB2_5:
0x38: {  	[hbm:s15] =	stream.linear.scatter [tilespmem:s12], [sflag:$0x3], $0x200, $0x38;
	[tilespmem:$0x14008] =	vst v63  }
0x39: {  	s15 =	smov.u32 s13;
	s12 =	smov.u32 s14;
	p1 =	sne.s32 s13, $0x2780  }
.Ltmp4:
0x3a: {  	s13 =	sadd.s32 $0x80, s13;
	(pc) =	sbr.rel @p1 .LBB2_5-.Ltmp4, $2  }
0x3b: {  	_ =	sdelay $0x2  }
0x3c: {  	s14 =	sadd.s32 $0x200, s14;
	s15 =	sadd.s32 s15, s11  }
.Ltmp5:
0x3d: {  	_ = 	snop;
	(pc) =	sbr.rel .LBB2_6-.Ltmp5, $1  }
0x3e: {  	_ =	sdelay $0x3  }
.LBB2_8:
0x3f: {  	_ =	sfence.sel $0x180000  }
0x40: {  	s2 =	simm.s32 $0x2;
	[bflag:$0x0] =	sbarrier.arrive $0xFFFF  }
0x41: {  	s30 =	simm.s32 $0x3;
	[sflag:s2] =	ssyncpa.u1 $0x1  }
0x42: {  	s31 =	simm.s32 $0x1;
	[sflag:s30] =	ssyncpa.u1 $0x1  }
0x43: {  	[sflag:s31] =	ssyncpa.u1 $0x1  }
0x44: {  	p0 =	sne.s32 s1, $0x0;
	_ =	strace $0x90000059  }
0x45: {  	s0 =	sadd.s32 @!p0 $0x100000, s0;
	[bflag:$0x2] =	sbarrier.arrive $0xFFFF  }
0x46: {  	[sflag:s0] =	ssyncadd.tile.s32 @!p0 $0x1;
	_ =	shalt  }
.Lfunc_end2:
_tile_overlayer_lowered:
.L_overlay_start_2:
0x47: {  	(tag) =	ssettag $0x2  }
0x48: {  	s0 =	rddreg [dreg:$0x0];
	s2 =	stileid.u32  }
0x49: {  	s1 =	rddreg [dreg:$0x1];
	p0 =	sne.s32 s2, $0x0  }
0x4a: {  	s3 =	rddreg [dreg:$0x2];
	[bflag:$0x3] =	sbarrier.arrive $0xFFFF;
	s2 =	simm.s32 @!p0 $0x1C01  }
0x4b: {  	[timem:s3], [sflag:s2] =	dma.local @!p0 [hbm:s0], s1  }
0x4c: {  	s0 =	simm.s32 @!p0 $0x1  }
0x4d: {  	_ =	swait.ge @!p0 [sflag:s0], s1  }
0x4e: {  	s1 =	ssub.s32 @!p0 $0x0, s1;
	[sflag:s0] =	ssyncset.done @!p0 $0x0  }
0x4f: {  	[sflag:s0] =	ssyncadd.s32 @!p0 s1  }
0x50: {  	[bflag:$0x3] =	sbarrier.arrive $0xFFFF  }
0x51: {  	_ =	shalt  }

// kernel: gather_offload_async_start.3
scs
__scs_entry_jumppad:
0x0: {  	(pc) =	sbr.rel $0x88, $3  }
0x1: {  	(tag) =	ssettag $0x0;
	lr =	simm.s32 $0x1  }
0x2: {  	[smem:$0x3F91] =	sst lr;
	_ =	strace $0xD0000000  }
0x3: {  	_ = 	snop  }
0x4: {  	_ = 	snop  }
0x5: {  	_ = 	snop  }
0x6: {  	_ = 	snop  }
0x7: {  	_ = 	snop  }
__scs_overlays_trampoline_lowered:
0x8: {  	[smem:$0x3FA0] =	sst s0  }
0x9: {  	[smem:$0x3FA1] =	sst s1  }
0xa: {  	[smem:$0x3FA2] =	sst s2  }
0xb: {  	[smem:$0x3FA3] =	sst s3  }
0xc: {  	[smem:$0x3FA4] =	sst s4  }
0xd: {  	[smem:$0x3FA5] =	sst s5  }
0xe: {  	[smem:$0x3FA6] =	sst s6  }
0xf: {  	[smem:$0x3FA7] =	sst s7  }
0x10: {  	[smem:$0x3FA8] =	sst s8  }
0x11: {  	[smem:$0x3FA9] =	sst s9;
	s0 =	simm.s32 @!p0 $0x0  }
0x12: {  	s1 =	sld [smem:$0x3F8F];
	s0 =	simm.s32 @p0 $0x1  }
0x13: {  	[smem:$0x3FAA] =	sst s0;
	s0 =	simm.s32 @!p1 $0x0  }
0x14: {  	s2 =	sld [smem:$0x3F8E];
	s0 =	simm.s32 @p1 $0x1  }
0x15: {  	[smem:$0x3FAB] =	sst s0;
	s0 =	simm.s32 @!p2 $0x0  }
0x16: {  	s3 =	sld [smem:$0x3FDB];
	s0 =	simm.s32 @p2 $0x1  }
0x17: {  	s4 =	simm.s32 $0x1BF5;
	[smem:$0x3FAD] =	sst s0  }
0x18: {  	s0 =	sld [smem:$0x3F90];
	_ =	swait.ge [sflag:s4], $0x0  }
0x19: {  	s7 =	sld [smem:$0x3F91]  }
0x1a: {  	s8 =	sadd.s32 $0xFFFFE003, lr  }
0x1b: {  	s9 =	sadd.s32 $0xFFFFFEF7, lr;
	s5 =	simm.s32 $0xFFFFFFFF;
	p2 =	slt.u32 s8, $0xFFFFF086  }
0x1c: {  	p1 =	slt.u32 s9, $0xF7A;
	s5 =	simm.s32 @!p2 $0x0  }
0x1d: {  	s5 =	simm.s32 @p1 $0x1;
	p0 =	seq.s32 s7, s2  }
0x1e: {  	s7 =	smul.u32 @!p0 $0xF7A, s2;
	p2 =	seq.s32 @!p0 s5, $0x0  }
0x1f: {  	s9 =	smul.u32 $0xF7A, s1;
	s8 =	simm.s32 @!p0 $0x1BF5;
	p2 =	por !p2, p0  }
0x20: {  	[sflag:s8] =	ssyncset.s32 @!p0 $0xFFFFF086;
	s6 =	sadd.s32 @!p0 s3, s7;
	s7 =	simm.s32 @!p0 $0x108  }
0x21: {  	s3 =	sadd.s32 s3, s9;
	s6 =	sadd.s32 @!p0 $0x88, s6;
	s7 =	simm.s32 @p2 $0x1082  }
0x22: {  	[simem:s7], [sflag:s8] =	dma.local @!p0 [hbm:s6], $0xF7A  }
0x23: {  	s9 =	sor.u32 $0xD0000000, s2;
	s6 =	simm.s32 $0x108;
	_ =	swait.ge @!p0 [sflag:s8], $0x0  }
0x24: {  	s3 =	sadd.s32 $0x88, s3;
	s6 =	simm.s32 @!p1 $0x1082;
	[sflag:s4] =	ssyncset.s32 $0xFFFFF086  }
0x25: {  	[simem:s6], [sflag:s4] =	dma.local [hbm:s3], $0xF7A  }
0x26: {  	[smem:$0x3F91] =	sst s1;
	(tag) =	ssettag s2;
	_ =	strace s9  }
0x27: {  	s1 =	sld [smem:$0x3FA1]  }
0x28: {  	s2 =	sld [smem:$0x3FA2]  }
0x29: {  	s4 =	sld [smem:$0x3FA4]  }
0x2a: {  	p0 =	seq.s32 s5, $0x0;
	s5 =	sld [smem:$0x3FA5]  }
0x2b: {  	s6 =	sld [smem:$0x3FA6]  }
0x2c: {  	s7 =	sld [smem:$0x3FA7]  }
0x2d: {  	s3 =	simm.s32 $0x108;
	s8 =	sld [smem:$0x3FA8]  }
0x2e: {  	s3 =	simm.s32 @!p0 $0x1082;
	s9 =	sld [smem:$0x3FA9]  }
0x2f: {  	lr =	sadd.s32 s0, s3;
	s0 =	sld [smem:$0x3FA0]  }
0x30: {  	s3 =	sld [smem:$0x3FA3]  }
0x31: {  	[smem:$0x3FAC] =	sst s10  }
0x32: {  	s10 =	sld [smem:$0x3FAA];
	_ =	sdelay $0x3  }
0x33: {  	p0 =	seq.s32 s10, $0x1;
	s10 =	sld [smem:$0x3FAC];
	_ =	sdelay $0x3  }
0x34: {  	[smem:$0x3FAC] =	sst s10  }
0x35: {  	s10 =	sld [smem:$0x3FAB];
	_ =	sdelay $0x3  }
0x36: {  	p1 =	seq.s32 s10, $0x1;
	s10 =	sld [smem:$0x3FAC];
	_ =	sdelay $0x3  }
0x37: {  	[smem:$0x3FAC] =	sst s10  }
0x38: {  	s10 =	sld [smem:$0x3FAD]  }
0x39: {  	_ = 	snop;
	(pc) =	sbr.ind lr, $3  }
0x3a: {  	_ = 	snop  }
0x3b: {  	_ = 	snop  }
0x3c: {  	p2 =	seq.s32 s10, $0x1;
	s10 =	sld [smem:$0x3FAC]  }
0x3d: {  	_ =	shalt  }
0x3e: {  	_ =	shalt  }
0x3f: {  	_ =	shalt  }
0x40: {  	_ =	shalt  }
0x41: {  	_ =	shalt  }
0x42: {  	_ =	shalt  }
0x43: {  	_ =	shalt  }
0x44: {  	_ =	shalt  }
0x45: {  	_ =	shalt  }
0x46: {  	_ =	shalt  }
0x47: {  	_ =	shalt  }
0x48: {  	_ =	shalt  }
0x49: {  	_ =	shalt  }
0x4a: {  	_ =	shalt  }
0x4b: {  	_ =	shalt  }
0x4c: {  	_ =	shalt  }
0x4d: {  	_ =	shalt  }
0x4e: {  	_ =	shalt  }
0x4f: {  	_ =	shalt  }
0x50: {  	_ =	shalt  }
0x51: {  	_ =	shalt  }
0x52: {  	_ =	shalt  }
0x53: {  	_ =	shalt  }
0x54: {  	_ =	shalt  }
0x55: {  	_ =	shalt  }
0x56: {  	_ =	shalt  }
0x57: {  	_ =	shalt  }
0x58: {  	_ =	shalt  }
0x59: {  	_ =	shalt  }
0x5a: {  	_ =	shalt  }
0x5b: {  	_ =	shalt  }
0x5c: {  	_ =	shalt  }
0x5d: {  	_ =	shalt  }
0x5e: {  	_ =	shalt  }
0x5f: {  	_ =	shalt  }
0x60: {  	_ =	shalt  }
0x61: {  	_ =	shalt  }
0x62: {  	_ =	shalt  }
0x63: {  	_ =	shalt  }
0x64: {  	_ =	shalt  }
0x65: {  	_ =	shalt  }
0x66: {  	_ =	shalt  }
0x67: {  	_ =	shalt  }
0x68: {  	_ =	shalt  }
0x69: {  	_ =	shalt  }
0x6a: {  	_ =	shalt  }
0x6b: {  	_ =	shalt  }
0x6c: {  	_ =	shalt  }
0x6d: {  	_ =	shalt  }
0x6e: {  	_ =	shalt  }
0x6f: {  	_ =	shalt  }
0x70: {  	_ =	shalt  }
0x71: {  	_ =	shalt  }
0x72: {  	_ =	shalt  }
0x73: {  	_ =	shalt  }
0x74: {  	_ =	shalt  }
0x75: {  	_ =	shalt  }
0x76: {  	_ =	shalt  }
0x77: {  	_ =	shalt  }
0x78: {  	_ =	shalt  }
0x79: {  	_ =	shalt  }
0x7a: {  	_ =	shalt  }
0x7b: {  	_ =	shalt  }
0x7c: {  	_ =	shalt  }
0x7d: {  	_ =	shalt  }
0x7e: {  	_ =	shalt  }
0x7f: {  	_ =	shalt  }
0x80: {  	_ =	shalt  }
0x81: {  	_ =	shalt  }
0x82: {  	_ =	shalt  }
0x83: {  	_ =	shalt  }
0x84: {  	_ =	shalt  }
0x85: {  	_ =	shalt  }
0x86: {  	_ =	shalt  }
0x87: {  	_ =	shalt  }
.Lfunc_end0:
.L_simem_size_0:
called_computation.6_lowered:
.L_overlay_start_0:
0x88: {  	s2 =	sld [smem:$0x3FD9]  }
0x89: {  	s3 =	sld [smem:$0x3FFE];
	_ =	sdelay $0x1  }
0x8a: {  	s1 =	srdreg.scid  }
0x8b: {  	s0 =	sand.u32 $0x1, s1  }
0x8c: {  	s17 =	sshll.u32 s0, $0xA;
	s2 =	sadd.s32 s3, s2  }
0x8d: {  	s2 =	sadd.s32 s2, s17  }
0x8e: {  	[smem:$0x3FB8] =	sst s2  }
0x8f: {  	_ = 	snop  }
0x90: {  	s18 =	sld [smem:$0x3FD0];
	(tm) =	ssettm $0x1  }
0x91: {  	s19 =	sld [smem:$0x3FFB];
	_ =	sdelay $0x3  }
0x92: {  	_ =	strace s19  }
0x93: {  	s2 =	sld [smem:$0x3FFC];
	_ =	sdelay $0x3  }
0x94: {  	_ =	strace s2  }
0x95: {  	s2 =	sld [smem:$0x3FFD];
	_ =	sdelay $0x3  }
0x96: {  	_ =	strace s2  }
0x97: {  	_ =	strace $0x8FFFFFFF  }
0x98: {  	s20 =	sld [smem:$0x3FDB];
	_ =	sdelay $0x1  }
0x99: {  	s4 =	simm.s32 $_scs_section_size  }
0x9a: {  	s5 =	simm.s32 $_size__tile_overlayer_lowered;
	s6 =	simm.s32 $_tile_overlayer_lowered  }
0x9b: {  	s7 =	simm.s32 $0x1BFF;
	s21 =	sshll.u32 s6, $0x1;
	s4 =	sadd.s32 s4, s20  }
0x9c: {  	s22 =	simm.s32 $0x0;
	s5 =	sshll.u32 s5, $0x1;
	s6 =	sadd.s32 s21, s4  }
0x9d: {  	[timem:s22], [sflag:s7] =	dma.local [hbm:s6], s5  }
0x9e: {  	_ =	swait.ge [sflag:s7], s5  }
0x9f: {  	s5 =	ssub.s32 $0x0, s5;
	[sflag:s7] =	ssyncset.done $0x0  }
0xa0: {  	[sflag:s7] =	ssyncadd.s32 s5;
	_ =	sdelay $0x1  }
0xa1: {  	s23 =	simm.s32 $0x1B8B  }
0xa2: {  	_ =	swait.ge [sflag:s23], $0x1  }
0xa3: {  	[sflag:s23] =	ssyncset.done $0x0  }
0xa4: {  	[sflag:s23] =	ssyncadd.s32 $0xFFFFFFFF  }
0xa5: {  	s5 =	sld [smem:$0x0]  }
0xa6: {  	s6 =	sand.u32 $0xFFFFFFFE, s1  }
0xa7: {  	p0 =	sne.s32 s1, s6  }
0xa8: {  	s6 =	sshll.u32 @p0 s6, $0xE  }
0xa9: {  	s6 =	sadd.s32 @p0 $0x11B8D, s6;
	s7 =	sshll.u32 @p0 s5, $0x11  }
0xaa: {  	s6 =	sor.u32 @p0 s7, s6  }
0xab: {  	[sflag:s6] =	ssyncadd.remote.s32 @p0 $0x1;
	_ =	sdelay $0x1  }
0xac: {  	s6 =	simm.s32 @p0 $0x1B8D  }
0xad: {  	_ =	swait.eq @p0 [sflag:s6], $0x1  }
0xae: {  	[sflag:s6] =	ssyncadd.s32 @p0 $0xFFFFFFFF  }
0xaf: {  	s7 =	sshll.u32 @!p0 s1, $0xE  }
0xb0: {  	s7 =	sor.u32 @!p0 $0x4000, s7;
	s6 =	simm.s32 @!p0 $0x1B8D  }
0xb1: {  	s5 =	sshll.u32 @!p0 s5, $0x11;
	s7 =	sadd.s32 @!p0 $0x11B8D, s7;
	_ =	swait.eq @!p0 [sflag:s6], $0x1  }
0xb2: {  	s5 =	sor.u32 @!p0 s5, s7;
	[sflag:s6] =	ssyncadd.s32 @!p0 $0xFFFFFFFF  }
0xb3: {  	s25 =	simm.s32 $0x1B8E;
	s24 =	sld [smem:$0x3FFE];
	[sflag:s5] =	ssyncadd.remote.s32 @!p0 $0x1  }
0xb4: {  	s26 =	simm.s32 $execute0_lowered;
	[smem:$0x3FD2] =	sst s25  }
0xb5: {  	s6 =	sshll.u32 s26, $0x1;
	_ =	strace $0x80000055;
	[dreg:$0x1] =	wrdreg $0xFFFFFFFF  }
0xb6: {  	s28 =	simm.s32 $_size_execute0_lowered;
	s4 =	sadd.s32 s4, s6;
	[dreg:$0x0] =	wrdreg $0x0  }
0xb7: {  	s6 =	sshll.u32 s28, $0x1;
	[dreg:$0x2] =	wrdreg s4  }
0xb8: {  	[dreg:$0x3] =	wrdreg s6  }
0xb9: {  	[dreg:$0x4] =	wrdreg $0xC0  }
0xba: {  	_ =	task [dreg:s22], $0x5FFFF  }
0xbb: {  	[dreg:$0x1] =	wrdreg $0xFFFFFFFF  }
0xbc: {  	[dreg:$0x0] =	wrdreg $0x60  }
0xbd: {  	[dreg:$0x2] =	wrdreg s24  }
0xbe: {  	[dreg:$0x3] =	wrdreg s18  }
0xbf: {  	[dreg:$0x4] =	wrdreg $0xC  }
0xc0: {  	_ =	task.clear_ibuf [dreg:s22], $0x5FFFF;
	_ =	strace $0x90000055  }
0xc1: {  	s29 =	simm.s32 $0xC;
	_ =	strace $0x80000057  }
0xc2: {  	_ =	swait.ge [sflag:s29], $0x1  }
0xc3: {  	[sflag:s29] =	ssyncadd.s32 $0xFFFFFFFF  }
0xc4: {  	_ =	strace $0x90000057  }
0xc5: {  	_ =	sfence  }
0xc6: {  	s30 =	sld [smem:$0x0];
	_ =	sdelay $0x2  }
0xc7: {  	s31 =	sshll.u32 s1, $0xD;
	s1 =	sshrl.u32 s1, $0x2  }
0xc8: {  	s4 =	sand.u32 $0x4000, s31;
	s1 =	sadd.s32 s1, s30  }
0xc9: {  	s0 =	sor.u32 s4, s0;
	s1 =	sshll.u32 s1, $0x11  }
0xca: {  	s0 =	sor.u32 s1, s0  }
0xcb: {  	s0 =	sadd.s32 $0x8F2B, s0  }
0xcc: {  	[sflag:s0] =	ssyncadd.remote.s32 $0x1  }
0xcd: {  	_ =	sfence.sel $0xFFFF  }
0xce: {  	[dreg:$0x0] =	wrdreg $0xFFFFFFFF;
	(pc) =	sbr.abs _section_cstart, $3  }
0xcf: {  	[dreg:$0x1] =	wrdreg $0xFFFFFFFF  }
0xd0: {  	_ =	task.clear_ibuf [dreg:s22], $0x2FFFF;
	_ =	strace $0x9FFFFFFF  }
0xd1: {  	(tm) =	ssettm $0x7FFFFFFF  }
tec
execute0_lowered:
.L_overlay_start_1:
0x0: {  	(tag) =	ssettag $0x1  }
0x1: {  	s7 =	rddreg [dreg:$0x0]  }
0x2: {  	s0 =	srdreg.scid;
	s2 =	rddreg [dreg:$0x1]  }
0x3: {  	s1 =	stileid.u32;
	s5 =	simm.s32 $0x2;
	s9 =	simm.s32 $0x3  }
0x4: {  	s3 =	sshll.u32 s0, $0x4;
	s0 =	rddreg [dreg:$0x2];
	_ =	strace $0x80000056  }
.Ltmp0:
0x5: {  	s4 =	sand.u32 $0x10, s3;
	s3 =	simm.s32 $0x1;
	(pc) =	sbr.rel .LBB2_1-.Ltmp0, $4  }
0x6: {  	s11 =	simm.s32 $0x0;
	s4 =	sor.u32 s1, s4;
	[sflag:s3] =	ssyncpa.u1 $0x0  }
0x7: {  	p0 =	por $0x0, $0x0;
	s4 =	smul.u32 $0xA0, s4;
	[sflag:s5] =	ssyncpa.u1 $0x0  }
0x8: {  	s6 =	sadd.s32 $0x91A00, s7;
	s7 =	sadd.s32 $0x1991A00, s7;
	[sflag:s9] =	ssyncpa.u1 $0x0  }
0x9: {  	vm0 =	vmmov $0xf;
	s9 =	simm.s32 $0x0;
	s8 =	sadd.s32 $0xA0, s4;
	s10 =	smov.u32 s4  }
.LBB2_6:
0xa: {  	[hbm:s15] =	stream.linear.scatter [tilespmem:s12], [sflag:$0x3], $0x200, $0x38;
	[tilespmem:$0x14008] =	vst v63  }
.LBB2_7:
0xb: {  	p1 =	slt.u32 s9, $0x2;
	s11 =	sadd.s32 $0x4, s10  }
0xc: {  	s13 =	smov.u32 s4;
	s9 =	sadd.s32 $0x1, s9;
	p2 =	slt.s32 s11, s8  }
0xd: {  	s13 =	smov.u32 @p2 s11;
	p2 =	sne.s32 s9, $0x2A  }
.Ltmp1:
0xe: {  	_ = 	snop;
	(pc) =	sbr.rel @!p2 .LBB2_8-.Ltmp1, $4  }
0xf: {  	s12 =	simm.s32 @!p1 $0x3  }
0x10: {  	_ =	swait.ge @!p1 [sflag:s12], $0xA000  }
0x11: {  	p0 =	por !p0, !p0;
	[sflag:s12] =	ssyncset.done @!p1 $0x0  }
0x12: {  	s11 =	smov.u32 s10;
	s10 =	smov.u32 s13;
	[sflag:s12] =	ssyncadd.s32 @!p1 $0xFFFF6000  }
.LBB2_1:
0x13: {  	p1 =	sgt.u32 s9, $0x27  }
0x14: {  	s12 =	sxor.u32 @!p1 $0xFFFFFFFF, s9  }
0x15: {  	s31 =	sadd.s32 $0xFFFFFFFF, s9;
	s13 =	sshrl.u32 @!p1 s10, $0x3;
	s12 =	sshll.u32 @!p1 s12, $0x2  }
0x16: {  	s14 =	sand.u32 @!p1 $0x7, s10;
	s13 =	sadd.s32 @!p1 s2, s13;
	s12 =	sand.u32 @!p1 $0x4, s12  }
0x17: {  	[tilespmem:s12], [sflag:$0x2] =	stream.linear.gather @!p1 [hbm4b:s13+s14], $0x4, $0x38;
	[tilespmem:$0x14008] =	vst v63  }
0x18: {  	p1 =	sgt.u32 s31, $0x27  }
.Ltmp2:
0x19: {  	_ = 	snop;
	(pc) =	sbr.rel @p1 .LBB2_7-.Ltmp2, $1  }
0x1a: {  	_ =	sdelay $0x3  }
0x1b: {  	_ =	swait.ge [sflag:s5], $0x4  }
0x1c: {  	s12 =	sand.u32 $0x1, s9;
	[sflag:s5] =	ssyncset.done $0x0  }
0x1d: {  	s12 =	sshll.u32 s12, $0x2;
	[sflag:s5] =	ssyncadd.s32 $0xFFFFFFFC  }
0x1e: {  	v0 =	vld.msk [tilespmem:s12+$0x0 ss:$0x1], $0xf;
	_ =	sdelay $0x4  }
0x1f: {  	vm1 =	vgt.s32 v0, $0x0  }
0x20: {  	v0 =	vnsel vm1, $0x0, v0  }
0x21: {  	v0 =	vmin.u32 v0, $0x27FF  }
0x22: {  	v1 =	vshrl.u32 v0, $0x3  }
0x23: {  	v0 =	vshll.u32 v0, $0x7;
	v1 =	vmul.u32 $0x14000, v1  }
0x24: {  	s12 =	simm.s32 $0x1;
	v0 =	vand.u32 $0x380, v0  }
0x25: {  	s12 =	simm.s32 @!p0 $0x0;
	v0 =	vor.u32 v0, v1  }
0x26: {  	s12 =	smul.u32 $0x28000, s12;
	v0 =	vshrl.u32 v0, $0x3;
	_ =	sdelay $0x1  }
0x27: {  	s12 =	sshrl.u32 s12, $0x2  }
0x28: {  	s12 =	sor.u32 $0x8, s12  }
0x29: {  	s13 =	simm.s32 $0x800;
	s14 =	sadd.s32 $0x0, s12  }
.LBB2_3:
0x2a: {  	[tilespmem:s14], [sflag:$0x1] =	stream.indirect_vreg.gather [hbm:s6], $0x80, v0, vm0, $0x38;
	[tilespmem:$0x14008] =	vst v63  }
0x2b: {  	v0 =	vadd.s32 $0x80, v0;
	s14 =	smov.u32 s13;
	p1 =	sne.s32 s13, $0x27800  }
.Ltmp3:
0x2c: {  	s13 =	sadd.s32 $0x800, s13;
	(pc) =	sbr.rel @p1 .LBB2_3-.Ltmp3, $3  }
0x2d: {  	_ =	sdelay $0x1  }
0x2e: {  	s14 =	sshra.s32 s14, $0x2  }
0x2f: {  	s14 =	sadd.s32 s14, s12  }
0x30: {  	_ =	sdelay $0x3  }
0x31: {  	[tilespmem:s14], [sflag:$0x1] =	stream.indirect_vreg.gather [hbm:s6], $0x80, v0, vm0, $0x38;
	[tilespmem:$0x14008] =	vst v63  }
0x32: {  	s13 =	sshrl.u32 s11, $0x3  }
0x33: {  	s13 =	smul.u32 $0x2800, s13  }
0x34: {  	s31 =	sshll.u32 s11, $0x4  }
0x35: {  	_ =	swait.ge [sflag:s3], $0xA000;
	s11 =	sand.u32 $0x70, s31;
	s13 =	sadd.s32 s13, s7  }
0x36: {  	s14 =	sadd.s32 $0x200, s12;
	[sflag:s3] =	ssyncset.done $0x0;
	s11 =	sadd.s32 s11, s13  }
0x37: {  	[sflag:s3] =	ssyncadd.s32 $0xFFFF6000;
	s13 =	simm.s32 $0x80;
	s15 =	sadd.s32 $0x0, s11  }
.LBB2_5:
0x38: {  	[hbm:s15] =	stream.linear.scatter [tilespmem:s12], [sflag:$0x3], $0x200, $0x38;
	[tilespmem:$0x14008] =	vst v63  }
0x39: {  	s15 =	smov.u32 s13;
	s12 =	smov.u32 s14;
	p1 =	sne.s32 s13, $0x2780  }
.Ltmp4:
0x3a: {  	s13 =	sadd.s32 $0x80, s13;
	(pc) =	sbr.rel @p1 .LBB2_5-.Ltmp4, $2  }
0x3b: {  	_ =	sdelay $0x2  }
0x3c: {  	s14 =	sadd.s32 $0x200, s14;
	s15 =	sadd.s32 s15, s11  }
.Ltmp5:
0x3d: {  	_ = 	snop;
	(pc) =	sbr.rel .LBB2_6-.Ltmp5, $1  }
0x3e: {  	_ =	sdelay $0x3  }
.LBB2_8:
0x3f: {  	_ =	sfence.sel $0x180000  }
0x40: {  	s2 =	simm.s32 $0x2;
	[bflag:$0x0] =	sbarrier.arrive $0xFFFF  }
0x41: {  	s30 =	simm.s32 $0x3;
	[sflag:s2] =	ssyncpa.u1 $0x1  }
0x42: {  	s31 =	simm.s32 $0x1;
	[sflag:s30] =	ssyncpa.u1 $0x1  }
0x43: {  	[sflag:s31] =	ssyncpa.u1 $0x1  }
0x44: {  	p0 =	sne.s32 s1, $0x0;
	_ =	strace $0x90000056  }
0x45: {  	s0 =	sadd.s32 @!p0 $0x100000, s0;
	[bflag:$0x2] =	sbarrier.arrive $0xFFFF  }
0x46: {  	[sflag:s0] =	ssyncadd.tile.s32 @!p0 $0x1;
	_ =	shalt  }
.Lfunc_end2:
_tile_overlayer_lowered:
.L_overlay_start_2:
0x47: {  	(tag) =	ssettag $0x2  }
0x48: {  	s0 =	rddreg [dreg:$0x0];
	s2 =	stileid.u32  }
0x49: {  	s1 =	rddreg [dreg:$0x1];
	p0 =	sne.s32 s2, $0x0  }
0x4a: {  	s3 =	rddreg [dreg:$0x2];
	[bflag:$0x3] =	sbarrier.arrive $0xFFFF;
	s2 =	simm.s32 @!p0 $0x1C01  }
0x4b: {  	[timem:s3], [sflag:s2] =	dma.local @!p0 [hbm:s0], s1  }
0x4c: {  	s0 =	simm.s32 @!p0 $0x1  }
0x4d: {  	_ =	swait.ge @!p0 [sflag:s0], s1  }
0x4e: {  	s1 =	ssub.s32 @!p0 $0x0, s1;
	[sflag:s0] =	ssyncset.done @!p0 $0x0  }
0x4f: {  	[sflag:s0] =	ssyncadd.s32 @!p0 s1  }
0x50: {  	[bflag:$0x3] =	sbarrier.arrive $0xFFFF  }
0x51: {  	_ =	shalt  }

// kernel: gather_offload_async_start.4
scs
__scs_entry_jumppad:
0x0: {  	(pc) =	sbr.rel $0x88, $3  }
0x1: {  	(tag) =	ssettag $0x0;
	lr =	simm.s32 $0x1  }
0x2: {  	[smem:$0x3F91] =	sst lr;
	_ =	strace $0xD0000000  }
0x3: {  	_ = 	snop  }
0x4: {  	_ = 	snop  }
0x5: {  	_ = 	snop  }
0x6: {  	_ = 	snop  }
0x7: {  	_ = 	snop  }
__scs_overlays_trampoline_lowered:
0x8: {  	[smem:$0x3FA0] =	sst s0  }
0x9: {  	[smem:$0x3FA1] =	sst s1  }
0xa: {  	[smem:$0x3FA2] =	sst s2  }
0xb: {  	[smem:$0x3FA3] =	sst s3  }
0xc: {  	[smem:$0x3FA4] =	sst s4  }
0xd: {  	[smem:$0x3FA5] =	sst s5  }
0xe: {  	[smem:$0x3FA6] =	sst s6  }
0xf: {  	[smem:$0x3FA7] =	sst s7  }
0x10: {  	[smem:$0x3FA8] =	sst s8  }
0x11: {  	[smem:$0x3FA9] =	sst s9;
	s0 =	simm.s32 @!p0 $0x0  }
0x12: {  	s1 =	sld [smem:$0x3F8F];
	s0 =	simm.s32 @p0 $0x1  }
0x13: {  	[smem:$0x3FAA] =	sst s0;
	s0 =	simm.s32 @!p1 $0x0  }
0x14: {  	s2 =	sld [smem:$0x3F8E];
	s0 =	simm.s32 @p1 $0x1  }
0x15: {  	[smem:$0x3FAB] =	sst s0;
	s0 =	simm.s32 @!p2 $0x0  }
0x16: {  	s3 =	sld [smem:$0x3FDB];
	s0 =	simm.s32 @p2 $0x1  }
0x17: {  	s4 =	simm.s32 $0x1BF5;
	[smem:$0x3FAD] =	sst s0  }
0x18: {  	s0 =	sld [smem:$0x3F90];
	_ =	swait.ge [sflag:s4], $0x0  }
0x19: {  	s7 =	sld [smem:$0x3F91]  }
0x1a: {  	s8 =	sadd.s32 $0xFFFFE003, lr  }
0x1b: {  	s9 =	sadd.s32 $0xFFFFFEF7, lr;
	s5 =	simm.s32 $0xFFFFFFFF;
	p2 =	slt.u32 s8, $0xFFFFF086  }
0x1c: {  	p1 =	slt.u32 s9, $0xF7A;
	s5 =	simm.s32 @!p2 $0x0  }
0x1d: {  	s5 =	simm.s32 @p1 $0x1;
	p0 =	seq.s32 s7, s2  }
0x1e: {  	s7 =	smul.u32 @!p0 $0xF7A, s2;
	p2 =	seq.s32 @!p0 s5, $0x0  }
0x1f: {  	s9 =	smul.u32 $0xF7A, s1;
	s8 =	simm.s32 @!p0 $0x1BF5;
	p2 =	por !p2, p0  }
0x20: {  	[sflag:s8] =	ssyncset.s32 @!p0 $0xFFFFF086;
	s6 =	sadd.s32 @!p0 s3, s7;
	s7 =	simm.s32 @!p0 $0x108  }
0x21: {  	s3 =	sadd.s32 s3, s9;
	s6 =	sadd.s32 @!p0 $0x88, s6;
	s7 =	simm.s32 @p2 $0x1082  }
0x22: {  	[simem:s7], [sflag:s8] =	dma.local @!p0 [hbm:s6], $0xF7A  }
0x23: {  	s9 =	sor.u32 $0xD0000000, s2;
	s6 =	simm.s32 $0x108;
	_ =	swait.ge @!p0 [sflag:s8], $0x0  }
0x24: {  	s3 =	sadd.s32 $0x88, s3;
	s6 =	simm.s32 @!p1 $0x1082;
	[sflag:s4] =	ssyncset.s32 $0xFFFFF086  }
0x25: {  	[simem:s6], [sflag:s4] =	dma.local [hbm:s3], $0xF7A  }
0x26: {  	[smem:$0x3F91] =	sst s1;
	(tag) =	ssettag s2;
	_ =	strace s9  }
0x27: {  	s1 =	sld [smem:$0x3FA1]  }
0x28: {  	s2 =	sld [smem:$0x3FA2]  }
0x29: {  	s4 =	sld [smem:$0x3FA4]  }
0x2a: {  	p0 =	seq.s32 s5, $0x0;
	s5 =	sld [smem:$0x3FA5]  }
0x2b: {  	s6 =	sld [smem:$0x3FA6]  }
0x2c: {  	s7 =	sld [smem:$0x3FA7]  }
0x2d: {  	s3 =	simm.s32 $0x108;
	s8 =	sld [smem:$0x3FA8]  }
0x2e: {  	s3 =	simm.s32 @!p0 $0x1082;
	s9 =	sld [smem:$0x3FA9]  }
0x2f: {  	lr =	sadd.s32 s0, s3;
	s0 =	sld [smem:$0x3FA0]  }
0x30: {  	s3 =	sld [smem:$0x3FA3]  }
0x31: {  	[smem:$0x3FAC] =	sst s10  }
0x32: {  	s10 =	sld [smem:$0x3FAA];
	_ =	sdelay $0x3  }
0x33: {  	p0 =	seq.s32 s10, $0x1;
	s10 =	sld [smem:$0x3FAC];
	_ =	sdelay $0x3  }
0x34: {  	[smem:$0x3FAC] =	sst s10  }
0x35: {  	s10 =	sld [smem:$0x3FAB];
	_ =	sdelay $0x3  }
0x36: {  	p1 =	seq.s32 s10, $0x1;
	s10 =	sld [smem:$0x3FAC];
	_ =	sdelay $0x3  }
0x37: {  	[smem:$0x3FAC] =	sst s10  }
0x38: {  	s10 =	sld [smem:$0x3FAD]  }
0x39: {  	_ = 	snop;
	(pc) =	sbr.ind lr, $3  }
0x3a: {  	_ = 	snop  }
0x3b: {  	_ = 	snop  }
0x3c: {  	p2 =	seq.s32 s10, $0x1;
	s10 =	sld [smem:$0x3FAC]  }
0x3d: {  	_ =	shalt  }
0x3e: {  	_ =	shalt  }
0x3f: {  	_ =	shalt  }
0x40: {  	_ =	shalt  }
0x41: {  	_ =	shalt  }
0x42: {  	_ =	shalt  }
0x43: {  	_ =	shalt  }
0x44: {  	_ =	shalt  }
0x45: {  	_ =	shalt  }
0x46: {  	_ =	shalt  }
0x47: {  	_ =	shalt  }
0x48: {  	_ =	shalt  }
0x49: {  	_ =	shalt  }
0x4a: {  	_ =	shalt  }
0x4b: {  	_ =	shalt  }
0x4c: {  	_ =	shalt  }
0x4d: {  	_ =	shalt  }
0x4e: {  	_ =	shalt  }
0x4f: {  	_ =	shalt  }
0x50: {  	_ =	shalt  }
0x51: {  	_ =	shalt  }
0x52: {  	_ =	shalt  }
0x53: {  	_ =	shalt  }
0x54: {  	_ =	shalt  }
0x55: {  	_ =	shalt  }
0x56: {  	_ =	shalt  }
0x57: {  	_ =	shalt  }
0x58: {  	_ =	shalt  }
0x59: {  	_ =	shalt  }
0x5a: {  	_ =	shalt  }
0x5b: {  	_ =	shalt  }
0x5c: {  	_ =	shalt  }
0x5d: {  	_ =	shalt  }
0x5e: {  	_ =	shalt  }
0x5f: {  	_ =	shalt  }
0x60: {  	_ =	shalt  }
0x61: {  	_ =	shalt  }
0x62: {  	_ =	shalt  }
0x63: {  	_ =	shalt  }
0x64: {  	_ =	shalt  }
0x65: {  	_ =	shalt  }
0x66: {  	_ =	shalt  }
0x67: {  	_ =	shalt  }
0x68: {  	_ =	shalt  }
0x69: {  	_ =	shalt  }
0x6a: {  	_ =	shalt  }
0x6b: {  	_ =	shalt  }
0x6c: {  	_ =	shalt  }
0x6d: {  	_ =	shalt  }
0x6e: {  	_ =	shalt  }
0x6f: {  	_ =	shalt  }
0x70: {  	_ =	shalt  }
0x71: {  	_ =	shalt  }
0x72: {  	_ =	shalt  }
0x73: {  	_ =	shalt  }
0x74: {  	_ =	shalt  }
0x75: {  	_ =	shalt  }
0x76: {  	_ =	shalt  }
0x77: {  	_ =	shalt  }
0x78: {  	_ =	shalt  }
0x79: {  	_ =	shalt  }
0x7a: {  	_ =	shalt  }
0x7b: {  	_ =	shalt  }
0x7c: {  	_ =	shalt  }
0x7d: {  	_ =	shalt  }
0x7e: {  	_ =	shalt  }
0x7f: {  	_ =	shalt  }
0x80: {  	_ =	shalt  }
0x81: {  	_ =	shalt  }
0x82: {  	_ =	shalt  }
0x83: {  	_ =	shalt  }
0x84: {  	_ =	shalt  }
0x85: {  	_ =	shalt  }
0x86: {  	_ =	shalt  }
0x87: {  	_ =	shalt  }
.Lfunc_end0:
.L_simem_size_0:
called_computation.7_lowered:
.L_overlay_start_0:
0x88: {  	s2 =	sld [smem:$0x3FD9]  }
0x89: {  	s3 =	sld [smem:$0x3FFE];
	_ =	sdelay $0x1  }
0x8a: {  	s1 =	srdreg.scid  }
0x8b: {  	s0 =	sand.u32 $0x1, s1  }
0x8c: {  	s17 =	sshll.u32 s0, $0xA;
	s2 =	sadd.s32 s3, s2  }
0x8d: {  	s2 =	sadd.s32 s2, s17  }
0x8e: {  	[smem:$0x3FB8] =	sst s2  }
0x8f: {  	_ = 	snop  }
0x90: {  	(tm) =	ssettm $0x1  }
0x91: {  	s18 =	sld [smem:$0x3FFB];
	_ =	sdelay $0x3  }
0x92: {  	_ =	strace s18  }
0x93: {  	s2 =	sld [smem:$0x3FFC];
	_ =	sdelay $0x3  }
0x94: {  	_ =	strace s2  }
0x95: {  	s2 =	sld [smem:$0x3FFD];
	_ =	sdelay $0x3  }
0x96: {  	_ =	strace s2  }
0x97: {  	_ =	strace $0x8FFFFFFF  }
0x98: {  	s19 =	sld [smem:$0x3FDB];
	_ =	sdelay $0x1  }
0x99: {  	s20 =	simm.s32 $_scs_section_size  }
0x9a: {  	s4 =	simm.s32 $_size__tile_overlayer_lowered;
	s5 =	simm.s32 $_tile_overlayer_lowered  }
0x9b: {  	s6 =	simm.s32 $0x1BFF;
	s21 =	sshll.u32 s5, $0x1;
	s3 =	sadd.s32 s20, s19  }
0x9c: {  	s22 =	simm.s32 $0x0;
	s4 =	sshll.u32 s4, $0x1;
	s5 =	sadd.s32 s21, s3  }
0x9d: {  	[timem:s22], [sflag:s6] =	dma.local [hbm:s5], s4  }
0x9e: {  	_ =	swait.ge [sflag:s6], s4  }
0x9f: {  	s4 =	ssub.s32 $0x0, s4;
	[sflag:s6] =	ssyncset.done $0x0  }
0xa0: {  	[sflag:s6] =	ssyncadd.s32 s4;
	_ =	sdelay $0x1  }
0xa1: {  	s23 =	simm.s32 $0x1B8B  }
0xa2: {  	_ =	swait.ge [sflag:s23], $0x1  }
0xa3: {  	[sflag:s23] =	ssyncset.done $0x0  }
0xa4: {  	[sflag:s23] =	ssyncadd.s32 $0xFFFFFFFF  }
0xa5: {  	s4 =	sld [smem:$0x0]  }
0xa6: {  	s5 =	sand.u32 $0xFFFFFFFE, s1  }
0xa7: {  	p0 =	sne.s32 s1, s5  }
0xa8: {  	s5 =	sshll.u32 @p0 s5, $0xE  }
0xa9: {  	s5 =	sadd.s32 @p0 $0x11B8D, s5;
	s6 =	sshll.u32 @p0 s4, $0x11  }
0xaa: {  	s5 =	sor.u32 @p0 s6, s5  }
0xab: {  	[sflag:s5] =	ssyncadd.remote.s32 @p0 $0x1;
	_ =	sdelay $0x1  }
0xac: {  	s5 =	simm.s32 @p0 $0x1B8D  }
0xad: {  	_ =	swait.eq @p0 [sflag:s5], $0x1  }
0xae: {  	[sflag:s5] =	ssyncadd.s32 @p0 $0xFFFFFFFF  }
0xaf: {  	s6 =	sshll.u32 @!p0 s1, $0xE  }
0xb0: {  	s6 =	sor.u32 @!p0 $0x4000, s6;
	s5 =	simm.s32 @!p0 $0x1B8D  }
0xb1: {  	s4 =	sshll.u32 @!p0 s4, $0x11;
	s6 =	sadd.s32 @!p0 $0x11B8D, s6;
	_ =	swait.eq @!p0 [sflag:s5], $0x1  }
0xb2: {  	s4 =	sor.u32 @!p0 s4, s6;
	[sflag:s5] =	ssyncadd.s32 @!p0 $0xFFFFFFFF  }
0xb3: {  	s25 =	simm.s32 $0x1B8E;
	s24 =	sld [smem:$0x3FFE];
	[sflag:s4] =	ssyncadd.remote.s32 @!p0 $0x1  }
0xb4: {  	s26 =	simm.s32 $execute0_lowered;
	[smem:$0x3FD2] =	sst s25  }
0xb5: {  	s5 =	sshll.u32 s26, $0x1;
	_ =	strace $0x8000005E;
	[dreg:$0x1] =	wrdreg $0xFFFFFFFF  }
0xb6: {  	s28 =	simm.s32 $_size_execute0_lowered;
	s3 =	sadd.s32 s3, s5;
	[dreg:$0x0] =	wrdreg $0x0  }
0xb7: {  	s5 =	sshll.u32 s28, $0x1;
	[dreg:$0x2] =	wrdreg s3  }
0xb8: {  	[dreg:$0x3] =	wrdreg s5  }
0xb9: {  	[dreg:$0x4] =	wrdreg $0xC0  }
0xba: {  	_ =	task [dreg:s22], $0x5FFFF  }
0xbb: {  	[dreg:$0x1] =	wrdreg $0xFFFFFFFF  }
0xbc: {  	[dreg:$0x0] =	wrdreg $0x60  }
0xbd: {  	[dreg:$0x2] =	wrdreg s24  }
0xbe: {  	[dreg:$0x3] =	wrdreg $0x9  }
0xbf: {  	_ =	task.clear_ibuf [dreg:s22], $0x4FFFF;
	_ =	strace $0x9000005E  }
0xc0: {  	s29 =	simm.s32 $0x9;
	_ =	strace $0x80000060  }
0xc1: {  	_ =	swait.ge [sflag:s29], $0x1  }
0xc2: {  	[sflag:s29] =	ssyncadd.s32 $0xFFFFFFFF  }
0xc3: {  	_ =	strace $0x90000060  }
0xc4: {  	_ =	sfence  }
0xc5: {  	s30 =	sld [smem:$0x0];
	_ =	sdelay $0x2  }
0xc6: {  	s31 =	sshll.u32 s1, $0xD;
	s1 =	sshrl.u32 s1, $0x2  }
0xc7: {  	s4 =	sand.u32 $0x4000, s31;
	s1 =	sadd.s32 s1, s30  }
0xc8: {  	s0 =	sor.u32 s4, s0;
	s1 =	sshll.u32 s1, $0x11  }
0xc9: {  	s0 =	sor.u32 s1, s0  }
0xca: {  	s0 =	sadd.s32 $0x8F2B, s0  }
0xcb: {  	[sflag:s0] =	ssyncadd.remote.s32 $0x1  }
0xcc: {  	_ =	sfence.sel $0xFFFF  }
0xcd: {  	[dreg:$0x0] =	wrdreg $0xFFFFFFFF;
	(pc) =	sbr.abs _section_cstart, $3  }
0xce: {  	[dreg:$0x1] =	wrdreg $0xFFFFFFFF  }
0xcf: {  	_ =	task.clear_ibuf [dreg:s22], $0x2FFFF;
	_ =	strace $0x9FFFFFFF  }
0xd0: {  	(tm) =	ssettm $0x7FFFFFFF  }
0xd1: {  	_ =	shalt  }
tec
execute0_lowered:
.L_overlay_start_1:
0x0: {  	(tag) =	ssettag $0x1  }
0x1: {  	s7 =	rddreg [dreg:$0x0]  }
0x2: {  	s1 =	srdreg.scid;
	s0 =	rddreg [dreg:$0x1]  }
0x3: {  	_ =	strace $0x8000005F;
	s3 =	simm.s32 $0x1;
	s5 =	simm.s32 $0x2  }
0x4: {  	s9 =	simm.s32 $0x3;
	s11 =	simm.s32 $0x0;
	s2 =	sshll.u32 s1, $0x4  }
.Ltmp0:
0x5: {  	s1 =	stileid.u32;
	s4 =	sand.u32 $0x10, s2;
	(pc) =	sbr.rel .LBB2_1-.Ltmp0, $4  }
0x6: {  	p0 =	por $0x0, $0x0;
	[sflag:s3] =	ssyncpa.u1 $0x0;
	s4 =	sor.u32 s1, s4  }
0x7: {  	s6 =	sadd.s32 $0x3C200, s7;
	[sflag:s5] =	ssyncpa.u1 $0x0;
	s4 =	smul.u32 $0x50, s4  }
0x8: {  	s2 =	sadd.s32 $0x3B1A00, s7;
	s7 =	sadd.s32 $0x889A00, s7;
	[sflag:s9] =	ssyncpa.u1 $0x0  }
0x9: {  	vm0 =	vmmov $0xff;
	s9 =	simm.s32 $0x0;
	s8 =	sadd.s32 $0x50, s4;
	s10 =	smov.u32 s4  }
.LBB2_4:
0xa: {  	_ =	sdelay $0x3  }
0xb: {  	[tilespmem:s15], [sflag:$0x1] =	stream.indirect_vreg.gather [hbm:s2], $0x80, v0, vm0, $0x38;
	[tilespmem:$0x14010] =	vst v63  }
0xc: {  	s13 =	sshrl.u32 s11, $0x3;
	s31 =	sshll.u32 s11, $0x4  }
0xd: {  	_ =	swait.ge [sflag:s3], $0xA000;
	s13 =	smul.u32 $0x1400, s13;
	s11 =	sand.u32 $0x70, s31  }
0xe: {  	[sflag:s3] =	ssyncset.done $0x0;
	s11 =	sadd.s32 s7, s11  }
0xf: {  	[sflag:s3] =	ssyncadd.s32 $0xFFFF6000;
	s11 =	sadd.s32 s13, s11  }
0x10: {  	[hbm:s11] =	stream.linear.scatter [tilespmem:s12], [sflag:$0x3], $0xA000, $0x38;
	[tilespmem:$0x14010] =	vst v63  }
.LBB2_5:
0x11: {  	p1 =	slt.u32 s9, $0x2;
	s11 =	sadd.s32 $0x8, s10  }
0x12: {  	s13 =	smov.u32 s4;
	s9 =	sadd.s32 $0x1, s9;
	p2 =	slt.s32 s11, s8  }
0x13: {  	s13 =	smov.u32 @p2 s11;
	p2 =	sne.s32 s9, $0xC  }
.Ltmp1:
0x14: {  	_ = 	snop;
	(pc) =	sbr.rel @!p2 .LBB2_6-.Ltmp1, $4  }
0x15: {  	s12 =	simm.s32 @!p1 $0x3  }
0x16: {  	_ =	swait.ge @!p1 [sflag:s12], $0xA000  }
0x17: {  	p0 =	por !p0, !p0;
	[sflag:s12] =	ssyncset.done @!p1 $0x0  }
0x18: {  	s11 =	smov.u32 s10;
	s10 =	smov.u32 s13;
	[sflag:s12] =	ssyncadd.s32 @!p1 $0xFFFF6000  }
.LBB2_1:
0x19: {  	p1 =	sgt.u32 s9, $0x9  }
0x1a: {  	s12 =	sxor.u32 @!p1 $0xFFFFFFFF, s9  }
0x1b: {  	s31 =	sadd.s32 $0xFFFFFFFF, s9;
	s13 =	sshrl.u32 @!p1 s10, $0x3;
	s12 =	sshll.u32 @!p1 s12, $0x3  }
0x1c: {  	s14 =	sand.u32 @!p1 $0x7, s10;
	s13 =	sadd.s32 @!p1 s6, s13;
	s12 =	sand.u32 @!p1 $0x8, s12  }
0x1d: {  	[tilespmem:s12], [sflag:$0x2] =	stream.linear.gather @!p1 [hbm4b:s13+s14], $0x8, $0x38;
	[tilespmem:$0x14010] =	vst v63  }
0x1e: {  	p1 =	sgt.u32 s31, $0x9  }
.Ltmp2:
0x1f: {  	_ = 	snop;
	(pc) =	sbr.rel @p1 .LBB2_5-.Ltmp2, $1  }
0x20: {  	_ =	sdelay $0x3  }
0x21: {  	_ =	swait.ge [sflag:s5], $0x8  }
0x22: {  	s12 =	sand.u32 $0x1, s9;
	[sflag:s5] =	ssyncset.done $0x0  }
0x23: {  	s13 =	sshll.u32 s12, $0x3;
	[sflag:s5] =	ssyncadd.s32 $0xFFFFFFF8  }
0x24: {  	v0 =	vld.msk [tilespmem:s13+$0x0 ss:$0x1], $0xff;
	_ =	sdelay $0x4  }
0x25: {  	vm1 =	vgt.s32 v0, $0x0  }
0x26: {  	v0 =	vnsel vm1, $0x0, v0  }
0x27: {  	v0 =	vmin.u32 v0, $0x13FF  }
0x28: {  	v1 =	vshrl.u32 v0, $0x3  }
0x29: {  	v0 =	vshll.u32 v0, $0x7;
	v1 =	vmul.u32 $0xA000, v1  }
0x2a: {  	s13 =	simm.s32 $0x1;
	v0 =	vand.u32 $0x380, v0  }
0x2b: {  	s13 =	simm.s32 @!p0 $0x0;
	v0 =	vor.u32 v0, v1  }
0x2c: {  	s13 =	smul.u32 $0x28000, s13;
	v0 =	vshrl.u32 v0, $0x3  }
0x2d: {  	s12 =	smul.u32 $0x28000, s12  }
0x2e: {  	s13 =	sshrl.u32 s13, $0x2  }
0x2f: {  	s12 =	sshrl.u32 s12, $0x2;
	s13 =	sor.u32 $0x10, s13  }
0x30: {  	s14 =	simm.s32 $0x1000;
	s12 =	sor.u32 $0x10, s12;
	s15 =	sadd.s32 $0x0, s13  }
.LBB2_3:
0x31: {  	[tilespmem:s15], [sflag:$0x1] =	stream.indirect_vreg.gather [hbm:s2], $0x80, v0, vm0, $0x38;
	[tilespmem:$0x14010] =	vst v63  }
0x32: {  	v0 =	vadd.s32 $0x80, v0;
	s15 =	smov.u32 s14;
	p1 =	sne.s32 s14, $0x27000  }
.Ltmp3:
0x33: {  	s14 =	sadd.s32 $0x1000, s14;
	(pc) =	sbr.rel @p1 .LBB2_3-.Ltmp3, $3  }
0x34: {  	_ =	sdelay $0x1  }
0x35: {  	s15 =	sshra.s32 s15, $0x2  }
0x36: {  	s15 =	sadd.s32 s15, s13  }
.Ltmp4:
0x37: {  	_ = 	snop;
	(pc) =	sbr.rel .LBB2_4-.Ltmp4, $1  }
0x38: {  	_ =	sdelay $0x3  }
.LBB2_6:
0x39: {  	_ =	sfence.sel $0x180000  }
0x3a: {  	s2 =	simm.s32 $0x2;
	[bflag:$0x0] =	sbarrier.arrive $0xFFFF  }
0x3b: {  	s30 =	simm.s32 $0x3;
	[sflag:s2] =	ssyncpa.u1 $0x1  }
0x3c: {  	s31 =	simm.s32 $0x1;
	[sflag:s30] =	ssyncpa.u1 $0x1  }
0x3d: {  	[sflag:s31] =	ssyncpa.u1 $0x1  }
0x3e: {  	p0 =	sne.s32 s1, $0x0;
	_ =	strace $0x9000005F  }
0x3f: {  	s0 =	sadd.s32 @!p0 $0x100000, s0;
	[bflag:$0x2] =	sbarrier.arrive $0xFFFF  }
0x40: {  	[sflag:s0] =	ssyncadd.tile.s32 @!p0 $0x1;
	_ =	shalt  }
.Lfunc_end2:
_tile_overlayer_lowered:
.L_overlay_start_2:
0x41: {  	(tag) =	ssettag $0x2  }
0x42: {  	s0 =	rddreg [dreg:$0x0];
	s2 =	stileid.u32  }
0x43: {  	s1 =	rddreg [dreg:$0x1];
	p0 =	sne.s32 s2, $0x0  }
0x44: {  	s3 =	rddreg [dreg:$0x2];
	[bflag:$0x3] =	sbarrier.arrive $0xFFFF;
	s2 =	simm.s32 @!p0 $0x1C01  }
0x45: {  	[timem:s3], [sflag:s2] =	dma.local @!p0 [hbm:s0], s1  }
0x46: {  	s0 =	simm.s32 @!p0 $0x1  }
0x47: {  	_ =	swait.ge @!p0 [sflag:s0], s1  }
0x48: {  	s1 =	ssub.s32 @!p0 $0x0, s1;
	[sflag:s0] =	ssyncset.done @!p0 $0x0  }
0x49: {  	[sflag:s0] =	ssyncadd.s32 @!p0 s1  }
0x4a: {  	[bflag:$0x3] =	sbarrier.arrive $0xFFFF  }
0x4b: {  	_ =	shalt  }

// kernel: gather_offload_async_start.5
scs
__scs_entry_jumppad:
0x0: {  	(pc) =	sbr.rel $0x88, $3  }
0x1: {  	(tag) =	ssettag $0x0;
	lr =	simm.s32 $0x1  }
0x2: {  	[smem:$0x3F91] =	sst lr;
	_ =	strace $0xD0000000  }
0x3: {  	_ = 	snop  }
0x4: {  	_ = 	snop  }
0x5: {  	_ = 	snop  }
0x6: {  	_ = 	snop  }
0x7: {  	_ = 	snop  }
__scs_overlays_trampoline_lowered:
0x8: {  	[smem:$0x3FA0] =	sst s0  }
0x9: {  	[smem:$0x3FA1] =	sst s1  }
0xa: {  	[smem:$0x3FA2] =	sst s2  }
0xb: {  	[smem:$0x3FA3] =	sst s3  }
0xc: {  	[smem:$0x3FA4] =	sst s4  }
0xd: {  	[smem:$0x3FA5] =	sst s5  }
0xe: {  	[smem:$0x3FA6] =	sst s6  }
0xf: {  	[smem:$0x3FA7] =	sst s7  }
0x10: {  	[smem:$0x3FA8] =	sst s8  }
0x11: {  	[smem:$0x3FA9] =	sst s9;
	s0 =	simm.s32 @!p0 $0x0  }
0x12: {  	s1 =	sld [smem:$0x3F8F];
	s0 =	simm.s32 @p0 $0x1  }
0x13: {  	[smem:$0x3FAA] =	sst s0;
	s0 =	simm.s32 @!p1 $0x0  }
0x14: {  	s2 =	sld [smem:$0x3F8E];
	s0 =	simm.s32 @p1 $0x1  }
0x15: {  	[smem:$0x3FAB] =	sst s0;
	s0 =	simm.s32 @!p2 $0x0  }
0x16: {  	s3 =	sld [smem:$0x3FDB];
	s0 =	simm.s32 @p2 $0x1  }
0x17: {  	s4 =	simm.s32 $0x1BF5;
	[smem:$0x3FAD] =	sst s0  }
0x18: {  	s0 =	sld [smem:$0x3F90];
	_ =	swait.ge [sflag:s4], $0x0  }
0x19: {  	s7 =	sld [smem:$0x3F91]  }
0x1a: {  	s8 =	sadd.s32 $0xFFFFE003, lr  }
0x1b: {  	s9 =	sadd.s32 $0xFFFFFEF7, lr;
	s5 =	simm.s32 $0xFFFFFFFF;
	p2 =	slt.u32 s8, $0xFFFFF086  }
0x1c: {  	p1 =	slt.u32 s9, $0xF7A;
	s5 =	simm.s32 @!p2 $0x0  }
0x1d: {  	s5 =	simm.s32 @p1 $0x1;
	p0 =	seq.s32 s7, s2  }
0x1e: {  	s7 =	smul.u32 @!p0 $0xF7A, s2;
	p2 =	seq.s32 @!p0 s5, $0x0  }
0x1f: {  	s9 =	smul.u32 $0xF7A, s1;
	s8 =	simm.s32 @!p0 $0x1BF5;
	p2 =	por !p2, p0  }
0x20: {  	[sflag:s8] =	ssyncset.s32 @!p0 $0xFFFFF086;
	s6 =	sadd.s32 @!p0 s3, s7;
	s7 =	simm.s32 @!p0 $0x108  }
0x21: {  	s3 =	sadd.s32 s3, s9;
	s6 =	sadd.s32 @!p0 $0x88, s6;
	s7 =	simm.s32 @p2 $0x1082  }
0x22: {  	[simem:s7], [sflag:s8] =	dma.local @!p0 [hbm:s6], $0xF7A  }
0x23: {  	s9 =	sor.u32 $0xD0000000, s2;
	s6 =	simm.s32 $0x108;
	_ =	swait.ge @!p0 [sflag:s8], $0x0  }
0x24: {  	s3 =	sadd.s32 $0x88, s3;
	s6 =	simm.s32 @!p1 $0x1082;
	[sflag:s4] =	ssyncset.s32 $0xFFFFF086  }
0x25: {  	[simem:s6], [sflag:s4] =	dma.local [hbm:s3], $0xF7A  }
0x26: {  	[smem:$0x3F91] =	sst s1;
	(tag) =	ssettag s2;
	_ =	strace s9  }
0x27: {  	s1 =	sld [smem:$0x3FA1]  }
0x28: {  	s2 =	sld [smem:$0x3FA2]  }
0x29: {  	s4 =	sld [smem:$0x3FA4]  }
0x2a: {  	p0 =	seq.s32 s5, $0x0;
	s5 =	sld [smem:$0x3FA5]  }
0x2b: {  	s6 =	sld [smem:$0x3FA6]  }
0x2c: {  	s7 =	sld [smem:$0x3FA7]  }
0x2d: {  	s3 =	simm.s32 $0x108;
	s8 =	sld [smem:$0x3FA8]  }
0x2e: {  	s3 =	simm.s32 @!p0 $0x1082;
	s9 =	sld [smem:$0x3FA9]  }
0x2f: {  	lr =	sadd.s32 s0, s3;
	s0 =	sld [smem:$0x3FA0]  }
0x30: {  	s3 =	sld [smem:$0x3FA3]  }
0x31: {  	[smem:$0x3FAC] =	sst s10  }
0x32: {  	s10 =	sld [smem:$0x3FAA];
	_ =	sdelay $0x3  }
0x33: {  	p0 =	seq.s32 s10, $0x1;
	s10 =	sld [smem:$0x3FAC];
	_ =	sdelay $0x3  }
0x34: {  	[smem:$0x3FAC] =	sst s10  }
0x35: {  	s10 =	sld [smem:$0x3FAB];
	_ =	sdelay $0x3  }
0x36: {  	p1 =	seq.s32 s10, $0x1;
	s10 =	sld [smem:$0x3FAC];
	_ =	sdelay $0x3  }
0x37: {  	[smem:$0x3FAC] =	sst s10  }
0x38: {  	s10 =	sld [smem:$0x3FAD]  }
0x39: {  	_ = 	snop;
	(pc) =	sbr.ind lr, $3  }
0x3a: {  	_ = 	snop  }
0x3b: {  	_ = 	snop  }
0x3c: {  	p2 =	seq.s32 s10, $0x1;
	s10 =	sld [smem:$0x3FAC]  }
0x3d: {  	_ =	shalt  }
0x3e: {  	_ =	shalt  }
0x3f: {  	_ =	shalt  }
0x40: {  	_ =	shalt  }
0x41: {  	_ =	shalt  }
0x42: {  	_ =	shalt  }
0x43: {  	_ =	shalt  }
0x44: {  	_ =	shalt  }
0x45: {  	_ =	shalt  }
0x46: {  	_ =	shalt  }
0x47: {  	_ =	shalt  }
0x48: {  	_ =	shalt  }
0x49: {  	_ =	shalt  }
0x4a: {  	_ =	shalt  }
0x4b: {  	_ =	shalt  }
0x4c: {  	_ =	shalt  }
0x4d: {  	_ =	shalt  }
0x4e: {  	_ =	shalt  }
0x4f: {  	_ =	shalt  }
0x50: {  	_ =	shalt  }
0x51: {  	_ =	shalt  }
0x52: {  	_ =	shalt  }
0x53: {  	_ =	shalt  }
0x54: {  	_ =	shalt  }
0x55: {  	_ =	shalt  }
0x56: {  	_ =	shalt  }
0x57: {  	_ =	shalt  }
0x58: {  	_ =	shalt  }
0x59: {  	_ =	shalt  }
0x5a: {  	_ =	shalt  }
0x5b: {  	_ =	shalt  }
0x5c: {  	_ =	shalt  }
0x5d: {  	_ =	shalt  }
0x5e: {  	_ =	shalt  }
0x5f: {  	_ =	shalt  }
0x60: {  	_ =	shalt  }
0x61: {  	_ =	shalt  }
0x62: {  	_ =	shalt  }
0x63: {  	_ =	shalt  }
0x64: {  	_ =	shalt  }
0x65: {  	_ =	shalt  }
0x66: {  	_ =	shalt  }
0x67: {  	_ =	shalt  }
0x68: {  	_ =	shalt  }
0x69: {  	_ =	shalt  }
0x6a: {  	_ =	shalt  }
0x6b: {  	_ =	shalt  }
0x6c: {  	_ =	shalt  }
0x6d: {  	_ =	shalt  }
0x6e: {  	_ =	shalt  }
0x6f: {  	_ =	shalt  }
0x70: {  	_ =	shalt  }
0x71: {  	_ =	shalt  }
0x72: {  	_ =	shalt  }
0x73: {  	_ =	shalt  }
0x74: {  	_ =	shalt  }
0x75: {  	_ =	shalt  }
0x76: {  	_ =	shalt  }
0x77: {  	_ =	shalt  }
0x78: {  	_ =	shalt  }
0x79: {  	_ =	shalt  }
0x7a: {  	_ =	shalt  }
0x7b: {  	_ =	shalt  }
0x7c: {  	_ =	shalt  }
0x7d: {  	_ =	shalt  }
0x7e: {  	_ =	shalt  }
0x7f: {  	_ =	shalt  }
0x80: {  	_ =	shalt  }
0x81: {  	_ =	shalt  }
0x82: {  	_ =	shalt  }
0x83: {  	_ =	shalt  }
0x84: {  	_ =	shalt  }
0x85: {  	_ =	shalt  }
0x86: {  	_ =	shalt  }
0x87: {  	_ =	shalt  }
.Lfunc_end0:
.L_simem_size_0:
called_computation.8_lowered:
.L_overlay_start_0:
0x88: {  	s2 =	sld [smem:$0x3FD9]  }
0x89: {  	s3 =	sld [smem:$0x3FFE];
	_ =	sdelay $0x1  }
0x8a: {  	s1 =	srdreg.scid  }
0x8b: {  	s0 =	sand.u32 $0x1, s1  }
0x8c: {  	s16 =	sshll.u32 s0, $0xA;
	s2 =	sadd.s32 s3, s2  }
0x8d: {  	s2 =	sadd.s32 s2, s16  }
0x8e: {  	[smem:$0x3FB8] =	sst s2  }
0x8f: {  	_ = 	snop  }
0x90: {  	(tm) =	ssettm $0x1  }
0x91: {  	s17 =	sld [smem:$0x3FFB];
	_ =	sdelay $0x3  }
0x92: {  	_ =	strace s17  }
0x93: {  	s2 =	sld [smem:$0x3FFC];
	_ =	sdelay $0x3  }
0x94: {  	_ =	strace s2  }
0x95: {  	s2 =	sld [smem:$0x3FFD];
	_ =	sdelay $0x3  }
0x96: {  	_ =	strace s2  }
0x97: {  	_ =	strace $0x8FFFFFFF  }
0x98: {  	s18 =	sld [smem:$0x3FDB];
	_ =	sdelay $0x1  }
0x99: {  	s19 =	simm.s32 $_scs_section_size  }
0x9a: {  	s4 =	simm.s32 $_size__tile_overlayer_lowered;
	s5 =	simm.s32 $_tile_overlayer_lowered  }
0x9b: {  	s22 =	simm.s32 $0x1BFF;
	s21 =	sshll.u32 s5, $0x1;
	s2 =	sadd.s32 s19, s18  }
0x9c: {  	s6 =	simm.s32 $0x0;
	s20 =	sshll.u32 s4, $0x1;
	s4 =	sadd.s32 s21, s2  }
0x9d: {  	[timem:s6], [sflag:s22] =	dma.local [hbm:s4], s20  }
0x9e: {  	_ =	swait.ge [sflag:s22], s20  }
0x9f: {  	s3 =	ssub.s32 $0x0, s20;
	[sflag:s22] =	ssyncset.done $0x0  }
0xa0: {  	[sflag:s22] =	ssyncadd.s32 s3;
	_ =	sdelay $0x1  }
0xa1: {  	s23 =	simm.s32 $0x1B8B  }
0xa2: {  	_ =	swait.ge [sflag:s23], $0x1  }
0xa3: {  	[sflag:s23] =	ssyncset.done $0x0  }
0xa4: {  	s25 =	simm.s32 $0x1B8E;
	s24 =	sld [smem:$0x3FFE];
	[sflag:s23] =	ssyncadd.s32 $0xFFFFFFFF  }
0xa5: {  	s26 =	simm.s32 $execute0_lowered;
	[smem:$0x3FD2] =	sst s25  }
0xa6: {  	s4 =	sshll.u32 s26, $0x1;
	_ =	strace $0x8000005B;
	[dreg:$0x1] =	wrdreg $0xFFFFFFFF  }
0xa7: {  	s28 =	simm.s32 $_size_execute0_lowered;
	s2 =	sadd.s32 s2, s4;
	[dreg:$0x0] =	wrdreg $0x0  }
0xa8: {  	s4 =	sshll.u32 s28, $0x1;
	[dreg:$0x2] =	wrdreg s2  }
0xa9: {  	[dreg:$0x3] =	wrdreg s4  }
0xaa: {  	[dreg:$0x4] =	wrdreg $0xC0  }
0xab: {  	_ =	task [dreg:s6], $0x5FFFF  }
0xac: {  	[dreg:$0x1] =	wrdreg $0xFFFFFFFF  }
0xad: {  	[dreg:$0x0] =	wrdreg $0x60  }
0xae: {  	[dreg:$0x2] =	wrdreg s24  }
0xaf: {  	[dreg:$0x3] =	wrdreg $0xA  }
0xb0: {  	_ =	task.clear_ibuf [dreg:s6], $0x4FFFF;
	_ =	strace $0x9000005B  }
0xb1: {  	s29 =	simm.s32 $0xA;
	_ =	strace $0x8000005D  }
0xb2: {  	_ =	swait.ge [sflag:s29], $0x1  }
0xb3: {  	[sflag:s29] =	ssyncadd.s32 $0xFFFFFFFF  }
0xb4: {  	_ =	strace $0x9000005D  }
0xb5: {  	_ =	sfence  }
0xb6: {  	s30 =	sld [smem:$0x0];
	_ =	sdelay $0x2  }
0xb7: {  	s31 =	sshll.u32 s1, $0xD;
	s1 =	sshrl.u32 s1, $0x2  }
0xb8: {  	s3 =	sand.u32 $0x4000, s31;
	s1 =	sadd.s32 s1, s30  }
0xb9: {  	s0 =	sor.u32 s3, s0;
	s1 =	sshll.u32 s1, $0x11  }
0xba: {  	s0 =	sor.u32 s1, s0  }
0xbb: {  	s0 =	sadd.s32 $0x8F2B, s0  }
0xbc: {  	[sflag:s0] =	ssyncadd.remote.s32 $0x1  }
0xbd: {  	_ =	sfence.sel $0xFFFF  }
0xbe: {  	[dreg:$0x0] =	wrdreg $0xFFFFFFFF;
	(pc) =	sbr.abs _section_cstart, $3  }
0xbf: {  	[dreg:$0x1] =	wrdreg $0xFFFFFFFF  }
0xc0: {  	_ =	task.clear_ibuf [dreg:s6], $0x2FFFF;
	_ =	strace $0x9FFFFFFF  }
0xc1: {  	(tm) =	ssettm $0x7FFFFFFF  }
tec
execute0_lowered:
.L_overlay_start_1:
0x0: {  	(tag) =	ssettag $0x1  }
0x1: {  	s7 =	rddreg [dreg:$0x0]  }
0x2: {  	s1 =	srdreg.scid;
	s0 =	rddreg [dreg:$0x1]  }
0x3: {  	_ =	strace $0x8000005C;
	s3 =	simm.s32 $0x1;
	s5 =	simm.s32 $0x2  }
0x4: {  	s9 =	simm.s32 $0x3;
	s11 =	simm.s32 $0x0;
	s2 =	sshll.u32 s1, $0x4  }
.Ltmp0:
0x5: {  	s1 =	stileid.u32;
	s4 =	sand.u32 $0x10, s2;
	(pc) =	sbr.rel .LBB2_1-.Ltmp0, $4  }
0x6: {  	p0 =	por $0x0, $0x0;
	[sflag:s3] =	ssyncpa.u1 $0x0;
	s4 =	sor.u32 s1, s4  }
0x7: {  	s6 =	sadd.s32 $0x3C200, s7;
	[sflag:s5] =	ssyncpa.u1 $0x0;
	s4 =	smul.u32 $0x50, s4  }
0x8: {  	s2 =	sadd.s32 $0x91A00, s7;
	s7 =	sadd.s32 $0x6F9A00, s7;
	[sflag:s9] =	ssyncpa.u1 $0x0  }
0x9: {  	vm0 =	vmmov $0xff;
	s9 =	simm.s32 $0x0;
	s8 =	sadd.s32 $0x50, s4;
	s10 =	smov.u32 s4  }
.LBB2_4:
0xa: {  	_ =	sdelay $0x3  }
0xb: {  	[tilespmem:s15], [sflag:$0x1] =	stream.indirect_vreg.gather [hbm:s2], $0x80, v0, vm0, $0x38;
	[tilespmem:$0x14010] =	vst v63  }
0xc: {  	s13 =	sshrl.u32 s11, $0x3;
	s31 =	sshll.u32 s11, $0x4  }
0xd: {  	_ =	swait.ge [sflag:s3], $0xA000;
	s13 =	smul.u32 $0x1400, s13;
	s11 =	sand.u32 $0x70, s31  }
0xe: {  	[sflag:s3] =	ssyncset.done $0x0;
	s11 =	sadd.s32 s7, s11  }
0xf: {  	[sflag:s3] =	ssyncadd.s32 $0xFFFF6000;
	s11 =	sadd.s32 s13, s11  }
0x10: {  	[hbm:s11] =	stream.linear.scatter [tilespmem:s12], [sflag:$0x3], $0xA000, $0x38;
	[tilespmem:$0x14010] =	vst v63  }
.LBB2_5:
0x11: {  	p1 =	slt.u32 s9, $0x2;
	s11 =	sadd.s32 $0x8, s10  }
0x12: {  	s13 =	smov.u32 s4;
	s9 =	sadd.s32 $0x1, s9;
	p2 =	slt.s32 s11, s8  }
0x13: {  	s13 =	smov.u32 @p2 s11;
	p2 =	sne.s32 s9, $0xC  }
.Ltmp1:
0x14: {  	_ = 	snop;
	(pc) =	sbr.rel @!p2 .LBB2_6-.Ltmp1, $4  }
0x15: {  	s12 =	simm.s32 @!p1 $0x3  }
0x16: {  	_ =	swait.ge @!p1 [sflag:s12], $0xA000  }
0x17: {  	p0 =	por !p0, !p0;
	[sflag:s12] =	ssyncset.done @!p1 $0x0  }
0x18: {  	s11 =	smov.u32 s10;
	s10 =	smov.u32 s13;
	[sflag:s12] =	ssyncadd.s32 @!p1 $0xFFFF6000  }
.LBB2_1:
0x19: {  	p1 =	sgt.u32 s9, $0x9  }
0x1a: {  	s12 =	sxor.u32 @!p1 $0xFFFFFFFF, s9  }
0x1b: {  	s31 =	sadd.s32 $0xFFFFFFFF, s9;
	s13 =	sshrl.u32 @!p1 s10, $0x3;
	s12 =	sshll.u32 @!p1 s12, $0x3  }
0x1c: {  	s14 =	sand.u32 @!p1 $0x7, s10;
	s13 =	sadd.s32 @!p1 s6, s13;
	s12 =	sand.u32 @!p1 $0x8, s12  }
0x1d: {  	[tilespmem:s12], [sflag:$0x2] =	stream.linear.gather @!p1 [hbm4b:s13+s14], $0x8, $0x38;
	[tilespmem:$0x14010] =	vst v63  }
0x1e: {  	p1 =	sgt.u32 s31, $0x9  }
.Ltmp2:
0x1f: {  	_ = 	snop;
	(pc) =	sbr.rel @p1 .LBB2_5-.Ltmp2, $1  }
0x20: {  	_ =	sdelay $0x3  }
0x21: {  	_ =	swait.ge [sflag:s5], $0x8  }
0x22: {  	s12 =	sand.u32 $0x1, s9;
	[sflag:s5] =	ssyncset.done $0x0  }
0x23: {  	s13 =	sshll.u32 s12, $0x3;
	[sflag:s5] =	ssyncadd.s32 $0xFFFFFFF8  }
0x24: {  	v0 =	vld.msk [tilespmem:s13+$0x0 ss:$0x1], $0xff;
	_ =	sdelay $0x4  }
0x25: {  	vm1 =	vgt.s32 v0, $0x0  }
0x26: {  	v0 =	vnsel vm1, $0x0, v0  }
0x27: {  	v0 =	vmin.u32 v0, $0x13FF  }
0x28: {  	v1 =	vshrl.u32 v0, $0x3  }
0x29: {  	v0 =	vshll.u32 v0, $0x7;
	v1 =	vmul.u32 $0xA000, v1  }
0x2a: {  	s13 =	simm.s32 $0x1;
	v0 =	vand.u32 $0x380, v0  }
0x2b: {  	s13 =	simm.s32 @!p0 $0x0;
	v0 =	vor.u32 v0, v1  }
0x2c: {  	s13 =	smul.u32 $0x28000, s13;
	v0 =	vshrl.u32 v0, $0x3  }
0x2d: {  	s12 =	smul.u32 $0x28000, s12  }
0x2e: {  	s13 =	sshrl.u32 s13, $0x2  }
0x2f: {  	s12 =	sshrl.u32 s12, $0x2;
	s13 =	sor.u32 $0x10, s13  }
0x30: {  	s14 =	simm.s32 $0x1000;
	s12 =	sor.u32 $0x10, s12;
	s15 =	sadd.s32 $0x0, s13  }
.LBB2_3:
0x31: {  	[tilespmem:s15], [sflag:$0x1] =	stream.indirect_vreg.gather [hbm:s2], $0x80, v0, vm0, $0x38;
	[tilespmem:$0x14010] =	vst v63  }
0x32: {  	v0 =	vadd.s32 $0x80, v0;
	s15 =	smov.u32 s14;
	p1 =	sne.s32 s14, $0x27000  }
.Ltmp3:
0x33: {  	s14 =	sadd.s32 $0x1000, s14;
	(pc) =	sbr.rel @p1 .LBB2_3-.Ltmp3, $3  }
0x34: {  	_ =	sdelay $0x1  }
0x35: {  	s15 =	sshra.s32 s15, $0x2  }
0x36: {  	s15 =	sadd.s32 s15, s13  }
.Ltmp4:
0x37: {  	_ = 	snop;
	(pc) =	sbr.rel .LBB2_4-.Ltmp4, $1  }
0x38: {  	_ =	sdelay $0x3  }
.LBB2_6:
0x39: {  	_ =	sfence.sel $0x180000  }
0x3a: {  	s2 =	simm.s32 $0x2;
	[bflag:$0x0] =	sbarrier.arrive $0xFFFF  }
0x3b: {  	s30 =	simm.s32 $0x3;
	[sflag:s2] =	ssyncpa.u1 $0x1  }
0x3c: {  	s31 =	simm.s32 $0x1;
	[sflag:s30] =	ssyncpa.u1 $0x1  }
0x3d: {  	[sflag:s31] =	ssyncpa.u1 $0x1  }
0x3e: {  	p0 =	sne.s32 s1, $0x0;
	_ =	strace $0x9000005C  }
0x3f: {  	s0 =	sadd.s32 @!p0 $0x100000, s0;
	[bflag:$0x2] =	sbarrier.arrive $0xFFFF  }
0x40: {  	[sflag:s0] =	ssyncadd.tile.s32 @!p0 $0x1;
	_ =	shalt  }
.Lfunc_end2:
_tile_overlayer_lowered:
.L_overlay_start_2:
0x41: {  	(tag) =	ssettag $0x2  }
0x42: {  	s0 =	rddreg [dreg:$0x0];
	s2 =	stileid.u32  }
0x43: {  	s1 =	rddreg [dreg:$0x1];
	p0 =	sne.s32 s2, $0x0  }
0x44: {  	s3 =	rddreg [dreg:$0x2];
	[bflag:$0x3] =	sbarrier.arrive $0xFFFF;
	s2 =	simm.s32 @!p0 $0x1C01  }
0x45: {  	[timem:s3], [sflag:s2] =	dma.local @!p0 [hbm:s0], s1  }
0x46: {  	s0 =	simm.s32 @!p0 $0x1  }
0x47: {  	_ =	swait.ge @!p0 [sflag:s0], s1  }
0x48: {  	s1 =	ssub.s32 @!p0 $0x0, s1;
	[sflag:s0] =	ssyncset.done @!p0 $0x0  }
0x49: {  	[sflag:s0] =	ssyncadd.s32 @!p0 s1  }
0x4a: {  	[bflag:$0x3] =	sbarrier.arrive $0xFFFF  }
0x4b: {  	_ =	shalt  }

// kernel: gather_offload_async_start
scs
__scs_entry_jumppad:
0x0: {  	(pc) =	sbr.rel $0x88, $3  }
0x1: {  	(tag) =	ssettag $0x0;
	lr =	simm.s32 $0x1  }
0x2: {  	[smem:$0x3F91] =	sst lr;
	_ =	strace $0xD0000000  }
0x3: {  	_ = 	snop  }
0x4: {  	_ = 	snop  }
0x5: {  	_ = 	snop  }
0x6: {  	_ = 	snop  }
0x7: {  	_ = 	snop  }
__scs_overlays_trampoline_lowered:
0x8: {  	[smem:$0x3FA0] =	sst s0  }
0x9: {  	[smem:$0x3FA1] =	sst s1  }
0xa: {  	[smem:$0x3FA2] =	sst s2  }
0xb: {  	[smem:$0x3FA3] =	sst s3  }
0xc: {  	[smem:$0x3FA4] =	sst s4  }
0xd: {  	[smem:$0x3FA5] =	sst s5  }
0xe: {  	[smem:$0x3FA6] =	sst s6  }
0xf: {  	[smem:$0x3FA7] =	sst s7  }
0x10: {  	[smem:$0x3FA8] =	sst s8  }
0x11: {  	[smem:$0x3FA9] =	sst s9;
	s0 =	simm.s32 @!p0 $0x0  }
0x12: {  	s1 =	sld [smem:$0x3F8F];
	s0 =	simm.s32 @p0 $0x1  }
0x13: {  	[smem:$0x3FAA] =	sst s0;
	s0 =	simm.s32 @!p1 $0x0  }
0x14: {  	s2 =	sld [smem:$0x3F8E];
	s0 =	simm.s32 @p1 $0x1  }
0x15: {  	[smem:$0x3FAB] =	sst s0;
	s0 =	simm.s32 @!p2 $0x0  }
0x16: {  	s3 =	sld [smem:$0x3FDB];
	s0 =	simm.s32 @p2 $0x1  }
0x17: {  	s4 =	simm.s32 $0x1BF5;
	[smem:$0x3FAD] =	sst s0  }
0x18: {  	s0 =	sld [smem:$0x3F90];
	_ =	swait.ge [sflag:s4], $0x0  }
0x19: {  	s7 =	sld [smem:$0x3F91]  }
0x1a: {  	s8 =	sadd.s32 $0xFFFFE003, lr  }
0x1b: {  	s9 =	sadd.s32 $0xFFFFFEF7, lr;
	s5 =	simm.s32 $0xFFFFFFFF;
	p2 =	slt.u32 s8, $0xFFFFF086  }
0x1c: {  	p1 =	slt.u32 s9, $0xF7A;
	s5 =	simm.s32 @!p2 $0x0  }
0x1d: {  	s5 =	simm.s32 @p1 $0x1;
	p0 =	seq.s32 s7, s2  }
0x1e: {  	s7 =	smul.u32 @!p0 $0xF7A, s2;
	p2 =	seq.s32 @!p0 s5, $0x0  }
0x1f: {  	s9 =	smul.u32 $0xF7A, s1;
	s8 =	simm.s32 @!p0 $0x1BF5;
	p2 =	por !p2, p0  }
0x20: {  	[sflag:s8] =	ssyncset.s32 @!p0 $0xFFFFF086;
	s6 =	sadd.s32 @!p0 s3, s7;
	s7 =	simm.s32 @!p0 $0x108  }
0x21: {  	s3 =	sadd.s32 s3, s9;
	s6 =	sadd.s32 @!p0 $0x88, s6;
	s7 =	simm.s32 @p2 $0x1082  }
0x22: {  	[simem:s7], [sflag:s8] =	dma.local @!p0 [hbm:s6], $0xF7A  }
0x23: {  	s9 =	sor.u32 $0xD0000000, s2;
	s6 =	simm.s32 $0x108;
	_ =	swait.ge @!p0 [sflag:s8], $0x0  }
0x24: {  	s3 =	sadd.s32 $0x88, s3;
	s6 =	simm.s32 @!p1 $0x1082;
	[sflag:s4] =	ssyncset.s32 $0xFFFFF086  }
0x25: {  	[simem:s6], [sflag:s4] =	dma.local [hbm:s3], $0xF7A  }
0x26: {  	[smem:$0x3F91] =	sst s1;
	(tag) =	ssettag s2;
	_ =	strace s9  }
0x27: {  	s1 =	sld [smem:$0x3FA1]  }
0x28: {  	s2 =	sld [smem:$0x3FA2]  }
0x29: {  	s4 =	sld [smem:$0x3FA4]  }
0x2a: {  	p0 =	seq.s32 s5, $0x0;
	s5 =	sld [smem:$0x3FA5]  }
0x2b: {  	s6 =	sld [smem:$0x3FA6]  }
0x2c: {  	s7 =	sld [smem:$0x3FA7]  }
0x2d: {  	s3 =	simm.s32 $0x108;
	s8 =	sld [smem:$0x3FA8]  }
0x2e: {  	s3 =	simm.s32 @!p0 $0x1082;
	s9 =	sld [smem:$0x3FA9]  }
0x2f: {  	lr =	sadd.s32 s0, s3;
	s0 =	sld [smem:$0x3FA0]  }
0x30: {  	s3 =	sld [smem:$0x3FA3]  }
0x31: {  	[smem:$0x3FAC] =	sst s10  }
0x32: {  	s10 =	sld [smem:$0x3FAA];
	_ =	sdelay $0x3  }
0x33: {  	p0 =	seq.s32 s10, $0x1;
	s10 =	sld [smem:$0x3FAC];
	_ =	sdelay $0x3  }
0x34: {  	[smem:$0x3FAC] =	sst s10  }
0x35: {  	s10 =	sld [smem:$0x3FAB];
	_ =	sdelay $0x3  }
0x36: {  	p1 =	seq.s32 s10, $0x1;
	s10 =	sld [smem:$0x3FAC];
	_ =	sdelay $0x3  }
0x37: {  	[smem:$0x3FAC] =	sst s10  }
0x38: {  	s10 =	sld [smem:$0x3FAD]  }
0x39: {  	_ = 	snop;
	(pc) =	sbr.ind lr, $3  }
0x3a: {  	_ = 	snop  }
0x3b: {  	_ = 	snop  }
0x3c: {  	p2 =	seq.s32 s10, $0x1;
	s10 =	sld [smem:$0x3FAC]  }
0x3d: {  	_ =	shalt  }
0x3e: {  	_ =	shalt  }
0x3f: {  	_ =	shalt  }
0x40: {  	_ =	shalt  }
0x41: {  	_ =	shalt  }
0x42: {  	_ =	shalt  }
0x43: {  	_ =	shalt  }
0x44: {  	_ =	shalt  }
0x45: {  	_ =	shalt  }
0x46: {  	_ =	shalt  }
0x47: {  	_ =	shalt  }
0x48: {  	_ =	shalt  }
0x49: {  	_ =	shalt  }
0x4a: {  	_ =	shalt  }
0x4b: {  	_ =	shalt  }
0x4c: {  	_ =	shalt  }
0x4d: {  	_ =	shalt  }
0x4e: {  	_ =	shalt  }
0x4f: {  	_ =	shalt  }
0x50: {  	_ =	shalt  }
0x51: {  	_ =	shalt  }
0x52: {  	_ =	shalt  }
0x53: {  	_ =	shalt  }
0x54: {  	_ =	shalt  }
0x55: {  	_ =	shalt  }
0x56: {  	_ =	shalt  }
0x57: {  	_ =	shalt  }
0x58: {  	_ =	shalt  }
0x59: {  	_ =	shalt  }
0x5a: {  	_ =	shalt  }
0x5b: {  	_ =	shalt  }
0x5c: {  	_ =	shalt  }
0x5d: {  	_ =	shalt  }
0x5e: {  	_ =	shalt  }
0x5f: {  	_ =	shalt  }
0x60: {  	_ =	shalt  }
0x61: {  	_ =	shalt  }
0x62: {  	_ =	shalt  }
0x63: {  	_ =	shalt  }
0x64: {  	_ =	shalt  }
0x65: {  	_ =	shalt  }
0x66: {  	_ =	shalt  }
0x67: {  	_ =	shalt  }
0x68: {  	_ =	shalt  }
0x69: {  	_ =	shalt  }
0x6a: {  	_ =	shalt  }
0x6b: {  	_ =	shalt  }
0x6c: {  	_ =	shalt  }
0x6d: {  	_ =	shalt  }
0x6e: {  	_ =	shalt  }
0x6f: {  	_ =	shalt  }
0x70: {  	_ =	shalt  }
0x71: {  	_ =	shalt  }
0x72: {  	_ =	shalt  }
0x73: {  	_ =	shalt  }
0x74: {  	_ =	shalt  }
0x75: {  	_ =	shalt  }
0x76: {  	_ =	shalt  }
0x77: {  	_ =	shalt  }
0x78: {  	_ =	shalt  }
0x79: {  	_ =	shalt  }
0x7a: {  	_ =	shalt  }
0x7b: {  	_ =	shalt  }
0x7c: {  	_ =	shalt  }
0x7d: {  	_ =	shalt  }
0x7e: {  	_ =	shalt  }
0x7f: {  	_ =	shalt  }
0x80: {  	_ =	shalt  }
0x81: {  	_ =	shalt  }
0x82: {  	_ =	shalt  }
0x83: {  	_ =	shalt  }
0x84: {  	_ =	shalt  }
0x85: {  	_ =	shalt  }
0x86: {  	_ =	shalt  }
0x87: {  	_ =	shalt  }
.Lfunc_end0:
.L_simem_size_0:
called_computation.3_lowered:
.L_overlay_start_0:
0x88: {  	s0 =	sld [smem:$0x3FD9]  }
0x89: {  	s1 =	sld [smem:$0x3FFE];
	_ =	sdelay $0x3  }
0x8a: {  	s0 =	sadd.s32 s1, s0  }
0x8b: {  	[smem:$0x3FB8] =	sst s0  }
0x8c: {  	_ = 	snop  }
0x8d: {  	(tm) =	ssettm $0x1  }
0x8e: {  	s15 =	sld [smem:$0x3FFB];
	_ =	sdelay $0x3  }
0x8f: {  	_ =	strace s15  }
0x90: {  	s0 =	sld [smem:$0x3FFC];
	_ =	sdelay $0x3  }
0x91: {  	_ =	strace s0  }
0x92: {  	s0 =	sld [smem:$0x3FFD];
	_ =	sdelay $0x3  }
0x93: {  	_ =	strace s0  }
0x94: {  	_ =	strace $0x8FFFFFFF  }
0x95: {  	s16 =	sld [smem:$0x3FDB];
	_ =	sdelay $0x1  }
0x96: {  	s17 =	simm.s32 $_scs_section_size  }
0x97: {  	s2 =	simm.s32 $_size__tile_overlayer_lowered;
	s3 =	simm.s32 $_tile_overlayer_lowered  }
0x98: {  	s20 =	simm.s32 $0x1BFF;
	s19 =	sshll.u32 s3, $0x1;
	s0 =	sadd.s32 s17, s16  }
0x99: {  	s4 =	simm.s32 $0x0;
	s18 =	sshll.u32 s2, $0x1;
	s2 =	sadd.s32 s19, s0  }
0x9a: {  	[timem:s4], [sflag:s20] =	dma.local [hbm:s2], s18  }
0x9b: {  	_ =	swait.ge [sflag:s20], s18  }
0x9c: {  	s1 =	ssub.s32 $0x0, s18;
	[sflag:s20] =	ssyncset.done $0x0  }
0x9d: {  	[sflag:s20] =	ssyncadd.s32 s1;
	_ =	sdelay $0x1  }
0x9e: {  	s21 =	simm.s32 $0x1B8B  }
0x9f: {  	_ =	swait.ge [sflag:s21], $0x1  }
0xa0: {  	[sflag:s21] =	ssyncset.done $0x0  }
0xa1: {  	s23 =	simm.s32 $0x1B8E;
	s22 =	sld [smem:$0x3FFE];
	[sflag:s21] =	ssyncadd.s32 $0xFFFFFFFF  }
0xa2: {  	s24 =	simm.s32 $execute0_lowered;
	[smem:$0x3FD2] =	sst s23  }
0xa3: {  	s2 =	sshll.u32 s24, $0x1;
	_ =	strace $0x80000052;
	[dreg:$0x1] =	wrdreg $0xFFFFFFFF  }
0xa4: {  	s25 =	simm.s32 $_size_execute0_lowered;
	s0 =	sadd.s32 s0, s2;
	[dreg:$0x0] =	wrdreg $0x0  }
0xa5: {  	s2 =	sshll.u32 s25, $0x1;
	[dreg:$0x2] =	wrdreg s0  }
0xa6: {  	[dreg:$0x3] =	wrdreg s2  }
0xa7: {  	[dreg:$0x4] =	wrdreg $0xC0  }
0xa8: {  	_ =	task [dreg:s4], $0x5FFFF  }
0xa9: {  	[dreg:$0x1] =	wrdreg $0xFFFFFFFF  }
0xaa: {  	[dreg:$0x0] =	wrdreg $0x60  }
0xab: {  	[dreg:$0x2] =	wrdreg s22  }
0xac: {  	[dreg:$0x3] =	wrdreg $0x9  }
0xad: {  	_ =	task.clear_ibuf [dreg:s4], $0x4FFFF;
	_ =	strace $0x90000052  }
0xae: {  	s26 =	simm.s32 $0x9;
	_ =	strace $0x80000054  }
0xaf: {  	_ =	swait.ge [sflag:s26], $0x1  }
0xb0: {  	[sflag:s26] =	ssyncadd.s32 $0xFFFFFFFF  }
0xb1: {  	_ =	strace $0x90000054  }
0xb2: {  	_ =	sfence  }
0xb3: {  	s28 =	sld [smem:$0x0];
	_ =	sdelay $0x1  }
0xb4: {  	s29 =	srdreg.scid  }
0xb5: {  	s30 =	sshll.u32 s29, $0xD;
	s31 =	sshrl.u32 s29, $0x2  }
0xb6: {  	s1 =	sand.u32 $0x1, s29;
	s2 =	sand.u32 $0x4000, s30;
	s0 =	sadd.s32 s31, s28  }
0xb7: {  	s1 =	sor.u32 s2, s1;
	s0 =	sshll.u32 s0, $0x11  }
0xb8: {  	s0 =	sor.u32 s0, s1  }
0xb9: {  	s0 =	sadd.s32 $0x8F2B, s0  }
0xba: {  	[sflag:s0] =	ssyncadd.remote.s32 $0x1  }
0xbb: {  	_ =	sfence.sel $0xFFFF  }
0xbc: {  	[dreg:$0x0] =	wrdreg $0xFFFFFFFF;
	(pc) =	sbr.abs _section_cstart, $3  }
0xbd: {  	[dreg:$0x1] =	wrdreg $0xFFFFFFFF  }
0xbe: {  	_ =	task.clear_ibuf [dreg:s4], $0x2FFFF;
	_ =	strace $0x9FFFFFFF  }
0xbf: {  	(tm) =	ssettm $0x7FFFFFFF  }
tec
execute0_lowered:
.L_overlay_start_1:
0x0: {  	(tag) =	ssettag $0x1  }
0x1: {  	s0 =	stileid.u32  }
0x2: {  	s1 =	smin.u32 s0, $0x9  }
0x3: {  	s1 =	sadd.s32 s0, s1  }
0x4: {  	s2 =	simm.s32 $0x190;
	p0 =	slt.u32 s0, $0x9;
	s1 =	smul.u32 $0xC8, s1  }
0x5: {  	s2 =	simm.s32 @!p0 $0xC8  }
0x6: {  	s2 =	sadd.s32 s2, s1  }
0x7: {  	s3 =	smin.u32 s2, $0x1388  }
0x8: {  	s7 =	ssub.s32 s3, s1  }
0x9: {  	p0 =	sgt.s32 s7, $0x0  }
0xa: {  	s7 =	simm.s32 @!p0 $0x0  }
0xb: {  	s31 =	sand.u32 $0xFFF8, s7  }
0xc: {  	s2 =	sshrl.u32 s31, $0x3  }
0xd: {  	s2 =	smul.u32 $0x147B, s2  }
0xe: {  	s9 =	rddreg [dreg:$0x0];
	s6 =	simm.s32 $0x1;
	s11 =	simm.s32 $0x3  }
0xf: {  	s13 =	simm.s32 $0x0;
	s12 =	simm.s32 $0x0;
	s8 =	sshrl.u32 s2, $0x11  }
0x10: {  	s4 =	sadd.s32 $0x200, s9;
	s5 =	sadd.s32 $0x27E00, s9;
	s10 =	smul.u32 $0xC8, s8  }
.Ltmp0:
0x11: {  	s9 =	sadd.s32 $0x28600, s9;
	s2 =	rddreg [dreg:$0x1];
	(pc) =	sbr.rel .LBB2_1-.Ltmp0, $4  }
0x12: {  	_ =	strace $0x80000053;
	p0 =	sne.s32 s7, s10;
	s10 =	simm.s32 $0x1  }
0x13: {  	[sflag:s6] =	ssyncpa.u1 $0x0;
	s7 =	simm.s32 $0x2;
	s10 =	simm.s32 @!p0 $0x0  }
0x14: {  	[sflag:s7] =	ssyncpa.u1 $0x0;
	p0 =	por $0x0, $0x0;
	s8 =	sadd.s32 s8, s10  }
0x15: {  	vm0 =	vmmov $0xff;
	vm1 =	vcmask $0x3F20;
	[sflag:s11] =	ssyncpa.u1 $0x0;
	s11 =	smov.u32 s1;
	s10 =	sadd.s32 $0x1, s8  }
.LBB2_6:
0x16: {  	[hbm:s17] =	stream.linear.scatter [tilespmem:s14], [sflag:$0x3], $0x400, $0x38;
	[tilespmem:$0xC990] =	vst v63  }
.LBB2_7:
0x17: {  	s13 =	sadd.s32 $0xC8, s11  }
0x18: {  	s15 =	smov.u32 s1;
	p2 =	slt.s32 s13, s3  }
0x19: {  	s15 =	smov.u32 @p2 s13;
	p2 =	sne.s32 s12, s10  }
.Ltmp1:
0x1a: {  	p1 =	slt.u32 s12, $0x2;
	(pc) =	sbr.rel @!p2 .LBB2_8-.Ltmp1, $4  }
0x1b: {  	s14 =	simm.s32 @!p1 $0x3  }
0x1c: {  	s16 =	sadd.s32 $0x1, s12;
	_ =	swait.ge @!p1 [sflag:s14], $0x6400  }
0x1d: {  	p0 =	por !p0, !p0;
	s13 =	smov.u32 s11;
	[sflag:s14] =	ssyncset.done @!p1 $0x0  }
0x1e: {  	s12 =	smov.u32 s16;
	s11 =	smov.u32 s15;
	[sflag:s14] =	ssyncadd.s32 @!p1 $0xFFFF9C00  }
.LBB2_1:
0x1f: {  	p1 =	sge.u32 s12, s8  }
0x20: {  	s14 =	sxor.u32 @!p1 $0xFFFFFFFF, s12  }
0x21: {  	s14 =	sand.u32 @!p1 $0x1, s14  }
0x22: {  	s14 =	smul.u32 @!p1 $0x320, s14  }
0x23: {  	s31 =	sadd.s32 $0xFFFFFFFF, s12;
	s15 =	sshrl.u32 @!p1 s11, $0x3  }
0x24: {  	s16 =	sand.u32 @!p1 $0x7, s11;
	s15 =	sadd.s32 @!p1 s5, s15;
	s14 =	sshrl.u32 @!p1 s14, $0x2  }
0x25: {  	[tilespmem:s14], [sflag:$0x2] =	stream.linear.gather @!p1 [hbm4b:s15+s16], $0xC8, $0x38;
	[tilespmem:$0xC990] =	vst v63  }
0x26: {  	p1 =	sge.u32 s31, s8  }
.Ltmp2:
0x27: {  	_ = 	snop;
	(pc) =	sbr.rel @p1 .LBB2_7-.Ltmp2, $1  }
0x28: {  	_ =	sdelay $0x3  }
0x29: {  	s14 =	simm.s32 $0x1  }
0x2a: {  	s14 =	simm.s32 @!p0 $0x0  }
0x2b: {  	s15 =	smul.u32 $0x320, s14  }
0x2c: {  	_ =	swait.ge [sflag:s7], $0xC8  }
0x2d: {  	[sflag:s7] =	ssyncset.done $0x0;
	s16 =	sshrl.u32 s15, $0x2  }
0x2e: {  	[sflag:s7] =	ssyncadd.s32 $0xFFFFFF38;
	s15 =	sadd.s32 $0x0, s16  }
0x2f: {  	v0 =	vld.msk [tilespmem:s15+$0x0 ss:$0x1], $0xffff;
	_ =	sdelay $0x4  }
0x30: {  	vm2 =	vgt.s32 v0, $0x0  }
0x31: {  	v0 =	vnsel vm2, $0x0, v0  }
0x32: {  	v0 =	vmin.u32 v0, $0x270F  }
0x33: {  	v0 =	vshll.u32 v0, $0x4  }
0x34: {  	s14 =	smul.u32 $0x19000, s14  }
0x35: {  	s31 =	sand.u32 $0x1, s12  }
0x36: {  	s17 =	smul.u32 $0x320, s31;
	s14 =	sshrl.u32 s14, $0x2  }
0x37: {  	s19 =	smul.u32 $0x19000, s31;
	s14 =	sor.u32 $0x190, s14  }
0x38: {  	[tilespmem:s14], [sflag:$0x1] =	stream.indirect_vreg.gather [hbm:s4], $0x80, v0, vm0, $0x38;
	[tilespmem:$0xC990] =	vst v63  }
0x39: {  	s18 =	sshrl.u32 s17, $0x2;
	s20 =	sadd.s32 $0x10, s16;
	s15 =	sadd.s32 $0x400, s14  }
0x3a: {  	[tilespmem:s15], [sflag:$0x1] =	stream.indirect_vreg.gather [hbm:s4], $0x80, v0, vm1, $0x38;
	[tilespmem:$0xC990] =	vst v63  }
0x3b: {  	s17 =	sshrl.u32 s19, $0x2;
	s19 =	smov.u32 s14;
	v0 =	vld.msk [tilespmem:s20+$0x0 ss:$0x1], $0xffff;
	s20 =	simm.s32 $0x80  }
.LBB2_3:
0x3c: {  	p1 =	sne.s32 s20, $0x2C0;
	_ =	sdelay $0x4  }
0x3d: {  	vm2 =	vgt.s32 v0, $0x0  }
0x3e: {  	v0 =	vnsel vm2, $0x0, v0  }
0x3f: {  	v0 =	vmin.u32 v0, $0x270F  }
0x40: {  	v0 =	vshll.u32 v0, $0x4;
	_ =	sdelay $0x3  }
.Ltmp3:
0x41: {  	s21 =	sshra.s32 s20, $0x2;
	s19 =	sadd.s32 $0x800, s19;
	(pc) =	sbr.rel @p1 .LBB2_3-.Ltmp3, $4  }
0x42: {  	[tilespmem:s19], [sflag:$0x1] =	stream.indirect_vreg.gather [hbm:s4], $0x80, v0, vm0, $0x38;
	[tilespmem:$0xC990] =	vst v63  }
0x43: {  	s21 =	sadd.s32 s21, s16;
	s22 =	sadd.s32 $0x400, s19  }
0x44: {  	[tilespmem:s22], [sflag:$0x1] =	stream.indirect_vreg.gather [hbm:s4], $0x80, v0, vm1, $0x38;
	[tilespmem:$0xC990] =	vst v63  }
0x45: {  	s20 =	sadd.s32 $0x40, s20;
	v0 =	vld.msk [tilespmem:s21+$0x0 ss:$0x1], $0xffff  }
0x46: {  	_ =	sdelay $0x3  }
0x47: {  	vm2 =	vgt.s32 v0, $0x0  }
0x48: {  	v0 =	vnsel vm2, $0x0, v0  }
0x49: {  	v0 =	vmin.u32 v0, $0x270F  }
0x4a: {  	v0 =	vshll.u32 v0, $0x4;
	_ =	sdelay $0x3  }
0x4b: {  	s16 =	sadd.s32 $0x800, s19  }
0x4c: {  	[tilespmem:s16], [sflag:$0x1] =	stream.indirect_vreg.gather [hbm:s4], $0x80, v0, vm0, $0x38;
	[tilespmem:$0xC990] =	vst v63  }
0x4d: {  	s16 =	sadd.s32 $0x400, s16  }
0x4e: {  	[tilespmem:s16], [sflag:$0x1] =	stream.indirect_vreg.gather [hbm:s4], $0x80, v0, vm1, $0x38;
	[tilespmem:$0xC990] =	vst v63  }
0x4f: {  	v0 =	vld.msk [tilespmem:s18+$0xC0 ss:$0x1], $0xff;
	_ =	sdelay $0x4  }
0x50: {  	vm2 =	vgt.s32 v0, $0x0  }
0x51: {  	v0 =	vnsel vm2, $0x0, v0  }
0x52: {  	v0 =	vmin.u32 v0, $0x270F  }
0x53: {  	v0 =	vshll.u32 v0, $0x4;
	_ =	sdelay $0x3  }
0x54: {  	s31 =	sadd.s32 $0x6190, s17  }
0x55: {  	[tilespmem:s31], [sflag:$0x1] =	stream.indirect_vreg.gather [hbm:s4], $0x80, v0, vm0, $0x38;
	[tilespmem:$0xC990] =	vst v63  }
0x56: {  	s13 =	sshll.u32 s13, $0x4;
	_ =	swait.ge [sflag:s6], $0x6400  }
0x57: {  	s13 =	sadd.s32 s13, s9;
	[sflag:s6] =	ssyncset.done $0x0  }
0x58: {  	s17 =	sadd.s32 $0x0, s13;
	s16 =	simm.s32 $0x80;
	[sflag:s6] =	ssyncadd.s32 $0xFFFF9C00  }
.LBB2_5:
0x59: {  	[hbm:s17] =	stream.linear.scatter [tilespmem:s14], [sflag:$0x3], $0x400, $0x38;
	[tilespmem:$0xC990] =	vst v63  }
0x5a: {  	s17 =	smov.u32 s16;
	s14 =	smov.u32 s15;
	p1 =	sne.s32 s16, $0xC00  }
.Ltmp4:
0x5b: {  	s16 =	sadd.s32 $0x80, s16;
	(pc) =	sbr.rel @p1 .LBB2_5-.Ltmp4, $2  }
0x5c: {  	_ =	sdelay $0x2  }
0x5d: {  	s15 =	sadd.s32 $0x400, s15;
	s17 =	sadd.s32 s17, s13  }
.Ltmp5:
0x5e: {  	_ = 	snop;
	(pc) =	sbr.rel .LBB2_6-.Ltmp5, $1  }
0x5f: {  	_ =	sdelay $0x3  }
.LBB2_8:
0x60: {  	_ =	sfence.sel $0x180000  }
0x61: {  	s1 =	simm.s32 $0x2;
	[bflag:$0x0] =	sbarrier.arrive $0xFFFF  }
0x62: {  	s30 =	simm.s32 $0x3;
	[sflag:s1] =	ssyncpa.u1 $0x1  }
0x63: {  	s31 =	simm.s32 $0x1;
	[sflag:s30] =	ssyncpa.u1 $0x1  }
0x64: {  	[sflag:s31] =	ssyncpa.u1 $0x1  }
0x65: {  	p0 =	sne.s32 s0, $0x0;
	_ =	strace $0x90000053  }
0x66: {  	s0 =	sadd.s32 @!p0 $0x100000, s2;
	[bflag:$0x2] =	sbarrier.arrive $0xFFFF  }
0x67: {  	[sflag:s0] =	ssyncadd.tile.s32 @!p0 $0x1;
	_ =	shalt  }
.Lfunc_end2:
_tile_overlayer_lowered:
.L_overlay_start_2:
0x68: {  	(tag) =	ssettag $0x2  }
0x69: {  	s0 =	rddreg [dreg:$0x0];
	s2 =	stileid.u32  }
0x6a: {  	s1 =	rddreg [dreg:$0x1];
	p0 =	sne.s32 s2, $0x0  }
0x6b: {  	s3 =	rddreg [dreg:$0x2];
	[bflag:$0x3] =	sbarrier.arrive $0xFFFF;
	s2 =	simm.s32 @!p0 $0x1C01  }
0x6c: {  	[timem:s3], [sflag:s2] =	dma.local @!p0 [hbm:s0], s1  }
0x6d: {  	s0 =	simm.s32 @!p0 $0x1  }
0x6e: {  	_ =	swait.ge @!p0 [sflag:s0], s1  }
0x6f: {  	s1 =	ssub.s32 @!p0 $0x0, s1;
	[sflag:s0] =	ssyncset.done @!p0 $0x0  }
0x70: {  	[sflag:s0] =	ssyncadd.s32 @!p0 s1  }
0x71: {  	[bflag:$0x3] =	sbarrier.arrive $0xFFFF  }
0x72: {  	_ =	shalt  }

// kernel: scatter_offload_async_start.1
scs
__scs_entry_jumppad:
0x0: {  	(pc) =	sbr.rel $0x88, $3  }
0x1: {  	(tag) =	ssettag $0x0;
	lr =	simm.s32 $0x1  }
0x2: {  	[smem:$0x3F91] =	sst lr;
	_ =	strace $0xD0000000  }
0x3: {  	_ = 	snop  }
0x4: {  	_ = 	snop  }
0x5: {  	_ = 	snop  }
0x6: {  	_ = 	snop  }
0x7: {  	_ = 	snop  }
__scs_overlays_trampoline_lowered:
0x8: {  	[smem:$0x3FA0] =	sst s0  }
0x9: {  	[smem:$0x3FA1] =	sst s1  }
0xa: {  	[smem:$0x3FA2] =	sst s2  }
0xb: {  	[smem:$0x3FA3] =	sst s3  }
0xc: {  	[smem:$0x3FA4] =	sst s4  }
0xd: {  	[smem:$0x3FA5] =	sst s5  }
0xe: {  	[smem:$0x3FA6] =	sst s6  }
0xf: {  	[smem:$0x3FA7] =	sst s7  }
0x10: {  	[smem:$0x3FA8] =	sst s8  }
0x11: {  	[smem:$0x3FA9] =	sst s9;
	s0 =	simm.s32 @!p0 $0x0  }
0x12: {  	s1 =	sld [smem:$0x3F8F];
	s0 =	simm.s32 @p0 $0x1  }
0x13: {  	[smem:$0x3FAA] =	sst s0;
	s0 =	simm.s32 @!p1 $0x0  }
0x14: {  	s2 =	sld [smem:$0x3F8E];
	s0 =	simm.s32 @p1 $0x1  }
0x15: {  	[smem:$0x3FAB] =	sst s0;
	s0 =	simm.s32 @!p2 $0x0  }
0x16: {  	s3 =	sld [smem:$0x3FDB];
	s0 =	simm.s32 @p2 $0x1  }
0x17: {  	s4 =	simm.s32 $0x1BF5;
	[smem:$0x3FAD] =	sst s0  }
0x18: {  	s0 =	sld [smem:$0x3F90];
	_ =	swait.ge [sflag:s4], $0x0  }
0x19: {  	s7 =	sld [smem:$0x3F91]  }
0x1a: {  	s8 =	sadd.s32 $0xFFFFE003, lr  }
0x1b: {  	s9 =	sadd.s32 $0xFFFFFEF7, lr;
	s5 =	simm.s32 $0xFFFFFFFF;
	p2 =	slt.u32 s8, $0xFFFFF086  }
0x1c: {  	p1 =	slt.u32 s9, $0xF7A;
	s5 =	simm.s32 @!p2 $0x0  }
0x1d: {  	s5 =	simm.s32 @p1 $0x1;
	p0 =	seq.s32 s7, s2  }
0x1e: {  	s7 =	smul.u32 @!p0 $0xF7A, s2;
	p2 =	seq.s32 @!p0 s5, $0x0  }
0x1f: {  	s9 =	smul.u32 $0xF7A, s1;
	s8 =	simm.s32 @!p0 $0x1BF5;
	p2 =	por !p2, p0  }
0x20: {  	[sflag:s8] =	ssyncset.s32 @!p0 $0xFFFFF086;
	s6 =	sadd.s32 @!p0 s3, s7;
	s7 =	simm.s32 @!p0 $0x108  }
0x21: {  	s3 =	sadd.s32 s3, s9;
	s6 =	sadd.s32 @!p0 $0x88, s6;
	s7 =	simm.s32 @p2 $0x1082  }
0x22: {  	[simem:s7], [sflag:s8] =	dma.local @!p0 [hbm:s6], $0xF7A  }
0x23: {  	s9 =	sor.u32 $0xD0000000, s2;
	s6 =	simm.s32 $0x108;
	_ =	swait.ge @!p0 [sflag:s8], $0x0  }
0x24: {  	s3 =	sadd.s32 $0x88, s3;
	s6 =	simm.s32 @!p1 $0x1082;
	[sflag:s4] =	ssyncset.s32 $0xFFFFF086  }
0x25: {  	[simem:s6], [sflag:s4] =	dma.local [hbm:s3], $0xF7A  }
0x26: {  	[smem:$0x3F91] =	sst s1;
	(tag) =	ssettag s2;
	_ =	strace s9  }
0x27: {  	s1 =	sld [smem:$0x3FA1]  }
0x28: {  	s2 =	sld [smem:$0x3FA2]  }
0x29: {  	s4 =	sld [smem:$0x3FA4]  }
0x2a: {  	p0 =	seq.s32 s5, $0x0;
	s5 =	sld [smem:$0x3FA5]  }
0x2b: {  	s6 =	sld [smem:$0x3FA6]  }
0x2c: {  	s7 =	sld [smem:$0x3FA7]  }
0x2d: {  	s3 =	simm.s32 $0x108;
	s8 =	sld [smem:$0x3FA8]  }
0x2e: {  	s3 =	simm.s32 @!p0 $0x1082;
	s9 =	sld [smem:$0x3FA9]  }
0x2f: {  	lr =	sadd.s32 s0, s3;
	s0 =	sld [smem:$0x3FA0]  }
0x30: {  	s3 =	sld [smem:$0x3FA3]  }
0x31: {  	[smem:$0x3FAC] =	sst s10  }
0x32: {  	s10 =	sld [smem:$0x3FAA];
	_ =	sdelay $0x3  }
0x33: {  	p0 =	seq.s32 s10, $0x1;
	s10 =	sld [smem:$0x3FAC];
	_ =	sdelay $0x3  }
0x34: {  	[smem:$0x3FAC] =	sst s10  }
0x35: {  	s10 =	sld [smem:$0x3FAB];
	_ =	sdelay $0x3  }
0x36: {  	p1 =	seq.s32 s10, $0x1;
	s10 =	sld [smem:$0x3FAC];
	_ =	sdelay $0x3  }
0x37: {  	[smem:$0x3FAC] =	sst s10  }
0x38: {  	s10 =	sld [smem:$0x3FAD]  }
0x39: {  	_ = 	snop;
	(pc) =	sbr.ind lr, $3  }
0x3a: {  	_ = 	snop  }
0x3b: {  	_ = 	snop  }
0x3c: {  	p2 =	seq.s32 s10, $0x1;
	s10 =	sld [smem:$0x3FAC]  }
0x3d: {  	_ =	shalt  }
0x3e: {  	_ =	shalt  }
0x3f: {  	_ =	shalt  }
0x40: {  	_ =	shalt  }
0x41: {  	_ =	shalt  }
0x42: {  	_ =	shalt  }
0x43: {  	_ =	shalt  }
0x44: {  	_ =	shalt  }
0x45: {  	_ =	shalt  }
0x46: {  	_ =	shalt  }
0x47: {  	_ =	shalt  }
0x48: {  	_ =	shalt  }
0x49: {  	_ =	shalt  }
0x4a: {  	_ =	shalt  }
0x4b: {  	_ =	shalt  }
0x4c: {  	_ =	shalt  }
0x4d: {  	_ =	shalt  }
0x4e: {  	_ =	shalt  }
0x4f: {  	_ =	shalt  }
0x50: {  	_ =	shalt  }
0x51: {  	_ =	shalt  }
0x52: {  	_ =	shalt  }
0x53: {  	_ =	shalt  }
0x54: {  	_ =	shalt  }
0x55: {  	_ =	shalt  }
0x56: {  	_ =	shalt  }
0x57: {  	_ =	shalt  }
0x58: {  	_ =	shalt  }
0x59: {  	_ =	shalt  }
0x5a: {  	_ =	shalt  }
0x5b: {  	_ =	shalt  }
0x5c: {  	_ =	shalt  }
0x5d: {  	_ =	shalt  }
0x5e: {  	_ =	shalt  }
0x5f: {  	_ =	shalt  }
0x60: {  	_ =	shalt  }
0x61: {  	_ =	shalt  }
0x62: {  	_ =	shalt  }
0x63: {  	_ =	shalt  }
0x64: {  	_ =	shalt  }
0x65: {  	_ =	shalt  }
0x66: {  	_ =	shalt  }
0x67: {  	_ =	shalt  }
0x68: {  	_ =	shalt  }
0x69: {  	_ =	shalt  }
0x6a: {  	_ =	shalt  }
0x6b: {  	_ =	shalt  }
0x6c: {  	_ =	shalt  }
0x6d: {  	_ =	shalt  }
0x6e: {  	_ =	shalt  }
0x6f: {  	_ =	shalt  }
0x70: {  	_ =	shalt  }
0x71: {  	_ =	shalt  }
0x72: {  	_ =	shalt  }
0x73: {  	_ =	shalt  }
0x74: {  	_ =	shalt  }
0x75: {  	_ =	shalt  }
0x76: {  	_ =	shalt  }
0x77: {  	_ =	shalt  }
0x78: {  	_ =	shalt  }
0x79: {  	_ =	shalt  }
0x7a: {  	_ =	shalt  }
0x7b: {  	_ =	shalt  }
0x7c: {  	_ =	shalt  }
0x7d: {  	_ =	shalt  }
0x7e: {  	_ =	shalt  }
0x7f: {  	_ =	shalt  }
0x80: {  	_ =	shalt  }
0x81: {  	_ =	shalt  }
0x82: {  	_ =	shalt  }
0x83: {  	_ =	shalt  }
0x84: {  	_ =	shalt  }
0x85: {  	_ =	shalt  }
0x86: {  	_ =	shalt  }
0x87: {  	_ =	shalt  }
.Lfunc_end0:
.L_simem_size_0:
called_computation.1_lowered:
.L_overlay_start_0:
0x88: {  	s0 =	sld [smem:$0x3FD9]  }
0x89: {  	s1 =	sld [smem:$0x3FFE];
	_ =	sdelay $0x3  }
0x8a: {  	s0 =	sadd.s32 s1, s0  }
0x8b: {  	[smem:$0x3FB8] =	sst s0  }
0x8c: {  	_ = 	snop  }
0x8d: {  	(tm) =	ssettm $0x1  }
0x8e: {  	s15 =	sld [smem:$0x3FFB];
	_ =	sdelay $0x3  }
0x8f: {  	_ =	strace s15  }
0x90: {  	s0 =	sld [smem:$0x3FFC];
	_ =	sdelay $0x3  }
0x91: {  	_ =	strace s0  }
0x92: {  	s0 =	sld [smem:$0x3FFD];
	_ =	sdelay $0x3  }
0x93: {  	_ =	strace s0  }
0x94: {  	_ =	strace $0x8FFFFFFF  }
0x95: {  	s16 =	sld [smem:$0x3FDB];
	_ =	sdelay $0x1  }
0x96: {  	s17 =	simm.s32 $_scs_section_size  }
0x97: {  	s2 =	simm.s32 $_size__tile_overlayer_lowered;
	s3 =	simm.s32 $_tile_overlayer_lowered  }
0x98: {  	s20 =	simm.s32 $0x1BFF;
	s19 =	sshll.u32 s3, $0x1;
	s0 =	sadd.s32 s17, s16  }
0x99: {  	s4 =	simm.s32 $0x0;
	s18 =	sshll.u32 s2, $0x1;
	s2 =	sadd.s32 s19, s0  }
0x9a: {  	[timem:s4], [sflag:s20] =	dma.local [hbm:s2], s18  }
0x9b: {  	_ =	swait.ge [sflag:s20], s18  }
0x9c: {  	s1 =	ssub.s32 $0x0, s18;
	[sflag:s20] =	ssyncset.done $0x0  }
0x9d: {  	[sflag:s20] =	ssyncadd.s32 s1;
	_ =	sdelay $0x1  }
0x9e: {  	s21 =	simm.s32 $0x1B8B  }
0x9f: {  	_ =	swait.ge [sflag:s21], $0x1  }
0xa0: {  	[sflag:s21] =	ssyncset.done $0x0  }
0xa1: {  	s23 =	simm.s32 $0x1B8E;
	s22 =	sld [smem:$0x3FFE];
	[sflag:s21] =	ssyncadd.s32 $0xFFFFFFFF  }
0xa2: {  	s24 =	simm.s32 $execute0_lowered;
	[smem:$0x3FD2] =	sst s23  }
0xa3: {  	s2 =	sshll.u32 s24, $0x1;
	_ =	strace $0x80000049;
	[dreg:$0x1] =	wrdreg $0xFFFFFFFF  }
0xa4: {  	s25 =	simm.s32 $_size_execute0_lowered;
	s0 =	sadd.s32 s0, s2;
	[dreg:$0x0] =	wrdreg $0x0  }
0xa5: {  	s2 =	sshll.u32 s25, $0x1;
	[dreg:$0x2] =	wrdreg s0  }
0xa6: {  	[dreg:$0x3] =	wrdreg s2  }
0xa7: {  	[dreg:$0x4] =	wrdreg $0xC0  }
0xa8: {  	_ =	task [dreg:s4], $0x5FFFF  }
0xa9: {  	[dreg:$0x1] =	wrdreg $0xFFFFFFFF  }
0xaa: {  	[dreg:$0x0] =	wrdreg $0x60  }
0xab: {  	[dreg:$0x2] =	wrdreg s22  }
0xac: {  	[dreg:$0x3] =	wrdreg $0x9  }
0xad: {  	_ =	task.clear_ibuf [dreg:s4], $0x4FFFF;
	_ =	strace $0x90000049  }
0xae: {  	s26 =	simm.s32 $0x9;
	_ =	strace $0x8000004B  }
0xaf: {  	_ =	swait.ge [sflag:s26], $0x1  }
0xb0: {  	[sflag:s26] =	ssyncadd.s32 $0xFFFFFFFF  }
0xb1: {  	_ =	strace $0x9000004B  }
0xb2: {  	_ =	sfence  }
0xb3: {  	s28 =	sld [smem:$0x0];
	_ =	sdelay $0x1  }
0xb4: {  	s29 =	srdreg.scid  }
0xb5: {  	s30 =	sshll.u32 s29, $0xD;
	s31 =	sshrl.u32 s29, $0x2  }
0xb6: {  	s1 =	sand.u32 $0x1, s29;
	s2 =	sand.u32 $0x4000, s30;
	s0 =	sadd.s32 s31, s28  }
0xb7: {  	s1 =	sor.u32 s2, s1;
	s0 =	sshll.u32 s0, $0x11  }
0xb8: {  	s0 =	sor.u32 s0, s1  }
0xb9: {  	s0 =	sadd.s32 $0x8F2B, s0  }
0xba: {  	[sflag:s0] =	ssyncadd.remote.s32 $0x1  }
0xbb: {  	_ =	sfence.sel $0xFFFF  }
0xbc: {  	[dreg:$0x0] =	wrdreg $0xFFFFFFFF;
	(pc) =	sbr.abs _section_cstart, $3  }
0xbd: {  	[dreg:$0x1] =	wrdreg $0xFFFFFFFF  }
0xbe: {  	_ =	task.clear_ibuf [dreg:s4], $0x2FFFF;
	_ =	strace $0x9FFFFFFF  }
0xbf: {  	(tm) =	ssettm $0x7FFFFFFF  }
tec
execute0_lowered:
.L_overlay_start_1:
0x0: {  	(tag) =	ssettag $0x1  }
0x1: {  	s3 =	rddreg [dreg:$0x0]  }
0x2: {  	s14 =	stileid.u32;
	_ =	strace $0x8000004A;
	s0 =	simm.s32 $0x1  }
0x3: {  	v1 =	vimm.s32 $0xFFFFFFFF;
	s1 =	smin.u32 s14, $0x4;
	[sflag:s0] =	ssyncpa.u1 $0x0  }
0x4: {  	s1 =	sadd.s32 s14, s1;
	[tilespmem:$0x10] =	vst v1  }
0x5: {  	v0 =	vimm.f32 $0.0e+00;
	p0 =	slt.u32 s14, $0x4;
	[tilespmem:$0x20] =	vst v1;
	s4 =	smul.u32 $0x1F40, s1;
	s1 =	simm.s32 $0x3E80  }
0x6: {  	[tilespmem:$0x30] =	vst v0;
	s1 =	simm.s32 @!p0 $0x1F40  }
0x7: {  	[tilespmem:$0x40] =	vst v0;
	s1 =	sadd.s32 s1, s4  }
0x8: {  	[tilespmem:$0x50] =	vst v0;
	s5 =	smin.u32 s1, $0x27100  }
0x9: {  	s7 =	simm.s32 $0x2;
	s8 =	simm.s32 $0x8;
	[tilespmem:$0x60] =	vst v1;
	s2 =	ssub.s32 s5, s4  }
0xa: {  	s31 =	simm.s32 $0x9;
	s16 =	simm.s32 $0x0;
	[tilespmem:$0x70] =	vst v1;
	p0 =	sgt.s32 s2, $0x0  }
0xb: {  	s17 =	simm.s32 $0xF0;
	s18 =	simm.s32 $0xFFFFFFFF;
	[tilespmem:$0x80] =	vst v1;
	s2 =	simm.s32 @!p0 $0x0  }
0xc: {  	s19 =	simm.s32 $0xFFFFC280;
	s20 =	simm.s32 $0xFFFFFFFE;
	v1 =	vimm.s32 $0x0;
	[tilespmem:$0xB0] =	vst v0;
	s30 =	smulhi.u32 $0x10624DD3, s2  }
0xd: {  	s21 =	simm.s32 $0xF;
	s25 =	simm.s32 $0x0;
	s24 =	simm.s32 $0x0;
	[tilespmem:$0x90] =	vst v1  }
0xe: {  	[tilespmem:$0xA0] =	vst v1;
	[sflag:s7] =	ssyncpa.u1 $0x0;
	s7 =	simm.s32 $0x7;
	s9 =	sshrl.u32 s30, $0x9  }
0xf: {  	s6 =	sadd.s32 $0x5000, s3;
	[sflag:s7] =	ssyncpa.u1 $0x0;
	s10 =	smul.u32 $0x1F40, s9  }
.Ltmp0:
0x10: {  	[sflag:s8] =	ssyncpa.u1 $0x0;
	s23 =	smov.u32 s4;
	(pc) =	sbr.rel .LBB2_1-.Ltmp0, $4  }
0x11: {  	s1 =	sadd.s32 $0xA000, s3;
	[sflag:s31] =	ssyncpa.u1 $0x0;
	p0 =	sne.s32 s2, s10  }
0x12: {  	s10 =	sshll.u32 s14, $0x1;
	s14 =	sshllo.u32 s14, $0x1;
	s0 =	simm.s32 @!p0 $0x0  }
0x13: {  	vm0 =	vmmov $0xffff;
	v2 =	vlaneseq.u32;
	s13 =	sor.u32 $0x81, s10;
	s15 =	sor.u32 $0x80, s10;
	s9 =	sadd.s32 s0, s9  }
0x14: {  	vm1 =	vmxor vm1, vm1;
	vm2 =	vmmov $0x1;
	vm3 =	vcmask $0x3F3C;
	p0 =	por $0x0, $0x0;
	s11 =	sadd.s32 $0x1, s9;
	s12 =	sadd.s32 $0x2, s9  }
.LBB2_9:
0x15: {  	p1 =	slt.u32 s24, $0x3  }
0x16: {  	s0 =	simm.s32 @!p1 $0x2  }
0x17: {  	_ =	swait.ge @!p1 [sflag:s0], $0x1F40  }
0x18: {  	[sflag:s0] =	ssyncset.done @!p1 $0x0  }
0x19: {  	[sflag:s0] =	ssyncadd.s32 @!p1 $0xFFFFE0C0;
	s0 =	simm.s32 @!p1 $0x9  }
0x1a: {  	_ =	swait.ge @!p1 [sflag:s0], $0x10  }
0x1b: {  	[sflag:s0] =	ssyncset.done @!p1 $0x0  }
0x1c: {  	[sflag:s0] =	ssyncadd.s32 @!p1 $0xFFFFFFF0;
	p1 =	sne.s32 s24, s12  }
.Ltmp1:
0x1d: {  	s2 =	sadd.s32 $0x1F40, s23;
	(pc) =	sbr.rel @!p1 .LBB2_10-.Ltmp1, $4  }
0x1e: {  	s22 =	smov.u32 s4;
	s31 =	sadd.s32 $0x1, s24;
	s17 =	sadd.s32 $0x1F40, s17  }
0x1f: {  	s18 =	sadd.s32 $0x1, s18;
	s25 =	smov.u32 s23;
	p2 =	slt.s32 s2, s5  }
0x20: {  	p0 =	por !p0, !p0;
	s19 =	sadd.s32 $0x1F40, s19;
	s22 =	smov.u32 @p2 s2  }
0x21: {  	s20 =	sadd.s32 $0x1, s20;
	s23 =	smov.u32 s22;
	s24 =	smov.u32 s31  }
.LBB2_1:
0x22: {  	p1 =	sge.u32 s24, s9  }
0x23: {  	s0 =	smulhi.u32 @!p1 $0xAAAAAAAB, s24;
	_ =	sdelay $0x1  }
0x24: {  	s0 =	sshrl.u32 @!p1 s0, $0x1  }
0x25: {  	s0 =	smul.u32 @!p1 $0x3, s0;
	_ =	sdelay $0x1  }
0x26: {  	s0 =	ssub.s32 @!p1 s24, s0  }
0x27: {  	s0 =	smul.u32 @!p1 $0x7D00, s0;
	_ =	sdelay $0x1  }
0x28: {  	s2 =	sshrl.u32 @!p1 s23, $0x3;
	s0 =	sshrl.u32 @!p1 s0, $0x2  }
0x29: {  	s22 =	sand.u32 @!p1 $0x7, s23;
	s2 =	sadd.s32 @!p1 s3, s2;
	s0 =	sadd.s32 @!p1 $0x100, s0  }
0x2a: {  	[tilespmem:s0], [sflag:$0x7] =	stream.linear.gather @!p1 [hbm4b:s2+s22], $0x1F40, $0x38;
	[tilespmem:$0x11A60] =	vst v63  }
0x2b: {  	s0 =	sadd.s32 $0xFFFFFFFF, s24  }
0x2c: {  	p1 =	sge.u32 s0, s9  }
.Ltmp2:
0x2d: {  	_ = 	snop;
	(pc) =	sbr.rel @p1 .LBB2_5-.Ltmp2, $1  }
0x2e: {  	_ =	sdelay $0x3  }
0x2f: {  	s2 =	smulhi.u32 $0xAAAAAAAB, s0;
	_ =	sdelay $0x1  }
0x30: {  	s2 =	sshrl.u32 s2, $0x1  }
0x31: {  	s2 =	smul.u32 $0x3, s2;
	_ =	sdelay $0x1  }
0x32: {  	s2 =	ssub.s32 s0, s2  }
0x33: {  	s2 =	smul.u32 $0x7D00, s2  }
0x34: {  	_ =	swait.ge [sflag:s7], $0x1F40  }
0x35: {  	[sflag:s7] =	ssyncset.done $0x0;
	s2 =	sshrl.u32 s2, $0x2  }
0x36: {  	[sflag:s7] =	ssyncadd.s32 $0xFFFFE0C0;
	(ifvalue) =	ssetifvalue $0xFFFFFFFF;
	v3 =	vld.msk [tilespmem:s2+$0x100 ss:$0x1], $0xffff;
	_ =	sdelay $0x2  }
0x37: {  	s30 =	smulhi.u32 $0xAAAAAAAB, s18;
	p1 =	sne.s32 s24, $0x1  }
0x38: {  	v4 =	vimm.s32 @!p1 $0x0  }
0x39: {  	s2 =	sshrl.u32 s30, $0x1;
	v4 =	vperm.xlane @!p1 v3, v4  }
0x3a: {  	s22 =	sshll.u32 s24, $0x4;
	s2 =	smul.u32 $0xFFFE8900, s2;
	vm4 =	vlt.u32 v3, $0x2800  }
0x3b: {  	s22 =	sand.u32 $0x10, s22;
	v3 =	vnsel vm4, $0xFFFFFFFE, v3;
	vm4 =	vlt.u32 @!p1 v4, $0x2800  }
0x3c: {  	s2 =	sshra.s32 s2, $0x2;
	[tilespmem:s22+$0x60] =	vst v3;
	v3 =	vnsel @!p1 vm4, $0xFFFFFFFE, v4  }
0x3d: {  	s28 =	sadd.s32 s2, s17;
	[tilespmem:$0x80] =	vst @!p1 v3  }
0x3e: {  	v3 =	vld.msk [tilespmem:s28+$0x0 ss:$0x1], $0xffff;
	_ =	sdelay $0x4  }
0x3f: {  	(xrf1) =	vunique.msk.u32 $0xffff, v3;
	_ =	sdelay $0xd  }
0x40: {  	v4 =	vimm.s32 $0xFFFFFFFF;
	v5, _, _ =	vpop (xrf1)  }
0x41: {  	vm5 =	vne.s32 v3, v4;
	vm4 =	veq.s32 v5, v2  }
0x42: {  	vm6 =	vlt.u32 v3, $0x2800;
	vm4 =	vmand vm5, vm4  }
0x43: {  	vm4 =	vmand vm6, vm4  }
0x44: {  	v4 =	vnsel vm4, $0xFFFFFFFF, v3  }
0x45: {  	s31 =	sand.u32 $0x1, s0  }
0x46: {  	s0 =	simm.s32 $0x1F40;
	p1 =	seq.s32 s31, $0x1  }
0x47: {  	s0 =	simm.s32 @!p1 $0x0  }
0x48: {  	s26 =	sadd.s32 $0x7DF0, s0;
	(ifvalue) =	ssetifvalue $0xFFFFFFFF  }
0x49: {  	v3 =	vperm.xlane v3, v1;
	[tilespmem:s26], [sflag:$0x8] =	stream.indirect_vreg.gather [hbm4b:s1+s16], $0x1, v4, vm0, $0x4038;
	v4 =	vnsel vm6, $0xFFFFFFFE, v4;
	[tilespmem:$0x11A60] =	vst v63  }
0x4a: {  	s2 =	simm.s32 $0x0;
	s22 =	sadd.s32 $0xFFFFFFF0, s28;
	[tilespmem:s28+$0x0] =	vst v4  }
.LBB2_3:
0x4b: {  	v4 =	vld.msk [tilespmem:s22+$0x0 ss:$0x1], $0xffff;
	s2 =	sadd.s32 $0x10, s2;
	v5 =	vmov v3;
	s28 =	smov.u32 s22  }
0x4c: {  	p1 =	slt.u32 s2, $0x1F30;
	_ =	sdelay $0x4  }
0x4d: {  	v3 =	vperm.xlane v4, v1;
	(xrf1) =	vunique.msk.u32 $0xffff, v4;
	_ =	sdelay $0xd  }
0x4e: {  	v6, _, _ =	vpop (xrf1)  }
0x4f: {  	vm5 =	vne.s32 v4, v5;
	vm4 =	veq.s32 v6, v2  }
0x50: {  	vm6 =	vlt.u32 v4, $0x2800;
	vm4 =	vmand vm5, vm4  }
0x51: {  	vm4 =	vmand vm6, vm4  }
0x52: {  	v4 =	vnsel vm4, $0xFFFFFFFF, v4  }
.Ltmp3:
0x53: {  	v5 =	vnsel vm6, $0xFFFFFFFE, v4;
	(pc) =	sbr.rel @p1 .LBB2_3-.Ltmp3, $3  }
0x54: {  	_ =	sdelay $0x1  }
0x55: {  	s22 =	sadd.s32 $0xFFFFFFF0, s22;
	s26 =	sadd.s32 $0xFFFFFFF0, s26;
	(ifvalue) =	ssetifvalue $0xFFFFFFFF  }
0x56: {  	[tilespmem:s26], [sflag:$0x8] =	stream.indirect_vreg.gather [hbm4b:s1+s16], $0x1, v4, vm0, $0x4038;
	[tilespmem:s28+$0x0] =	vst v5  }
0x57: {  	s2 =	sshrl.u32 s25, $0x3  }
0x58: {  	s0 =	sadd.s32 $0x9D40, s0;
	s2 =	sadd.s32 s6, s2  }
0x59: {  	[tilespmem:s0], [sflag:$0x8] =	stream.linear.gather [hbm:s2], $0x1F40, $0x38;
	[tilespmem:$0x11A60] =	vst v63  }
.LBB2_5:
0x5a: {  	p1 =	slt.u32 s24, $0x2  }
0x5b: {  	p2 =	sge.u32 @!p1 s24, s12  }
0x5c: {  	p1 =	por p1, p2  }
.Ltmp4:
0x5d: {  	_ = 	snop;
	(pc) =	sbr.rel @p1 .LBB2_9-.Ltmp4, $1  }
0x5e: {  	_ =	sdelay $0x3  }
0x5f: {  	s0 =	sadd.s32 $0xFFFFFFFE, s24  }
0x60: {  	s2 =	smulhi.u32 $0xAAAAAAAB, s0;
	_ =	sdelay $0x1  }
0x61: {  	s2 =	sshrl.u32 s2, $0x1  }
0x62: {  	s2 =	smul.u32 $0x3, s2;
	_ =	sdelay $0x1  }
0x63: {  	s0 =	ssub.s32 s0, s2  }
0x64: {  	_ =	swait.ge [sflag:s8], $0x3E80;
	s0 =	smul.u32 $0x1F40, s0  }
0x65: {  	p1 =	sne.s32 s24, s11;
	[sflag:s8] =	ssyncset.done $0x0  }
0x66: {  	[sflag:s8] =	ssyncadd.s32 $0xFFFFC180;
	s2 =	sadd.s32 @!p1 $0x203F, s0  }
0x67: {  	[spmem:s13] =	stream.linear.scatter @!p1 [tilespmem:s2], [sflag:$0x1], $0x1, $0x38;
	[tilespmem:$0x11A60] =	vst v63  }
0x68: {  	s2 =	simm.s32 @!p1 $0x1  }
0x69: {  	_ =	swait.ge @!p1 [sflag:s2], $0x1  }
0x6a: {  	s22 =	sshll.u32 s24, $0x4;
	[sflag:s2] =	ssyncset.done @!p1 $0x0  }
0x6b: {  	s25 =	sand.u32 $0x10, s22;
	[sflag:s2] =	ssyncadd.s32 @!p1 $0xFFFFFFFF  }
0x6c: {  	s2 =	sxor.u32 $0x10, s25;
	v4 =	vld [tilespmem:s25+$0x10]  }
0x6d: {  	v5 =	vld [tilespmem:s2+$0x60]  }
0x6e: {  	v3 =	vld [tilespmem:$0x80];
	_ =	sdelay $0x2  }
0x6f: {  	(v2sf) =	vpush v4, $0x0  }
0x70: {  	(v2sf) =	vpush v5, $0x0  }
0x71: {  	(v2sf) =	vpush v3, $0x0;
	_ =	sdelay $0xc  }
0x72: {  	s22 =	spop (v2sf)  }
0x73: {  	s26 =	spop (v2sf)  }
0x74: {  	s28 =	spop (v2sf)  }
0x75: {  	p2 =	seq.s32 s22, s26;
	p3 =	seq.s32 s28, s22  }
0x76: {  	p3 =	por p2, p3  }
0x77: {  	s26 =	sand.u32 $0x1, s24;
	v4 =	vpsel p3, $0xFFFFFFFF, v4  }
0x78: {  	s29 =	smul.u32 $0x1F40, s26;
	[tilespmem:s25+$0x10] =	vst.msk $0x1, v4  }
0x79: {  	v4 =	vld [tilespmem:$0x30]  }
0x7a: {  	v5 =	vld [tilespmem:s29+$0x9D40]  }
0x7b: {  	v6 =	vld [tilespmem:s25+$0x40];
	_ =	sdelay $0x3  }
0x7c: {  	vm4 =	vmmov vm1;
	v5 =	vadd.f32 v5, v4  }
0x7d: {  	vm5 =	vmmov vm2;
	vm4 =	vmmov @p2 vm2;
	s22 =	sshll.u32 s26, $0x4;
	v4 =	vadd.f32 v6, v4  }
0x7e: {  	s26 =	sor.u32 $0x11A40, s22;
	vm5 =	vmmov @p3 vm1;
	[tilespmem:s29+$0x9D40] =	vst.msk vm4, v5  }
0x7f: {  	[tilespmem:s26+$0x0] =	vst.msk vm5, v4  }
0x80: {  	v4 =	vld [tilespmem:s29+$0x7DF0];
	_ =	sdelay $0x3  }
0x81: {  	v5 =	vimm.f32 $0.0e+00  }
0x82: {  	v4 =	vshift.insert v4, v5, s21  }
0x83: {  	s22 =	sor.u32 $0x40, s2  }
0x84: {  	[tilespmem:s22+$0x0] =	vst.msk $0x1, v4  }
0x85: {  	[tilespmem:s29+$0x7DFF] =	vst.msk $0x1, v5  }
0x86: {  	v4 =	vld [tilespmem:s0+$0x2030];
	_ =	sdelay $0x1  }
0x87: {  	s22 =	smulhi.u32 $0xAAAAAAAB, s20;
	s0 =	simm.s32 $0x1  }
0x88: {  	s0 =	simm.s32 @!p0 $0x0  }
0x89: {  	s22 =	sshrl.u32 s22, $0x1;
	s0 =	smul.u32 $0x7D00, s0  }
0x8a: {  	s22 =	smul.u32 $0xFFFE8900, s22;
	v4 =	vshift.insert v4, v1, s21  }
0x8b: {  	s0 =	sshrl.u32 s0, $0x2  }
0x8c: {  	s22 =	sshra.s32 s22, $0x2;
	s30 =	sadd.s32 $0x9D40, s0;
	[tilespmem:s2+$0x10] =	vst.msk $0x1, v4  }
0x8d: {  	s22 =	sadd.s32 s22, s19;
	v6 =	vld [tilespmem:s30+$0x0]  }
0x8e: {  	v7 =	vld [tilespmem:s22+$0x0];
	_ =	sdelay $0x3  }
0x8f: {  	v5 =	vadd.f32 v6, v5  }
0x90: {  	vm4 =	vne.s32 v7, $0xFFFFFFFF  }
0x91: {  	(xrf2) =	vadd.seg.scan.f32 vm4, v5;
	_ =	sdelay $0x3  }
0x92: {  	s31 =	sadd.s32 $0x5EC0, s0;
	v5 =	vperm.xlane v4, v1  }
0x93: {  	v6 =	vld [tilespmem:s31+$0x0]  }
0x94: {  	vm5 =	veq.s32 v7, v3;
	vm6 =	veq.s32 v7, v5  }
0x95: {  	vm7 =	vgt.u32 v7, $0xFFFFFFFD;
	vm6 =	vmor vm6, vm5  }
0x96: {  	vm6 =	vmor vm6, vm7  }
0x97: {  	v9 =	vld [tilespmem:$0xA0];
	v7 =	vsel vm6, $0xFFFFFFFF, v7  }
0x98: {  	v10 =	vld [tilespmem:$0x90];
	v6 =	vsel vm5, $0x0, v6;
	v8, _, _ =	vpop (xrf2)  }
0x99: {  	v6 =	vadd.f32 v8, v6  }
0x9a: {  	s0 =	sadd.s32 $0xDBC0, s0  }
0x9b: {  	vm4 =	vmand vm4, vm3;
	[tilespmem:s0+$0x0] =	vst v6;
	(ifvalue) =	ssetifvalue $0xFFFFFFFF  }
0x9c: {  	vm6 =	veq.s32 v9, $0x1;
	[hbm4b:s1+s16] =	stream.indirect_vreg.scatter [tilespmem:s0], [sflag:$0x2], $0x1, v7, vm0, $0x4038;
	v7 =	vsel vm4, $0x0, v8;
	[tilespmem:$0x11A60] =	vst v63  }
0x9d: {  	s2 =	simm.s32 $0x0;
	s22 =	sadd.s32 $0x10, s22;
	vm4 =	vmor vm6, vm5;
	v6 =	vsel vm5, v8, v10;
	v7 =	vshift.insert v7, v0, s21  }
.LBB2_7:
0x9e: {  	v8 =	vld [tilespmem:s22+$0x0];
	s30 =	sadd.s32 $0x10, s30  }
0x9f: {  	s31 =	sadd.s32 $0x10, s31;
	v9 =	vld [tilespmem:s30+$0x0]  }
0xa0: {  	s2 =	sadd.s32 $0x10, s2;
	v10 =	vld [tilespmem:s31+$0x0]  }
0xa1: {  	p2 =	slt.u32 s2, $0x1F30;
	_ =	sdelay $0x2  }
0xa2: {  	v7 =	vadd.f32 v9, v7  }
0xa3: {  	vm5 =	vne.s32 v8, $0xFFFFFFFF  }
0xa4: {  	vm6 =	vmand vm5, vm3;
	(xrf2) =	vadd.seg.scan.f32 vm5, v7;
	_ =	sdelay $0x5  }
0xa5: {  	vm7 =	veq.s32 v8, v5;
	vm5 =	veq.s32 v8, v3  }
0xa6: {  	vm8 =	vgt.u32 v8, $0xFFFFFFFD;
	vm4 =	vmor vm4, vm5;
	vm7 =	vmor vm7, vm5  }
0xa7: {  	vm7 =	vmor vm7, vm8  }
0xa8: {  	v8 =	vsel vm7, $0xFFFFFFFF, v8  }
.Ltmp5:
0xa9: {  	v7 =	vsel vm5, $0x0, v10;
	v9, _, _ =	vpop (xrf2);
	(pc) =	sbr.rel @p2 .LBB2_7-.Ltmp5, $4  }
0xaa: {  	v6 =	vsel vm5, v9, v6;
	v10 =	vadd.f32 v9, v7;
	v7 =	vsel vm6, $0x0, v9  }
0xab: {  	s0 =	sadd.s32 $0x10, s0;
	v7 =	vshift.insert v7, v0, s21  }
0xac: {  	s22 =	sadd.s32 $0x10, s22;
	[tilespmem:s0+$0x0] =	vst v10;
	(ifvalue) =	ssetifvalue $0xFFFFFFFF  }
0xad: {  	[hbm4b:s1+s16] =	stream.indirect_vreg.scatter [tilespmem:s0], [sflag:$0x2], $0x1, v8, vm0, $0x4038;
	[tilespmem:$0x11A60] =	vst v63  }
0xae: {  	v3 =	vld [tilespmem:s29+$0xFAF0];
	_ =	sdelay $0x4  }
0xaf: {  	v3 =	vshift.insert v3, v0, s21  }
0xb0: {  	s0 =	simm.s32 $0x30  }
0xb1: {  	[tilespmem:s0+$0x0] =	vst.msk $0x1, v3  }
0xb2: {  	v3 =	vsel vm4, $0x1, v1;
	[tilespmem:$0x90] =	vst v6  }
0xb3: {  	s0 =	sadd.s32 @!p1 $0xFAFF, s29;
	[tilespmem:$0xA0] =	vst v3  }
0xb4: {  	[spmem:s14] =	stream.linear.scatter @!p1 [tilespmem:s0], [sflag:$0x1], $0x1, $0x38;
	[tilespmem:$0x11A60] =	vst v63  }
0xb5: {  	s0 =	simm.s32 @!p1 $0x1  }
0xb6: {  	v3 =	vmctz.xlane @!p1 vm4;
	_ =	swait.ge @!p1 [sflag:s0], $0x1  }
0xb7: {  	(v2sf) =	vpush @!p1 v4, $0x0  }
0xb8: {  	(v2sf) =	vpush @!p1 v3, $0x0;
	_ =	sdelay $0xd  }
0xb9: {  	s2 =	spop @!p1 (v2sf)  }
0xba: {  	s22 =	spop @!p1 (v2sf)  }
0xbb: {  	p2 =	sne.s32 @!p1 s28, s2;
	p3 =	slt.s32 @!p1 s22, $0xF  }
0xbc: {  	[sflag:s0] =	ssyncset.done @!p1 $0x0;
	p2 =	por p2, p1;
	p3 =	por !p3, p1  }
0xbd: {  	[sflag:s0] =	ssyncadd.s32 @!p1 $0xFFFFFFFF;
	v3 =	vimm.s32 @!p2 $0xFFFFFFFF;
	s22 =	simm.s32 @p3 $0xF  }
0xbe: {  	[tilespmem:$0x80] =	vst @!p2 v3;
	s2 =	sadd.s32 @!p1 $0x90, s22  }
0xbf: {  	[spmem:s10] =	stream.linear.scatter @!p1 [tilespmem:s2], [sflag:$0x1], $0x1, $0x38;
	[tilespmem:$0x11A60] =	vst v63  }
0xc0: {  	_ =	swait.ge @!p1 [sflag:s0], $0x1  }
0xc1: {  	[sflag:s0] =	ssyncset.done @!p1 $0x0  }
0xc2: {  	s2 =	simm.s32 @!p1 $0x80;
	[sflag:s0] =	ssyncadd.s32 @!p1 $0xFFFFFFFF  }
0xc3: {  	[spmem:s15] =	stream.linear.scatter @!p1 [tilespmem:s2], [sflag:$0x1], $0x1, $0x38;
	[tilespmem:$0x11A60] =	vst v63  }
0xc4: {  	_ =	swait.ge @!p1 [sflag:s0], $0x1  }
0xc5: {  	[sflag:s0] =	ssyncset.done @!p1 $0x0  }
0xc6: {  	[sflag:s0] =	ssyncadd.s32 @!p1 $0xFFFFFFFF;
	(ifvalue) =	ssetifvalue $0xFFFFFFFF;
	v3 =	vld [tilespmem:s25+$0x10];
	_ =	sdelay $0x3  }
.Ltmp6:
0xc7: {  	_ = 	snop;
	(pc) =	sbr.rel .LBB2_9-.Ltmp6, $3  }
0xc8: {  	_ =	sdelay $0x1  }
0xc9: {  	(ifvalue) =	ssetifvalue $0xFFFFFFFF  }
0xca: {  	[hbm4b:s1+s16] =	stream.indirect_vreg.scatter [tilespmem:s26], [sflag:$0x9], $0x1, v3, vm0, $0x4038;
	[tilespmem:$0x11A60] =	vst v63  }
.LBB2_10:
0xcb: {  	_ =	sfence.sel $0x180000  }
0xcc: {  	s0 =	simm.s32 $0x7;
	[bflag:$0x0] =	sbarrier.arrive $0xFFFF  }
0xcd: {  	s26 =	simm.s32 $0x8;
	[sflag:s0] =	ssyncpa.u1 $0x1  }
0xce: {  	s28 =	simm.s32 $0x9;
	[sflag:s26] =	ssyncpa.u1 $0x1  }
0xcf: {  	[sflag:s28] =	ssyncpa.u1 $0x1  }
0xd0: {  	_ =	sfence.stream.spmem  }
0xd1: {  	s29 =	simm.s32 $0x3;
	[bflag:$0x0] =	sbarrier.arrive $0xFFFF  }
0xd2: {  	s30 =	simm.s32 $0x4;
	[sflag:s29] =	ssyncpa.u1 $0x1  }
0xd3: {  	s31 =	simm.s32 $0x3C;
	s2 =	stileid.u32;
	[sflag:s30] =	ssyncpa.u1 $0x1  }
0xd4: {  	p0 =	sne.s32 s2, $0x0;
	[sflag:s31] =	ssyncpa.u1 $0x1  }
0xd5: {  	s0 =	simm.s32 @p0 $0x1;
	_ =	sfence @p0  }
0xd6: {  	[sflag:s0] =	ssyncpa.u1 @p0 $0x1;
	s0 =	simm.s32 @p0 $0x2  }
0xd7: {  	[sflag:s0] =	ssyncpa.u1 @p0 $0x1  }
0xd8: {  	_ =	strace @p0 $0x9000004A  }
0xd9: {  	[bflag:$0x2] =	sbarrier.arrive @p0 $0xFFFF  }
0xda: {  	_ =	shalt @p0  }
.LBB2_11:
0xdb: {  	_ =	sfence.stream.spmem;
	s0 =	simm.s32 $0x5  }
0xdc: {  	s2 =	simm.s32 $0x80;
	s3 =	simm.s32 $0xC0;
	[sflag:s0] =	ssyncpa.u1 $0x0  }
0xdd: {  	[tilespmem:s3], [sflag:$0x5] =	stream.linear.gather [spmem:s2], $0x20, $0x38;
	[tilespmem:$0x11A60] =	vst v63  }
0xde: {  	s2 =	simm.s32 $0x0;
	s3 =	simm.s32 $0xE0  }
0xdf: {  	[tilespmem:s3], [sflag:$0x5] =	stream.linear.gather [spmem:s2], $0x20, $0x38;
	[tilespmem:$0x11A60] =	vst v63  }
.Ltmp7:
0xe0: {  	_ = 	snop;
	(pc) =	sbr.rel .LBB2_12-.Ltmp7, $4  }
0xe1: {  	_ =	swait.ge [sflag:s0], $0x40  }
0xe2: {  	[sflag:s0] =	ssyncset.done $0x0  }
0xe3: {  	s31 =	simm.s32 $0x6;
	[sflag:s0] =	ssyncadd.s32 $0xFFFFFFC0  }
0xe4: {  	s4 =	simm.s32 $0x0;
	[sflag:s31] =	ssyncpa.u1 $0x0  }
.LBB2_17:
0xe5: {  	p0 =	sgt.u32 s5, $0x27FF  }
0xe6: {  	s0 =	sshrl.u32 @!p0 s5, $0x3  }
0xe7: {  	s5 =	sand.u32 @!p0 $0x7, s5;
	s6 =	simm.s32 @!p0 $0xB0;
	s0 =	sadd.s32 @!p0 s1, s0  }
0xe8: {  	[tilespmem:s6], [sflag:$0x6] =	stream.linear.gather @!p0 [hbm4b:s0+s5], $0x1, $0x38;
	[tilespmem:$0x11A60] =	vst v63  }
0xe9: {  	s0 =	simm.s32 @!p0 $0x6  }
0xea: {  	_ =	swait.ge @!p0 [sflag:s0], $0x1  }
0xeb: {  	[sflag:s0] =	ssyncset.done @!p0 $0x0  }
0xec: {  	[sflag:s0] =	ssyncadd.s32 @!p0 $0xFFFFFFFF  }
0xed: {  	v2 =	vmov @!p0 s4;
	v1 =	vld.msk @!p0 [tilespmem:$0xB0], $0x1;
	_ =	sdelay $0x3  }
0xee: {  	s0 =	simm.s32 @!p0 $0xE0  }
0xef: {  	[tilespmem:v2+s0+$0x0], v1 =	vst.idx.ret.add.f32.msk @!p0 $0x1, v1  }
0xf0: {  	[tilespmem:s2+$0xC0] =	vst.msk $0x1, v0  }
0xf1: {  	v0 =	vld.msk [tilespmem:s4+$0xE0], $0x1;
	_ =	sdelay $0x4  }
0xf2: {  	[tilespmem:s2+$0xE0] =	vst.msk $0x1, v0;
	s2 =	sadd.s32 $0x1, s2  }
.LBB2_19:
0xf3: {  	s4 =	sadd.s32 $0x1, s4  }
0xf4: {  	p0 =	sne.s32 s4, $0x20  }
.Ltmp8:
0xf5: {  	_ = 	snop;
	(pc) =	sbr.rel @!p0 .LBB2_20-.Ltmp8, $1  }
0xf6: {  	_ =	sdelay $0x3  }
.LBB2_12:
0xf7: {  	v0 =	vld.msk [tilespmem:s4+$0xC0], $0x1;
	_ =	sdelay $0x4  }
0xf8: {  	(v2sf) =	vpush v0, $0x0;
	_ =	sdelay $0xe  }
0xf9: {  	s5 =	spop (v2sf)  }
0xfa: {  	p0 =	seq.s32 s5, $0xFFFFFFFF  }
.Ltmp9:
0xfb: {  	_ = 	snop;
	(pc) =	sbr.rel @p0 .LBB2_19-.Ltmp9, $1  }
0xfc: {  	_ =	sdelay $0x3  }
0xfd: {  	p0 =	slt.s32 s2, $0x1  }
.Ltmp10:
0xfe: {  	_ = 	snop;
	(pc) =	sbr.rel @p0 .LBB2_17-.Ltmp10, $1  }
0xff: {  	_ =	sdelay $0x3  }
0x100: {  	s0 =	simm.s32 $0xC0;
	p0 =	por $0x0, $0x0  }
0x101: {  	v1 =	vld.msk @!p0 [tilespmem:s0+$0x0], $0x1;
	_ =	sdelay $0x4  }
0x102: {  	(v2sf) =	vpush @!p0 v1, $0x0;
	_ =	sdelay $0xd  }
0x103: {  	p2 =	sne.s32 s2, $0x1  }
.Ltmp11:
0x104: {  	s6 =	spop @!p0 (v2sf);
	(pc) =	sbr.rel @!p2 .LBB2_16-.Ltmp11, $4  }
0x105: {  	p1 =	seq.s32 @!p0 s5, s6  }
0x106: {  	s6 =	simm.s32 $0x0;
	p1 =	por !p1, p0  }
0x107: {  	s8 =	simm.s32 $0xFFFFFFFF;
	s6 =	simm.s32 @p1 $0xFFFFFFFF  }
0x108: {  	s7 =	simm.s32 $0x1;
	s6 =	smov.u32 @p0 s8  }
.LBB2_15:
0x109: {  	s8 =	smov.u32 s6;
	p0 =	sne.s32 s6, $0xFFFFFFFF  }
0x10a: {  	s0 =	sadd.s32 $0x1, s0;
	s6 =	smov.u32 s7;
	s7 =	sadd.s32 $0x1, s7  }
0x10b: {  	p1 =	sne.s32 s2, s7;
	v1 =	vld.msk @!p0 [tilespmem:s0+$0x0], $0x1;
	_ =	sdelay $0x4  }
0x10c: {  	(v2sf) =	vpush @!p0 v1, $0x0;
	_ =	sdelay $0xe  }
.Ltmp12:
0x10d: {  	s9 =	spop @!p0 (v2sf);
	(pc) =	sbr.rel @p1 .LBB2_15-.Ltmp12, $4  }
0x10e: {  	p2 =	seq.s32 @!p0 s5, s9  }
0x10f: {  	p2 =	por !p2, p0  }
0x110: {  	s6 =	simm.s32 @p2 $0xFFFFFFFF  }
0x111: {  	s6 =	smov.u32 @p0 s8  }
.LBB2_16:
0x112: {  	p0 =	sne.s32 s6, $0xFFFFFFFF  }
.Ltmp13:
0x113: {  	_ = 	snop;
	(pc) =	sbr.rel @!p0 .LBB2_17-.Ltmp13, $1  }
0x114: {  	_ =	sdelay $0x3  }
0x115: {  	v0 =	vld.msk [tilespmem:s4+$0xE0], $0x1;
	v1 =	vmov s6  }
.Ltmp14:
0x116: {  	_ = 	snop;
	(pc) =	sbr.rel .LBB2_19-.Ltmp14, $2  }
0x117: {  	_ =	sdelay $0x2  }
0x118: {  	[tilespmem:v1+s3+$0x0], v0 =	vst.idx.ret.add.f32.msk $0x1, v0  }
.LBB2_20:
0x119: {  	p0 =	slt.s32 s2, $0x1  }
.Ltmp15:
0x11a: {  	_ = 	snop;
	(pc) =	sbr.rel @p0 .LBB2_24-.Ltmp15, $3  }
0x11b: {  	_ =	sdelay $0x1  }
0x11c: {  	s0 =	simm.s32 $0x6  }
0x11d: {  	s3 =	simm.s32 $0x0;
	[sflag:s0] =	ssyncpa.u1 $0x1  }
0x11e: {  	s0 =	simm.s32 $0xC0  }
0x11f: {  	v0 =	vld.msk [tilespmem:s0+$0x0], $0x1;
	_ =	sdelay $0x4  }
0x120: {  	(v2sf) =	vpush v0, $0x0;
	_ =	sdelay $0xe  }
0x121: {  	s2 =	sadd.s32 $0xFFFFFFFF, s2;
	s4 =	spop (v2sf)  }
0x122: {  	p1 =	sne.s32 s2, $0x0;
	p0 =	sgt.u32 s4, $0x27FF  }
.Ltmp16:
0x123: {  	s5 =	sshrl.u32 @!p0 s4, $0x3;
	(pc) =	sbr.rel @!p1 .LBB2_23-.Ltmp16, $4  }
0x124: {  	s0 =	simm.s32 $0xE0;
	s4 =	sand.u32 @!p0 $0x7, s4;
	s5 =	sadd.s32 @!p0 s1, s5  }
0x125: {  	[hbm4b:s5+s4] =	stream.linear.scatter @!p0 [tilespmem:s0], [sflag:$0x5], $0x1, $0x38;
	[tilespmem:$0x11A60] =	vst v63  }
0x126: {  	s5 =	simm.s32 $0x0  }
0x127: {  	s4 =	simm.s32 $0xC1;
	s5 =	simm.s32 @!p0 $0x4  }
.LBB2_22:
0x128: {  	v0 =	vld.msk [tilespmem:s4+$0x0], $0x1;
	s2 =	sadd.s32 $0xFFFFFFFF, s2;
	s3 =	sadd.s32 s3, s5  }
0x129: {  	p0 =	sne.s32 s2, $0x0;
	_ =	sdelay $0x3  }
0x12a: {  	(v2sf) =	vpush v0, $0x0;
	_ =	sdelay $0xe  }
.Ltmp17:
0x12b: {  	s6 =	spop (v2sf);
	(pc) =	sbr.rel @p0 .LBB2_22-.Ltmp17, $4  }
0x12c: {  	s5 =	simm.s32 $0x0;
	p1 =	sgt.u32 s6, $0x27FF  }
0x12d: {  	s0 =	sadd.s32 $0x1, s0;
	s5 =	simm.s32 @!p1 $0x4;
	s7 =	sshrl.u32 @!p1 s6, $0x3  }
0x12e: {  	s4 =	sadd.s32 $0x1, s4;
	s6 =	sand.u32 @!p1 $0x7, s6;
	s7 =	sadd.s32 @!p1 s1, s7  }
0x12f: {  	[hbm4b:s7+s6] =	stream.linear.scatter @!p1 [tilespmem:s0], [sflag:$0x5], $0x1, $0x38;
	[tilespmem:$0x11A60] =	vst v63  }
.LBB2_23:
0x130: {  	s0 =	sadd.s32 s3, s5  }
0x131: {  	s3 =	sshrl.u32 s0, $0x2  }
.LBB2_24:
0x132: {  	s0 =	simm.s32 $0x5  }
0x133: {  	_ =	swait.ge [sflag:s0], s3  }
0x134: {  	s1 =	ssub.s32 $0x0, s3;
	[sflag:s0] =	ssyncset.done $0x0  }
0x135: {  	[sflag:s0] =	ssyncadd.s32 s1  }
0x136: {  	[sflag:s0] =	ssyncpa.u1 $0x1  }
0x137: {  	s29 =	simm.s32 $0x1;
	_ =	sfence  }
0x138: {  	s30 =	simm.s32 $0x2;
	[sflag:s29] =	ssyncpa.u1 $0x1  }
0x139: {  	[sflag:s30] =	ssyncpa.u1 $0x1  }
0x13a: {  	_ =	strace $0x9000004A  }
0x13b: {  	[bflag:$0x2] =	sbarrier.arrive $0xFFFF  }
0x13c: {  	s31 =	rddreg [dreg:$0x1]  }
0x13d: {  	s0 =	sadd.s32 $0x100000, s31  }
0x13e: {  	[sflag:s0] =	ssyncadd.tile.s32 $0x1;
	_ =	shalt  }
.Lfunc_end2:
_tile_overlayer_lowered:
.L_overlay_start_2:
0x13f: {  	(tag) =	ssettag $0x2  }
0x140: {  	s0 =	rddreg [dreg:$0x0];
	s2 =	stileid.u32  }
0x141: {  	s1 =	rddreg [dreg:$0x1];
	p0 =	sne.s32 s2, $0x0  }
0x142: {  	s3 =	rddreg [dreg:$0x2];
	[bflag:$0x3] =	sbarrier.arrive $0xFFFF;
	s2 =	simm.s32 @!p0 $0x1C01  }
0x143: {  	[timem:s3], [sflag:s2] =	dma.local @!p0 [hbm:s0], s1  }
0x144: {  	s0 =	simm.s32 @!p0 $0x1  }
0x145: {  	_ =	swait.ge @!p0 [sflag:s0], s1  }
0x146: {  	s1 =	ssub.s32 @!p0 $0x0, s1;
	[sflag:s0] =	ssyncset.done @!p0 $0x0  }
0x147: {  	[sflag:s0] =	ssyncadd.s32 @!p0 s1  }
0x148: {  	[bflag:$0x3] =	sbarrier.arrive $0xFFFF  }
0x149: {  	_ =	shalt  }

// kernel: scatter_offload_async_start.2
scs
__scs_entry_jumppad:
0x0: {  	(pc) =	sbr.rel $0x88, $3  }
0x1: {  	(tag) =	ssettag $0x0;
	lr =	simm.s32 $0x1  }
0x2: {  	[smem:$0x3F91] =	sst lr;
	_ =	strace $0xD0000000  }
0x3: {  	_ = 	snop  }
0x4: {  	_ = 	snop  }
0x5: {  	_ = 	snop  }
0x6: {  	_ = 	snop  }
0x7: {  	_ = 	snop  }
__scs_overlays_trampoline_lowered:
0x8: {  	[smem:$0x3FA0] =	sst s0  }
0x9: {  	[smem:$0x3FA1] =	sst s1  }
0xa: {  	[smem:$0x3FA2] =	sst s2  }
0xb: {  	[smem:$0x3FA3] =	sst s3  }
0xc: {  	[smem:$0x3FA4] =	sst s4  }
0xd: {  	[smem:$0x3FA5] =	sst s5  }
0xe: {  	[smem:$0x3FA6] =	sst s6  }
0xf: {  	[smem:$0x3FA7] =	sst s7  }
0x10: {  	[smem:$0x3FA8] =	sst s8  }
0x11: {  	[smem:$0x3FA9] =	sst s9;
	s0 =	simm.s32 @!p0 $0x0  }
0x12: {  	s1 =	sld [smem:$0x3F8F];
	s0 =	simm.s32 @p0 $0x1  }
0x13: {  	[smem:$0x3FAA] =	sst s0;
	s0 =	simm.s32 @!p1 $0x0  }
0x14: {  	s2 =	sld [smem:$0x3F8E];
	s0 =	simm.s32 @p1 $0x1  }
0x15: {  	[smem:$0x3FAB] =	sst s0;
	s0 =	simm.s32 @!p2 $0x0  }
0x16: {  	s3 =	sld [smem:$0x3FDB];
	s0 =	simm.s32 @p2 $0x1  }
0x17: {  	s4 =	simm.s32 $0x1BF5;
	[smem:$0x3FAD] =	sst s0  }
0x18: {  	s0 =	sld [smem:$0x3F90];
	_ =	swait.ge [sflag:s4], $0x0  }
0x19: {  	s7 =	sld [smem:$0x3F91]  }
0x1a: {  	s8 =	sadd.s32 $0xFFFFE003, lr  }
0x1b: {  	s9 =	sadd.s32 $0xFFFFFEF7, lr;
	s5 =	simm.s32 $0xFFFFFFFF;
	p2 =	slt.u32 s8, $0xFFFFF086  }
0x1c: {  	p1 =	slt.u32 s9, $0xF7A;
	s5 =	simm.s32 @!p2 $0x0  }
0x1d: {  	s5 =	simm.s32 @p1 $0x1;
	p0 =	seq.s32 s7, s2  }
0x1e: {  	s7 =	smul.u32 @!p0 $0xF7A, s2;
	p2 =	seq.s32 @!p0 s5, $0x0  }
0x1f: {  	s9 =	smul.u32 $0xF7A, s1;
	s8 =	simm.s32 @!p0 $0x1BF5;
	p2 =	por !p2, p0  }
0x20: {  	[sflag:s8] =	ssyncset.s32 @!p0 $0xFFFFF086;
	s6 =	sadd.s32 @!p0 s3, s7;
	s7 =	simm.s32 @!p0 $0x108  }
0x21: {  	s3 =	sadd.s32 s3, s9;
	s6 =	sadd.s32 @!p0 $0x88, s6;
	s7 =	simm.s32 @p2 $0x1082  }
0x22: {  	[simem:s7], [sflag:s8] =	dma.local @!p0 [hbm:s6], $0xF7A  }
0x23: {  	s9 =	sor.u32 $0xD0000000, s2;
	s6 =	simm.s32 $0x108;
	_ =	swait.ge @!p0 [sflag:s8], $0x0  }
0x24: {  	s3 =	sadd.s32 $0x88, s3;
	s6 =	simm.s32 @!p1 $0x1082;
	[sflag:s4] =	ssyncset.s32 $0xFFFFF086  }
0x25: {  	[simem:s6], [sflag:s4] =	dma.local [hbm:s3], $0xF7A  }
0x26: {  	[smem:$0x3F91] =	sst s1;
	(tag) =	ssettag s2;
	_ =	strace s9  }
0x27: {  	s1 =	sld [smem:$0x3FA1]  }
0x28: {  	s2 =	sld [smem:$0x3FA2]  }
0x29: {  	s4 =	sld [smem:$0x3FA4]  }
0x2a: {  	p0 =	seq.s32 s5, $0x0;
	s5 =	sld [smem:$0x3FA5]  }
0x2b: {  	s6 =	sld [smem:$0x3FA6]  }
0x2c: {  	s7 =	sld [smem:$0x3FA7]  }
0x2d: {  	s3 =	simm.s32 $0x108;
	s8 =	sld [smem:$0x3FA8]  }
0x2e: {  	s3 =	simm.s32 @!p0 $0x1082;
	s9 =	sld [smem:$0x3FA9]  }
0x2f: {  	lr =	sadd.s32 s0, s3;
	s0 =	sld [smem:$0x3FA0]  }
0x30: {  	s3 =	sld [smem:$0x3FA3]  }
0x31: {  	[smem:$0x3FAC] =	sst s10  }
0x32: {  	s10 =	sld [smem:$0x3FAA];
	_ =	sdelay $0x3  }
0x33: {  	p0 =	seq.s32 s10, $0x1;
	s10 =	sld [smem:$0x3FAC];
	_ =	sdelay $0x3  }
0x34: {  	[smem:$0x3FAC] =	sst s10  }
0x35: {  	s10 =	sld [smem:$0x3FAB];
	_ =	sdelay $0x3  }
0x36: {  	p1 =	seq.s32 s10, $0x1;
	s10 =	sld [smem:$0x3FAC];
	_ =	sdelay $0x3  }
0x37: {  	[smem:$0x3FAC] =	sst s10  }
0x38: {  	s10 =	sld [smem:$0x3FAD]  }
0x39: {  	_ = 	snop;
	(pc) =	sbr.ind lr, $3  }
0x3a: {  	_ = 	snop  }
0x3b: {  	_ = 	snop  }
0x3c: {  	p2 =	seq.s32 s10, $0x1;
	s10 =	sld [smem:$0x3FAC]  }
0x3d: {  	_ =	shalt  }
0x3e: {  	_ =	shalt  }
0x3f: {  	_ =	shalt  }
0x40: {  	_ =	shalt  }
0x41: {  	_ =	shalt  }
0x42: {  	_ =	shalt  }
0x43: {  	_ =	shalt  }
0x44: {  	_ =	shalt  }
0x45: {  	_ =	shalt  }
0x46: {  	_ =	shalt  }
0x47: {  	_ =	shalt  }
0x48: {  	_ =	shalt  }
0x49: {  	_ =	shalt  }
0x4a: {  	_ =	shalt  }
0x4b: {  	_ =	shalt  }
0x4c: {  	_ =	shalt  }
0x4d: {  	_ =	shalt  }
0x4e: {  	_ =	shalt  }
0x4f: {  	_ =	shalt  }
0x50: {  	_ =	shalt  }
0x51: {  	_ =	shalt  }
0x52: {  	_ =	shalt  }
0x53: {  	_ =	shalt  }
0x54: {  	_ =	shalt  }
0x55: {  	_ =	shalt  }
0x56: {  	_ =	shalt  }
0x57: {  	_ =	shalt  }
0x58: {  	_ =	shalt  }
0x59: {  	_ =	shalt  }
0x5a: {  	_ =	shalt  }
0x5b: {  	_ =	shalt  }
0x5c: {  	_ =	shalt  }
0x5d: {  	_ =	shalt  }
0x5e: {  	_ =	shalt  }
0x5f: {  	_ =	shalt  }
0x60: {  	_ =	shalt  }
0x61: {  	_ =	shalt  }
0x62: {  	_ =	shalt  }
0x63: {  	_ =	shalt  }
0x64: {  	_ =	shalt  }
0x65: {  	_ =	shalt  }
0x66: {  	_ =	shalt  }
0x67: {  	_ =	shalt  }
0x68: {  	_ =	shalt  }
0x69: {  	_ =	shalt  }
0x6a: {  	_ =	shalt  }
0x6b: {  	_ =	shalt  }
0x6c: {  	_ =	shalt  }
0x6d: {  	_ =	shalt  }
0x6e: {  	_ =	shalt  }
0x6f: {  	_ =	shalt  }
0x70: {  	_ =	shalt  }
0x71: {  	_ =	shalt  }
0x72: {  	_ =	shalt  }
0x73: {  	_ =	shalt  }
0x74: {  	_ =	shalt  }
0x75: {  	_ =	shalt  }
0x76: {  	_ =	shalt  }
0x77: {  	_ =	shalt  }
0x78: {  	_ =	shalt  }
0x79: {  	_ =	shalt  }
0x7a: {  	_ =	shalt  }
0x7b: {  	_ =	shalt  }
0x7c: {  	_ =	shalt  }
0x7d: {  	_ =	shalt  }
0x7e: {  	_ =	shalt  }
0x7f: {  	_ =	shalt  }
0x80: {  	_ =	shalt  }
0x81: {  	_ =	shalt  }
0x82: {  	_ =	shalt  }
0x83: {  	_ =	shalt  }
0x84: {  	_ =	shalt  }
0x85: {  	_ =	shalt  }
0x86: {  	_ =	shalt  }
0x87: {  	_ =	shalt  }
.Lfunc_end0:
.L_simem_size_0:
called_computation.2_lowered:
.L_overlay_start_0:
0x88: {  	s0 =	sld [smem:$0x3FD9]  }
0x89: {  	s1 =	sld [smem:$0x3FFE];
	_ =	sdelay $0x3  }
0x8a: {  	s0 =	sadd.s32 s1, s0  }
0x8b: {  	[smem:$0x3FB8] =	sst s0  }
0x8c: {  	_ = 	snop  }
0x8d: {  	s0 =	sld [smem:$0x3FD0];
	(tm) =	ssettm $0x1  }
0x8e: {  	s16 =	sld [smem:$0x3FFB];
	_ =	sdelay $0x3  }
0x8f: {  	_ =	strace s16  }
0x90: {  	s1 =	sld [smem:$0x3FFC];
	_ =	sdelay $0x3  }
0x91: {  	_ =	strace s1  }
0x92: {  	s1 =	sld [smem:$0x3FFD];
	_ =	sdelay $0x3  }
0x93: {  	_ =	strace s1  }
0x94: {  	_ =	strace $0x8FFFFFFF  }
0x95: {  	s17 =	sld [smem:$0x3FDB];
	_ =	sdelay $0x1  }
0x96: {  	s2 =	simm.s32 $_scs_section_size  }
0x97: {  	s3 =	simm.s32 $_size__tile_overlayer_lowered;
	s4 =	simm.s32 $_tile_overlayer_lowered  }
0x98: {  	s20 =	simm.s32 $0x1BFF;
	s19 =	sshll.u32 s4, $0x1;
	s1 =	sadd.s32 s2, s17  }
0x99: {  	s5 =	simm.s32 $0x0;
	s18 =	sshll.u32 s3, $0x1;
	s3 =	sadd.s32 s19, s1  }
0x9a: {  	[timem:s5], [sflag:s20] =	dma.local [hbm:s3], s18  }
0x9b: {  	_ =	swait.ge [sflag:s20], s18  }
0x9c: {  	s2 =	ssub.s32 $0x0, s18;
	[sflag:s20] =	ssyncset.done $0x0  }
0x9d: {  	[sflag:s20] =	ssyncadd.s32 s2;
	_ =	sdelay $0x1  }
0x9e: {  	s21 =	simm.s32 $0x1B8B  }
0x9f: {  	_ =	swait.ge [sflag:s21], $0x1  }
0xa0: {  	[sflag:s21] =	ssyncset.done $0x0  }
0xa1: {  	s23 =	simm.s32 $0x1B8E;
	s22 =	sld [smem:$0x3FFE];
	[sflag:s21] =	ssyncadd.s32 $0xFFFFFFFF  }
0xa2: {  	s24 =	simm.s32 $execute0_lowered;
	[smem:$0x3FD2] =	sst s23  }
0xa3: {  	s3 =	sshll.u32 s24, $0x1;
	_ =	strace $0x8000004C;
	[dreg:$0x1] =	wrdreg $0xFFFFFFFF  }
0xa4: {  	s25 =	simm.s32 $_size_execute0_lowered;
	s1 =	sadd.s32 s1, s3;
	[dreg:$0x0] =	wrdreg $0x0  }
0xa5: {  	s3 =	sshll.u32 s25, $0x1;
	[dreg:$0x2] =	wrdreg s1  }
0xa6: {  	[dreg:$0x3] =	wrdreg s3  }
0xa7: {  	[dreg:$0x4] =	wrdreg $0xC0  }
0xa8: {  	_ =	task [dreg:s5], $0x5FFFF  }
0xa9: {  	[dreg:$0x1] =	wrdreg $0xFFFFFFFF  }
0xaa: {  	[dreg:$0x0] =	wrdreg $0x60  }
0xab: {  	[dreg:$0x2] =	wrdreg s22  }
0xac: {  	[dreg:$0x3] =	wrdreg s0  }
0xad: {  	[dreg:$0x4] =	wrdreg $0x9  }
0xae: {  	_ =	task.clear_ibuf [dreg:s5], $0x5FFFF;
	_ =	strace $0x9000004C  }
0xaf: {  	s26 =	simm.s32 $0x9;
	_ =	strace $0x8000004E  }
0xb0: {  	_ =	swait.ge [sflag:s26], $0x1  }
0xb1: {  	[sflag:s26] =	ssyncadd.s32 $0xFFFFFFFF  }
0xb2: {  	_ =	strace $0x9000004E  }
0xb3: {  	_ =	sfence  }
0xb4: {  	s28 =	sld [smem:$0x0];
	_ =	sdelay $0x1  }
0xb5: {  	s29 =	srdreg.scid  }
0xb6: {  	s30 =	sshll.u32 s29, $0xD;
	s31 =	sshrl.u32 s29, $0x2  }
0xb7: {  	s2 =	sand.u32 $0x4000, s30;
	s1 =	sand.u32 $0x1, s29;
	s0 =	sadd.s32 s31, s28  }
0xb8: {  	s1 =	sor.u32 s2, s1;
	s0 =	sshll.u32 s0, $0x11  }
0xb9: {  	s0 =	sor.u32 s0, s1  }
0xba: {  	s0 =	sadd.s32 $0x8F2B, s0  }
0xbb: {  	[sflag:s0] =	ssyncadd.remote.s32 $0x1  }
0xbc: {  	_ =	sfence.sel $0xFFFF  }
0xbd: {  	[dreg:$0x0] =	wrdreg $0xFFFFFFFF;
	(pc) =	sbr.abs _section_cstart, $3  }
0xbe: {  	[dreg:$0x1] =	wrdreg $0xFFFFFFFF  }
0xbf: {  	_ =	task.clear_ibuf [dreg:s5], $0x2FFFF;
	_ =	strace $0x9FFFFFFF  }
0xc0: {  	(tm) =	ssettm $0x7FFFFFFF  }
0xc1: {  	_ =	shalt  }
tec
execute0_lowered:
.L_overlay_start_1:
0x0: {  	(tag) =	ssettag $0x1  }
0x1: {  	s0 =	rddreg [dreg:$0x0];
	s3 =	stileid.u32  }
0x2: {  	_ =	strace $0x8000004D;
	s2 =	simm.s32 $0x1;
	s1 =	smin.u32 s3, $0x9  }
0x3: {  	[sflag:s2] =	ssyncpa.u1 $0x0;
	s1 =	sadd.s32 s3, s1  }
0x4: {  	v1 =	vimm.s32 $0xFFFFFFFF;
	p0 =	slt.u32 s3, $0x9;
	s4 =	smul.u32 $0x1A90, s1;
	s1 =	simm.s32 $0x3520  }
0x5: {  	[tilespmem:$0x10] =	vst v1;
	s1 =	simm.s32 @!p0 $0x1A90  }
0x6: {  	v0 =	vimm.f32 $0.0e+00;
	[tilespmem:$0x20] =	vst v1;
	s1 =	sadd.s32 s1, s4  }
0x7: {  	[tilespmem:$0x30] =	vst v0;
	s5 =	smin.u32 s1, $0x29810  }
0x8: {  	[tilespmem:$0x40] =	vst v0;
	s9 =	ssub.s32 s5, s4  }
0x9: {  	s7 =	simm.s32 $0x2;
	[tilespmem:$0x50] =	vst v0;
	p0 =	sgt.s32 s9, $0x0  }
0xa: {  	s8 =	simm.s32 $0x8;
	s31 =	simm.s32 $0x9;
	[tilespmem:$0x60] =	vst v1;
	s9 =	simm.s32 @!p0 $0x0  }
0xb: {  	s16 =	simm.s32 $0x0;
	s17 =	simm.s32 $0xF0;
	[tilespmem:$0x70] =	vst v1;
	s30 =	smulhi.u32 $0x134679AD, s9  }
0xc: {  	s18 =	simm.s32 $0xFFFFFFFF;
	s19 =	simm.s32 $0xFFFFCBE0;
	s20 =	simm.s32 $0xFFFFFFFE;
	[tilespmem:$0x80] =	vst v1  }
0xd: {  	s21 =	simm.s32 $0xF;
	s25 =	simm.s32 $0x0;
	v1 =	vimm.s32 $0x0;
	[tilespmem:$0xB0] =	vst v0;
	s10 =	sshrl.u32 s30, $0x9  }
0xe: {  	s24 =	simm.s32 $0x0;
	s6 =	sadd.s32 $0x14000, s0;
	[tilespmem:$0x90] =	vst v1;
	s11 =	smul.u32 $0x1A90, s10  }
0xf: {  	s14 =	sshllo.u32 s3, $0x1;
	[tilespmem:$0xA0] =	vst v1;
	[sflag:s7] =	ssyncpa.u1 $0x0;
	s7 =	simm.s32 $0x7  }
.Ltmp0:
0x10: {  	[sflag:s7] =	ssyncpa.u1 $0x0;
	p0 =	sne.s32 s9, s11;
	(pc) =	sbr.rel .LBB2_1-.Ltmp0, $4  }
0x11: {  	[sflag:s8] =	ssyncpa.u1 $0x0;
	s23 =	smov.u32 s4;
	s2 =	simm.s32 @!p0 $0x0  }
0x12: {  	s1 =	sadd.s32 $0x91A00, s0;
	[sflag:s31] =	ssyncpa.u1 $0x0;
	s9 =	sadd.s32 s2, s10  }
0x13: {  	vm0 =	vmmov $0xffff;
	v2 =	vlaneseq.u32;
	p0 =	por $0x0, $0x0;
	s10 =	sshll.u32 s3, $0x1;
	s11 =	sadd.s32 $0x1, s9  }
0x14: {  	vm1 =	vmxor vm1, vm1;
	vm2 =	vmmov $0x1;
	vm3 =	vcmask $0x3F3C;
	s12 =	sadd.s32 $0x2, s9;
	s13 =	sor.u32 $0x81, s10;
	s15 =	sor.u32 $0x80, s10  }
.LBB2_9:
0x15: {  	p1 =	slt.u32 s24, $0x3  }
0x16: {  	s0 =	simm.s32 @!p1 $0x2  }
0x17: {  	_ =	swait.ge @!p1 [sflag:s0], $0x1A90  }
0x18: {  	[sflag:s0] =	ssyncset.done @!p1 $0x0  }
0x19: {  	[sflag:s0] =	ssyncadd.s32 @!p1 $0xFFFFE570;
	s0 =	simm.s32 @!p1 $0x9  }
0x1a: {  	_ =	swait.ge @!p1 [sflag:s0], $0x10  }
0x1b: {  	[sflag:s0] =	ssyncset.done @!p1 $0x0  }
0x1c: {  	[sflag:s0] =	ssyncadd.s32 @!p1 $0xFFFFFFF0;
	p1 =	sne.s32 s24, s12  }
.Ltmp1:
0x1d: {  	s2 =	sadd.s32 $0x1A90, s23;
	(pc) =	sbr.rel @!p1 .LBB2_10-.Ltmp1, $4  }
0x1e: {  	s3 =	smov.u32 s4;
	s31 =	sadd.s32 $0x1, s24;
	s17 =	sadd.s32 $0x1A90, s17  }
0x1f: {  	s18 =	sadd.s32 $0x1, s18;
	s25 =	smov.u32 s23;
	p2 =	slt.s32 s2, s5  }
0x20: {  	p0 =	por !p0, !p0;
	s19 =	sadd.s32 $0x1A90, s19;
	s3 =	smov.u32 @p2 s2  }
0x21: {  	s20 =	sadd.s32 $0x1, s20;
	s23 =	smov.u32 s3;
	s24 =	smov.u32 s31  }
.LBB2_1:
0x22: {  	p1 =	sge.u32 s24, s9  }
0x23: {  	s0 =	smulhi.u32 @!p1 $0xAAAAAAAB, s24;
	_ =	sdelay $0x1  }
0x24: {  	s0 =	sshrl.u32 @!p1 s0, $0x1  }
0x25: {  	s0 =	smul.u32 @!p1 $0x3, s0;
	_ =	sdelay $0x1  }
0x26: {  	s0 =	ssub.s32 @!p1 s24, s0  }
0x27: {  	s0 =	smul.u32 @!p1 $0x6A40, s0;
	_ =	sdelay $0x1  }
0x28: {  	s3 =	rddreg [dreg:$0x1];
	s2 =	sshrl.u32 @!p1 s23, $0x3;
	s0 =	sshrl.u32 @!p1 s0, $0x2  }
0x29: {  	s22 =	sand.u32 @!p1 $0x7, s23;
	s2 =	sadd.s32 @!p1 s3, s2;
	s0 =	sadd.s32 @!p1 $0x100, s0  }
0x2a: {  	[tilespmem:s0], [sflag:$0x7] =	stream.linear.gather @!p1 [hbm4b:s2+s22], $0x1A90, $0x38;
	[tilespmem:$0xF030] =	vst v63  }
0x2b: {  	s0 =	sadd.s32 $0xFFFFFFFF, s24  }
0x2c: {  	p1 =	sge.u32 s0, s9  }
.Ltmp2:
0x2d: {  	_ = 	snop;
	(pc) =	sbr.rel @p1 .LBB2_5-.Ltmp2, $1  }
0x2e: {  	_ =	sdelay $0x3  }
0x2f: {  	s2 =	smulhi.u32 $0xAAAAAAAB, s0;
	_ =	sdelay $0x1  }
0x30: {  	s2 =	sshrl.u32 s2, $0x1  }
0x31: {  	s2 =	smul.u32 $0x3, s2;
	_ =	sdelay $0x1  }
0x32: {  	s2 =	ssub.s32 s0, s2  }
0x33: {  	s2 =	smul.u32 $0x6A40, s2  }
0x34: {  	_ =	swait.ge [sflag:s7], $0x1A90  }
0x35: {  	[sflag:s7] =	ssyncset.done $0x0;
	s2 =	sshrl.u32 s2, $0x2  }
0x36: {  	[sflag:s7] =	ssyncadd.s32 $0xFFFFE570;
	(ifvalue) =	ssetifvalue $0xFFFFFFFF;
	v3 =	vld.msk [tilespmem:s2+$0x100 ss:$0x1], $0xffff;
	_ =	sdelay $0x2  }
0x37: {  	s30 =	smulhi.u32 $0xAAAAAAAB, s18;
	p1 =	sne.s32 s24, $0x1  }
0x38: {  	v4 =	vimm.s32 @!p1 $0x0  }
0x39: {  	s2 =	sshrl.u32 s30, $0x1;
	v4 =	vperm.xlane @!p1 v3, v4  }
0x3a: {  	s22 =	sshll.u32 s24, $0x4;
	s2 =	smul.u32 $0xFFFEC140, s2;
	vm4 =	vlt.u32 v3, $0x6400000  }
0x3b: {  	s22 =	sand.u32 $0x10, s22;
	v3 =	vnsel vm4, $0xFFFFFFFE, v3;
	vm4 =	vlt.u32 @!p1 v4, $0x6400000  }
0x3c: {  	s2 =	sshra.s32 s2, $0x2;
	[tilespmem:s22+$0x60] =	vst v3;
	v3 =	vnsel @!p1 vm4, $0xFFFFFFFE, v4  }
0x3d: {  	s28 =	sadd.s32 s2, s17;
	[tilespmem:$0x80] =	vst @!p1 v3  }
0x3e: {  	v3 =	vld.msk [tilespmem:s28+$0x0 ss:$0x1], $0xffff;
	_ =	sdelay $0x4  }
0x3f: {  	(xrf1) =	vunique.msk.u32 $0xffff, v3;
	_ =	sdelay $0xd  }
0x40: {  	v4 =	vimm.s32 $0xFFFFFFFF;
	v5, _, _ =	vpop (xrf1)  }
0x41: {  	vm5 =	vne.s32 v3, v4;
	vm4 =	veq.s32 v5, v2  }
0x42: {  	vm6 =	vlt.u32 v3, $0x6400000;
	vm4 =	vmand vm5, vm4  }
0x43: {  	vm4 =	vmand vm6, vm4  }
0x44: {  	v4 =	vnsel vm4, $0xFFFFFFFF, v3  }
0x45: {  	s31 =	sand.u32 $0x1, s0  }
0x46: {  	s0 =	simm.s32 $0x1A90;
	p1 =	seq.s32 s31, $0x1  }
0x47: {  	s0 =	simm.s32 @!p1 $0x0  }
0x48: {  	s26 =	sadd.s32 $0x6B30, s0;
	(ifvalue) =	ssetifvalue $0xFFFFFFFF  }
0x49: {  	v3 =	vperm.xlane v3, v1;
	[tilespmem:s26], [sflag:$0x8] =	stream.indirect_vreg.gather [hbm4b:s1+s16], $0x1, v4, vm0, $0x4038;
	v4 =	vnsel vm6, $0xFFFFFFFE, v4;
	[tilespmem:$0xF030] =	vst v63  }
0x4a: {  	s2 =	simm.s32 $0x0;
	s22 =	sadd.s32 $0xFFFFFFF0, s28;
	[tilespmem:s28+$0x0] =	vst v4  }
.LBB2_3:
0x4b: {  	v4 =	vld.msk [tilespmem:s22+$0x0 ss:$0x1], $0xffff;
	s2 =	sadd.s32 $0x10, s2;
	v5 =	vmov v3;
	s28 =	smov.u32 s22  }
0x4c: {  	p1 =	slt.u32 s2, $0x1A80;
	_ =	sdelay $0x4  }
0x4d: {  	v3 =	vperm.xlane v4, v1;
	(xrf1) =	vunique.msk.u32 $0xffff, v4;
	_ =	sdelay $0xd  }
0x4e: {  	v6, _, _ =	vpop (xrf1)  }
0x4f: {  	vm5 =	vne.s32 v4, v5;
	vm4 =	veq.s32 v6, v2  }
0x50: {  	vm6 =	vlt.u32 v4, $0x6400000;
	vm4 =	vmand vm5, vm4  }
0x51: {  	vm4 =	vmand vm6, vm4  }
0x52: {  	v4 =	vnsel vm4, $0xFFFFFFFF, v4  }
.Ltmp3:
0x53: {  	v5 =	vnsel vm6, $0xFFFFFFFE, v4;
	(pc) =	sbr.rel @p1 .LBB2_3-.Ltmp3, $3  }
0x54: {  	_ =	sdelay $0x1  }
0x55: {  	s22 =	sadd.s32 $0xFFFFFFF0, s22;
	s26 =	sadd.s32 $0xFFFFFFF0, s26;
	(ifvalue) =	ssetifvalue $0xFFFFFFFF  }
0x56: {  	[tilespmem:s26], [sflag:$0x8] =	stream.indirect_vreg.gather [hbm4b:s1+s16], $0x1, v4, vm0, $0x4038;
	[tilespmem:s28+$0x0] =	vst v5  }
0x57: {  	s2 =	sshrl.u32 s25, $0x3  }
0x58: {  	s0 =	sadd.s32 $0x85D0, s0;
	s2 =	sadd.s32 s6, s2  }
0x59: {  	[tilespmem:s0], [sflag:$0x8] =	stream.linear.gather [hbm:s2], $0x1A90, $0x38;
	[tilespmem:$0xF030] =	vst v63  }
.LBB2_5:
0x5a: {  	p1 =	slt.u32 s24, $0x2  }
0x5b: {  	p2 =	sge.u32 @!p1 s24, s12  }
0x5c: {  	p1 =	por p1, p2  }
.Ltmp4:
0x5d: {  	_ = 	snop;
	(pc) =	sbr.rel @p1 .LBB2_9-.Ltmp4, $1  }
0x5e: {  	_ =	sdelay $0x3  }
0x5f: {  	s0 =	sadd.s32 $0xFFFFFFFE, s24  }
0x60: {  	s2 =	smulhi.u32 $0xAAAAAAAB, s0;
	_ =	sdelay $0x1  }
0x61: {  	s2 =	sshrl.u32 s2, $0x1  }
0x62: {  	s2 =	smul.u32 $0x3, s2;
	_ =	sdelay $0x1  }
0x63: {  	s0 =	ssub.s32 s0, s2  }
0x64: {  	_ =	swait.ge [sflag:s8], $0x3520;
	s0 =	smul.u32 $0x1A90, s0  }
0x65: {  	p1 =	sne.s32 s24, s11;
	[sflag:s8] =	ssyncset.done $0x0  }
0x66: {  	[sflag:s8] =	ssyncadd.s32 $0xFFFFCAE0;
	s2 =	sadd.s32 @!p1 $0x1B8F, s0  }
0x67: {  	[spmem:s13] =	stream.linear.scatter @!p1 [tilespmem:s2], [sflag:$0x1], $0x1, $0x38;
	[tilespmem:$0xF030] =	vst v63  }
0x68: {  	s2 =	simm.s32 @!p1 $0x1  }
0x69: {  	_ =	swait.ge @!p1 [sflag:s2], $0x1  }
0x6a: {  	s22 =	sshll.u32 s24, $0x4;
	[sflag:s2] =	ssyncset.done @!p1 $0x0  }
0x6b: {  	s25 =	sand.u32 $0x10, s22;
	[sflag:s2] =	ssyncadd.s32 @!p1 $0xFFFFFFFF  }
0x6c: {  	s2 =	sxor.u32 $0x10, s25;
	v4 =	vld [tilespmem:s25+$0x10]  }
0x6d: {  	v5 =	vld [tilespmem:s2+$0x60]  }
0x6e: {  	v3 =	vld [tilespmem:$0x80];
	_ =	sdelay $0x2  }
0x6f: {  	(v2sf) =	vpush v4, $0x0  }
0x70: {  	(v2sf) =	vpush v5, $0x0  }
0x71: {  	(v2sf) =	vpush v3, $0x0;
	_ =	sdelay $0xc  }
0x72: {  	s3 =	spop (v2sf)  }
0x73: {  	s28 =	spop (v2sf)  }
0x74: {  	s26 =	spop (v2sf)  }
0x75: {  	p2 =	seq.s32 s3, s28;
	p3 =	seq.s32 s26, s3  }
0x76: {  	p3 =	por p2, p3  }
0x77: {  	s3 =	sand.u32 $0x1, s24;
	v4 =	vpsel p3, $0xFFFFFFFF, v4  }
0x78: {  	s28 =	smul.u32 $0x1A90, s3;
	[tilespmem:s25+$0x10] =	vst.msk $0x1, v4  }
0x79: {  	v4 =	vld [tilespmem:$0x30]  }
0x7a: {  	v5 =	vld [tilespmem:s28+$0x85D0]  }
0x7b: {  	v6 =	vld [tilespmem:s25+$0x40];
	_ =	sdelay $0x3  }
0x7c: {  	vm4 =	vmmov vm1;
	v5 =	vadd.f32 v5, v4  }
0x7d: {  	vm5 =	vmmov vm2;
	vm4 =	vmmov @p2 vm2;
	v4 =	vadd.f32 v6, v4  }
0x7e: {  	s22 =	sshll.u32 s3, $0x4;
	vm5 =	vmmov @p3 vm1;
	[tilespmem:s28+$0x85D0] =	vst.msk vm4, v5  }
0x7f: {  	[tilespmem:s22+$0xF010] =	vst.msk vm5, v4  }
0x80: {  	v4 =	vld [tilespmem:s28+$0x6B30];
	_ =	sdelay $0x3  }
0x81: {  	v5 =	vimm.f32 $0.0e+00  }
0x82: {  	v4 =	vshift.insert v4, v5, s21  }
0x83: {  	s29 =	sor.u32 $0x40, s2  }
0x84: {  	[tilespmem:s29+$0x0] =	vst.msk $0x1, v4  }
0x85: {  	[tilespmem:s28+$0x6B3F] =	vst.msk $0x1, v5  }
0x86: {  	v4 =	vld [tilespmem:s0+$0x1B80];
	_ =	sdelay $0x1  }
0x87: {  	s29 =	smulhi.u32 $0xAAAAAAAB, s20;
	s0 =	simm.s32 $0x1  }
0x88: {  	s0 =	simm.s32 @!p0 $0x0  }
0x89: {  	s29 =	sshrl.u32 s29, $0x1;
	s0 =	smul.u32 $0x6A40, s0  }
0x8a: {  	s29 =	smul.u32 $0xFFFEC140, s29;
	v4 =	vshift.insert v4, v1, s21  }
0x8b: {  	s0 =	sshrl.u32 s0, $0x2  }
0x8c: {  	s29 =	sshra.s32 s29, $0x2;
	s30 =	sadd.s32 $0x85D0, s0;
	[tilespmem:s2+$0x10] =	vst.msk $0x1, v4  }
0x8d: {  	s3 =	sadd.s32 s29, s19;
	v6 =	vld [tilespmem:s30+$0x0]  }
0x8e: {  	v7 =	vld [tilespmem:s3+$0x0];
	_ =	sdelay $0x3  }
0x8f: {  	v5 =	vadd.f32 v6, v5  }
0x90: {  	vm4 =	vne.s32 v7, $0xFFFFFFFF  }
0x91: {  	(xrf2) =	vadd.seg.scan.f32 vm4, v5;
	_ =	sdelay $0x3  }
0x92: {  	s31 =	sadd.s32 $0x50B0, s0;
	v5 =	vperm.xlane v4, v1  }
0x93: {  	v6 =	vld [tilespmem:s31+$0x0]  }
0x94: {  	vm5 =	veq.s32 v7, v3;
	vm6 =	veq.s32 v7, v5  }
0x95: {  	vm7 =	vgt.u32 v7, $0xFFFFFFFD;
	vm6 =	vmor vm6, vm5  }
0x96: {  	vm6 =	vmor vm6, vm7  }
0x97: {  	v9 =	vld [tilespmem:$0xA0];
	v7 =	vsel vm6, $0xFFFFFFFF, v7  }
0x98: {  	v10 =	vld [tilespmem:$0x90];
	v6 =	vsel vm5, $0x0, v6;
	v8, _, _ =	vpop (xrf2)  }
0x99: {  	v6 =	vadd.f32 v8, v6  }
0x9a: {  	s0 =	sadd.s32 $0xBAF0, s0  }
0x9b: {  	vm4 =	vmand vm4, vm3;
	[tilespmem:s0+$0x0] =	vst v6;
	(ifvalue) =	ssetifvalue $0xFFFFFFFF  }
0x9c: {  	vm6 =	veq.s32 v9, $0x1;
	[hbm4b:s1+s16] =	stream.indirect_vreg.scatter [tilespmem:s0], [sflag:$0x2], $0x1, v7, vm0, $0x4038;
	v7 =	vsel vm4, $0x0, v8;
	[tilespmem:$0xF030] =	vst v63  }
0x9d: {  	s29 =	sadd.s32 $0xF010, s22;
	s22 =	sadd.s32 $0x10, s3;
	s2 =	simm.s32 $0x0;
	vm4 =	vmor vm6, vm5;
	v6 =	vsel vm5, v8, v10;
	v7 =	vshift.insert v7, v0, s21  }
.LBB2_7:
0x9e: {  	v8 =	vld [tilespmem:s22+$0x0];
	s30 =	sadd.s32 $0x10, s30  }
0x9f: {  	s31 =	sadd.s32 $0x10, s31;
	v9 =	vld [tilespmem:s30+$0x0]  }
0xa0: {  	s2 =	sadd.s32 $0x10, s2;
	v10 =	vld [tilespmem:s31+$0x0]  }
0xa1: {  	p2 =	slt.u32 s2, $0x1A80;
	_ =	sdelay $0x2  }
0xa2: {  	v7 =	vadd.f32 v9, v7  }
0xa3: {  	vm5 =	vne.s32 v8, $0xFFFFFFFF  }
0xa4: {  	vm6 =	vmand vm5, vm3;
	(xrf2) =	vadd.seg.scan.f32 vm5, v7;
	_ =	sdelay $0x5  }
0xa5: {  	vm7 =	veq.s32 v8, v5;
	vm5 =	veq.s32 v8, v3  }
0xa6: {  	vm8 =	vgt.u32 v8, $0xFFFFFFFD;
	vm4 =	vmor vm4, vm5;
	vm7 =	vmor vm7, vm5  }
0xa7: {  	vm7 =	vmor vm7, vm8  }
0xa8: {  	v8 =	vsel vm7, $0xFFFFFFFF, v8  }
.Ltmp5:
0xa9: {  	v7 =	vsel vm5, $0x0, v10;
	v9, _, _ =	vpop (xrf2);
	(pc) =	sbr.rel @p2 .LBB2_7-.Ltmp5, $4  }
0xaa: {  	v6 =	vsel vm5, v9, v6;
	v10 =	vadd.f32 v9, v7;
	v7 =	vsel vm6, $0x0, v9  }
0xab: {  	s0 =	sadd.s32 $0x10, s0;
	v7 =	vshift.insert v7, v0, s21  }
0xac: {  	s22 =	sadd.s32 $0x10, s22;
	[tilespmem:s0+$0x0] =	vst v10;
	(ifvalue) =	ssetifvalue $0xFFFFFFFF  }
0xad: {  	[hbm4b:s1+s16] =	stream.indirect_vreg.scatter [tilespmem:s0], [sflag:$0x2], $0x1, v8, vm0, $0x4038;
	[tilespmem:$0xF030] =	vst v63  }
0xae: {  	v3 =	vld [tilespmem:s28+$0xD570];
	_ =	sdelay $0x4  }
0xaf: {  	v3 =	vshift.insert v3, v0, s21  }
0xb0: {  	s0 =	simm.s32 $0x30  }
0xb1: {  	[tilespmem:s0+$0x0] =	vst.msk $0x1, v3  }
0xb2: {  	v3 =	vsel vm4, $0x1, v1;
	[tilespmem:$0x90] =	vst v6  }
0xb3: {  	s0 =	sadd.s32 @!p1 $0xD57F, s28;
	[tilespmem:$0xA0] =	vst v3  }
0xb4: {  	[spmem:s14] =	stream.linear.scatter @!p1 [tilespmem:s0], [sflag:$0x1], $0x1, $0x38;
	[tilespmem:$0xF030] =	vst v63  }
0xb5: {  	s0 =	simm.s32 @!p1 $0x1  }
0xb6: {  	v3 =	vmctz.xlane @!p1 vm4;
	_ =	swait.ge @!p1 [sflag:s0], $0x1  }
0xb7: {  	(v2sf) =	vpush @!p1 v4, $0x0  }
0xb8: {  	(v2sf) =	vpush @!p1 v3, $0x0;
	_ =	sdelay $0xd  }
0xb9: {  	s2 =	spop @!p1 (v2sf)  }
0xba: {  	s3 =	spop @!p1 (v2sf)  }
0xbb: {  	p2 =	sne.s32 @!p1 s26, s2;
	p3 =	slt.s32 @!p1 s3, $0xF  }
0xbc: {  	[sflag:s0] =	ssyncset.done @!p1 $0x0;
	p2 =	por p2, p1;
	p3 =	por !p3, p1  }
0xbd: {  	[sflag:s0] =	ssyncadd.s32 @!p1 $0xFFFFFFFF;
	v3 =	vimm.s32 @!p2 $0xFFFFFFFF;
	s3 =	simm.s32 @p3 $0xF  }
0xbe: {  	[tilespmem:$0x80] =	vst @!p2 v3;
	s2 =	sadd.s32 @!p1 $0x90, s3  }
0xbf: {  	[spmem:s10] =	stream.linear.scatter @!p1 [tilespmem:s2], [sflag:$0x1], $0x1, $0x38;
	[tilespmem:$0xF030] =	vst v63  }
0xc0: {  	_ =	swait.ge @!p1 [sflag:s0], $0x1  }
0xc1: {  	[sflag:s0] =	ssyncset.done @!p1 $0x0  }
0xc2: {  	s2 =	simm.s32 @!p1 $0x80;
	[sflag:s0] =	ssyncadd.s32 @!p1 $0xFFFFFFFF  }
0xc3: {  	[spmem:s15] =	stream.linear.scatter @!p1 [tilespmem:s2], [sflag:$0x1], $0x1, $0x38;
	[tilespmem:$0xF030] =	vst v63  }
0xc4: {  	_ =	swait.ge @!p1 [sflag:s0], $0x1  }
0xc5: {  	[sflag:s0] =	ssyncset.done @!p1 $0x0  }
0xc6: {  	[sflag:s0] =	ssyncadd.s32 @!p1 $0xFFFFFFFF;
	(ifvalue) =	ssetifvalue $0xFFFFFFFF;
	v3 =	vld [tilespmem:s25+$0x10];
	_ =	sdelay $0x3  }
.Ltmp6:
0xc7: {  	_ = 	snop;
	(pc) =	sbr.rel .LBB2_9-.Ltmp6, $3  }
0xc8: {  	_ =	sdelay $0x1  }
0xc9: {  	(ifvalue) =	ssetifvalue $0xFFFFFFFF  }
0xca: {  	[hbm4b:s1+s16] =	stream.indirect_vreg.scatter [tilespmem:s29], [sflag:$0x9], $0x1, v3, vm0, $0x4038;
	[tilespmem:$0xF030] =	vst v63  }
.LBB2_10:
0xcb: {  	_ =	sfence.sel $0x180000  }
0xcc: {  	s0 =	simm.s32 $0x7;
	[bflag:$0x0] =	sbarrier.arrive $0xFFFF  }
0xcd: {  	s26 =	simm.s32 $0x8;
	[sflag:s0] =	ssyncpa.u1 $0x1  }
0xce: {  	s28 =	simm.s32 $0x9;
	[sflag:s26] =	ssyncpa.u1 $0x1  }
0xcf: {  	[sflag:s28] =	ssyncpa.u1 $0x1  }
0xd0: {  	_ =	sfence.stream.spmem  }
0xd1: {  	s29 =	simm.s32 $0x3;
	[bflag:$0x0] =	sbarrier.arrive $0xFFFF  }
0xd2: {  	s30 =	simm.s32 $0x4;
	[sflag:s29] =	ssyncpa.u1 $0x1  }
0xd3: {  	s31 =	simm.s32 $0x3C;
	s2 =	stileid.u32;
	[sflag:s30] =	ssyncpa.u1 $0x1  }
0xd4: {  	p0 =	sne.s32 s2, $0x0;
	[sflag:s31] =	ssyncpa.u1 $0x1  }
0xd5: {  	s0 =	simm.s32 @p0 $0x1;
	_ =	sfence @p0  }
0xd6: {  	[sflag:s0] =	ssyncpa.u1 @p0 $0x1;
	s0 =	simm.s32 @p0 $0x2  }
0xd7: {  	[sflag:s0] =	ssyncpa.u1 @p0 $0x1  }
0xd8: {  	_ =	strace @p0 $0x9000004D  }
0xd9: {  	[bflag:$0x2] =	sbarrier.arrive @p0 $0xFFFF  }
0xda: {  	_ =	shalt @p0  }
.LBB2_11:
0xdb: {  	_ =	sfence.stream.spmem;
	s0 =	simm.s32 $0x5  }
0xdc: {  	s2 =	simm.s32 $0x80;
	s3 =	simm.s32 $0xC0;
	[sflag:s0] =	ssyncpa.u1 $0x0  }
0xdd: {  	[tilespmem:s3], [sflag:$0x5] =	stream.linear.gather [spmem:s2], $0x20, $0x38;
	[tilespmem:$0xF030] =	vst v63  }
0xde: {  	s2 =	simm.s32 $0x0;
	s3 =	simm.s32 $0xE0  }
0xdf: {  	[tilespmem:s3], [sflag:$0x5] =	stream.linear.gather [spmem:s2], $0x20, $0x38;
	[tilespmem:$0xF030] =	vst v63  }
.Ltmp7:
0xe0: {  	_ = 	snop;
	(pc) =	sbr.rel .LBB2_12-.Ltmp7, $4  }
0xe1: {  	_ =	swait.ge [sflag:s0], $0x40  }
0xe2: {  	[sflag:s0] =	ssyncset.done $0x0  }
0xe3: {  	s31 =	simm.s32 $0x6;
	[sflag:s0] =	ssyncadd.s32 $0xFFFFFFC0  }
0xe4: {  	s4 =	simm.s32 $0x0;
	[sflag:s31] =	ssyncpa.u1 $0x0  }
.LBB2_17:
0xe5: {  	p0 =	sgt.u32 s5, $0x63FFFFF  }
0xe6: {  	s0 =	sshrl.u32 @!p0 s5, $0x3  }
0xe7: {  	s5 =	sand.u32 @!p0 $0x7, s5;
	s6 =	simm.s32 @!p0 $0xB0;
	s0 =	sadd.s32 @!p0 s1, s0  }
0xe8: {  	[tilespmem:s6], [sflag:$0x6] =	stream.linear.gather @!p0 [hbm4b:s0+s5], $0x1, $0x38;
	[tilespmem:$0xF030] =	vst v63  }
0xe9: {  	s0 =	simm.s32 @!p0 $0x6  }
0xea: {  	_ =	swait.ge @!p0 [sflag:s0], $0x1  }
0xeb: {  	[sflag:s0] =	ssyncset.done @!p0 $0x0  }
0xec: {  	[sflag:s0] =	ssyncadd.s32 @!p0 $0xFFFFFFFF  }
0xed: {  	v2 =	vmov @!p0 s4;
	v1 =	vld.msk @!p0 [tilespmem:$0xB0], $0x1;
	_ =	sdelay $0x3  }
0xee: {  	s0 =	simm.s32 @!p0 $0xE0  }
0xef: {  	[tilespmem:v2+s0+$0x0], v1 =	vst.idx.ret.add.f32.msk @!p0 $0x1, v1  }
0xf0: {  	[tilespmem:s2+$0xC0] =	vst.msk $0x1, v0  }
0xf1: {  	v0 =	vld.msk [tilespmem:s4+$0xE0], $0x1;
	_ =	sdelay $0x4  }
0xf2: {  	[tilespmem:s2+$0xE0] =	vst.msk $0x1, v0;
	s2 =	sadd.s32 $0x1, s2  }
.LBB2_19:
0xf3: {  	s4 =	sadd.s32 $0x1, s4  }
0xf4: {  	p0 =	sne.s32 s4, $0x20  }
.Ltmp8:
0xf5: {  	_ = 	snop;
	(pc) =	sbr.rel @!p0 .LBB2_20-.Ltmp8, $1  }
0xf6: {  	_ =	sdelay $0x3  }
.LBB2_12:
0xf7: {  	v0 =	vld.msk [tilespmem:s4+$0xC0], $0x1;
	_ =	sdelay $0x4  }
0xf8: {  	(v2sf) =	vpush v0, $0x0;
	_ =	sdelay $0xe  }
0xf9: {  	s5 =	spop (v2sf)  }
0xfa: {  	p0 =	seq.s32 s5, $0xFFFFFFFF  }
.Ltmp9:
0xfb: {  	_ = 	snop;
	(pc) =	sbr.rel @p0 .LBB2_19-.Ltmp9, $1  }
0xfc: {  	_ =	sdelay $0x3  }
0xfd: {  	p0 =	slt.s32 s2, $0x1  }
.Ltmp10:
0xfe: {  	_ = 	snop;
	(pc) =	sbr.rel @p0 .LBB2_17-.Ltmp10, $1  }
0xff: {  	_ =	sdelay $0x3  }
0x100: {  	s0 =	simm.s32 $0xC0;
	p0 =	por $0x0, $0x0  }
0x101: {  	v1 =	vld.msk @!p0 [tilespmem:s0+$0x0], $0x1;
	_ =	sdelay $0x4  }
0x102: {  	(v2sf) =	vpush @!p0 v1, $0x0;
	_ =	sdelay $0xd  }
0x103: {  	p2 =	sne.s32 s2, $0x1  }
.Ltmp11:
0x104: {  	s6 =	spop @!p0 (v2sf);
	(pc) =	sbr.rel @!p2 .LBB2_16-.Ltmp11, $4  }
0x105: {  	p1 =	seq.s32 @!p0 s5, s6  }
0x106: {  	s6 =	simm.s32 $0x0;
	p1 =	por !p1, p0  }
0x107: {  	s8 =	simm.s32 $0xFFFFFFFF;
	s6 =	simm.s32 @p1 $0xFFFFFFFF  }
0x108: {  	s7 =	simm.s32 $0x1;
	s6 =	smov.u32 @p0 s8  }
.LBB2_15:
0x109: {  	s8 =	smov.u32 s6;
	p0 =	sne.s32 s6, $0xFFFFFFFF  }
0x10a: {  	s0 =	sadd.s32 $0x1, s0;
	s6 =	smov.u32 s7;
	s7 =	sadd.s32 $0x1, s7  }
0x10b: {  	p1 =	sne.s32 s2, s7;
	v1 =	vld.msk @!p0 [tilespmem:s0+$0x0], $0x1;
	_ =	sdelay $0x4  }
0x10c: {  	(v2sf) =	vpush @!p0 v1, $0x0;
	_ =	sdelay $0xe  }
.Ltmp12:
0x10d: {  	s9 =	spop @!p0 (v2sf);
	(pc) =	sbr.rel @p1 .LBB2_15-.Ltmp12, $4  }
0x10e: {  	p2 =	seq.s32 @!p0 s5, s9  }
0x10f: {  	p2 =	por !p2, p0  }
0x110: {  	s6 =	simm.s32 @p2 $0xFFFFFFFF  }
0x111: {  	s6 =	smov.u32 @p0 s8  }
.LBB2_16:
0x112: {  	p0 =	sne.s32 s6, $0xFFFFFFFF  }
.Ltmp13:
0x113: {  	_ = 	snop;
	(pc) =	sbr.rel @!p0 .LBB2_17-.Ltmp13, $1  }
0x114: {  	_ =	sdelay $0x3  }
0x115: {  	v0 =	vld.msk [tilespmem:s4+$0xE0], $0x1;
	v1 =	vmov s6  }
.Ltmp14:
0x116: {  	_ = 	snop;
	(pc) =	sbr.rel .LBB2_19-.Ltmp14, $2  }
0x117: {  	_ =	sdelay $0x2  }
0x118: {  	[tilespmem:v1+s3+$0x0], v0 =	vst.idx.ret.add.f32.msk $0x1, v0  }
.LBB2_20:
0x119: {  	p0 =	slt.s32 s2, $0x1  }
.Ltmp15:
0x11a: {  	_ = 	snop;
	(pc) =	sbr.rel @p0 .LBB2_24-.Ltmp15, $3  }
0x11b: {  	_ =	sdelay $0x1  }
0x11c: {  	s0 =	simm.s32 $0x6  }
0x11d: {  	s3 =	simm.s32 $0x0;
	[sflag:s0] =	ssyncpa.u1 $0x1  }
0x11e: {  	s0 =	simm.s32 $0xC0  }
0x11f: {  	v0 =	vld.msk [tilespmem:s0+$0x0], $0x1;
	_ =	sdelay $0x4  }
0x120: {  	(v2sf) =	vpush v0, $0x0;
	_ =	sdelay $0xe  }
0x121: {  	s2 =	sadd.s32 $0xFFFFFFFF, s2;
	s4 =	spop (v2sf)  }
0x122: {  	p1 =	sne.s32 s2, $0x0;
	p0 =	sgt.u32 s4, $0x63FFFFF  }
.Ltmp16:
0x123: {  	s5 =	sshrl.u32 @!p0 s4, $0x3;
	(pc) =	sbr.rel @!p1 .LBB2_23-.Ltmp16, $4  }
0x124: {  	s0 =	simm.s32 $0xE0;
	s4 =	sand.u32 @!p0 $0x7, s4;
	s5 =	sadd.s32 @!p0 s1, s5  }
0x125: {  	[hbm4b:s5+s4] =	stream.linear.scatter @!p0 [tilespmem:s0], [sflag:$0x5], $0x1, $0x38;
	[tilespmem:$0xF030] =	vst v63  }
0x126: {  	s5 =	simm.s32 $0x0  }
0x127: {  	s4 =	simm.s32 $0xC1;
	s5 =	simm.s32 @!p0 $0x4  }
.LBB2_22:
0x128: {  	v0 =	vld.msk [tilespmem:s4+$0x0], $0x1;
	s2 =	sadd.s32 $0xFFFFFFFF, s2;
	s3 =	sadd.s32 s3, s5  }
0x129: {  	p0 =	sne.s32 s2, $0x0;
	_ =	sdelay $0x3  }
0x12a: {  	(v2sf) =	vpush v0, $0x0;
	_ =	sdelay $0xe  }
.Ltmp17:
0x12b: {  	s6 =	spop (v2sf);
	(pc) =	sbr.rel @p0 .LBB2_22-.Ltmp17, $4  }
0x12c: {  	s5 =	simm.s32 $0x0;
	p1 =	sgt.u32 s6, $0x63FFFFF  }
0x12d: {  	s0 =	sadd.s32 $0x1, s0;
	s5 =	simm.s32 @!p1 $0x4;
	s7 =	sshrl.u32 @!p1 s6, $0x3  }
0x12e: {  	s4 =	sadd.s32 $0x1, s4;
	s6 =	sand.u32 @!p1 $0x7, s6;
	s7 =	sadd.s32 @!p1 s1, s7  }
0x12f: {  	[hbm4b:s7+s6] =	stream.linear.scatter @!p1 [tilespmem:s0], [sflag:$0x5], $0x1, $0x38;
	[tilespmem:$0xF030] =	vst v63  }
.LBB2_23:
0x130: {  	s0 =	sadd.s32 s3, s5  }
0x131: {  	s3 =	sshrl.u32 s0, $0x2  }
.LBB2_24:
0x132: {  	s0 =	simm.s32 $0x5  }
0x133: {  	_ =	swait.ge [sflag:s0], s3  }
0x134: {  	s1 =	ssub.s32 $0x0, s3;
	[sflag:s0] =	ssyncset.done $0x0  }
0x135: {  	[sflag:s0] =	ssyncadd.s32 s1  }
0x136: {  	[sflag:s0] =	ssyncpa.u1 $0x1  }
0x137: {  	s29 =	simm.s32 $0x1;
	_ =	sfence  }
0x138: {  	s30 =	simm.s32 $0x2;
	[sflag:s29] =	ssyncpa.u1 $0x1  }
0x139: {  	[sflag:s30] =	ssyncpa.u1 $0x1  }
0x13a: {  	_ =	strace $0x9000004D  }
0x13b: {  	[bflag:$0x2] =	sbarrier.arrive $0xFFFF  }
0x13c: {  	s31 =	rddreg [dreg:$0x2]  }
0x13d: {  	s0 =	sadd.s32 $0x100000, s31  }
0x13e: {  	[sflag:s0] =	ssyncadd.tile.s32 $0x1;
	_ =	shalt  }
.Lfunc_end2:
_tile_overlayer_lowered:
.L_overlay_start_2:
0x13f: {  	(tag) =	ssettag $0x2  }
0x140: {  	s0 =	rddreg [dreg:$0x0];
	s2 =	stileid.u32  }
0x141: {  	s1 =	rddreg [dreg:$0x1];
	p0 =	sne.s32 s2, $0x0  }
0x142: {  	s3 =	rddreg [dreg:$0x2];
	[bflag:$0x3] =	sbarrier.arrive $0xFFFF;
	s2 =	simm.s32 @!p0 $0x1C01  }
0x143: {  	[timem:s3], [sflag:s2] =	dma.local @!p0 [hbm:s0], s1  }
0x144: {  	s0 =	simm.s32 @!p0 $0x1  }
0x145: {  	_ =	swait.ge @!p0 [sflag:s0], s1  }
0x146: {  	s1 =	ssub.s32 @!p0 $0x0, s1;
	[sflag:s0] =	ssyncset.done @!p0 $0x0  }
0x147: {  	[sflag:s0] =	ssyncadd.s32 @!p0 s1  }
0x148: {  	[bflag:$0x3] =	sbarrier.arrive $0xFFFF  }
0x149: {  	_ =	shalt  }

// kernel: scatter_offload_async_start
scs
__scs_entry_jumppad:
0x0: {  	(pc) =	sbr.rel $0x88, $3  }
0x1: {  	(tag) =	ssettag $0x0;
	lr =	simm.s32 $0x1  }
0x2: {  	[smem:$0x3F91] =	sst lr;
	_ =	strace $0xD0000000  }
0x3: {  	_ = 	snop  }
0x4: {  	_ = 	snop  }
0x5: {  	_ = 	snop  }
0x6: {  	_ = 	snop  }
0x7: {  	_ = 	snop  }
__scs_overlays_trampoline_lowered:
0x8: {  	[smem:$0x3FA0] =	sst s0  }
0x9: {  	[smem:$0x3FA1] =	sst s1  }
0xa: {  	[smem:$0x3FA2] =	sst s2  }
0xb: {  	[smem:$0x3FA3] =	sst s3  }
0xc: {  	[smem:$0x3FA4] =	sst s4  }
0xd: {  	[smem:$0x3FA5] =	sst s5  }
0xe: {  	[smem:$0x3FA6] =	sst s6  }
0xf: {  	[smem:$0x3FA7] =	sst s7  }
0x10: {  	[smem:$0x3FA8] =	sst s8  }
0x11: {  	[smem:$0x3FA9] =	sst s9;
	s0 =	simm.s32 @!p0 $0x0  }
0x12: {  	s1 =	sld [smem:$0x3F8F];
	s0 =	simm.s32 @p0 $0x1  }
0x13: {  	[smem:$0x3FAA] =	sst s0;
	s0 =	simm.s32 @!p1 $0x0  }
0x14: {  	s2 =	sld [smem:$0x3F8E];
	s0 =	simm.s32 @p1 $0x1  }
0x15: {  	[smem:$0x3FAB] =	sst s0;
	s0 =	simm.s32 @!p2 $0x0  }
0x16: {  	s3 =	sld [smem:$0x3FDB];
	s0 =	simm.s32 @p2 $0x1  }
0x17: {  	s4 =	simm.s32 $0x1BF5;
	[smem:$0x3FAD] =	sst s0  }
0x18: {  	s0 =	sld [smem:$0x3F90];
	_ =	swait.ge [sflag:s4], $0x0  }
0x19: {  	s7 =	sld [smem:$0x3F91]  }
0x1a: {  	s8 =	sadd.s32 $0xFFFFE003, lr  }
0x1b: {  	s9 =	sadd.s32 $0xFFFFFEF7, lr;
	s5 =	simm.s32 $0xFFFFFFFF;
	p2 =	slt.u32 s8, $0xFFFFF086  }
0x1c: {  	p1 =	slt.u32 s9, $0xF7A;
	s5 =	simm.s32 @!p2 $0x0  }
0x1d: {  	s5 =	simm.s32 @p1 $0x1;
	p0 =	seq.s32 s7, s2  }
0x1e: {  	s7 =	smul.u32 @!p0 $0xF7A, s2;
	p2 =	seq.s32 @!p0 s5, $0x0  }
0x1f: {  	s9 =	smul.u32 $0xF7A, s1;
	s8 =	simm.s32 @!p0 $0x1BF5;
	p2 =	por !p2, p0  }
0x20: {  	[sflag:s8] =	ssyncset.s32 @!p0 $0xFFFFF086;
	s6 =	sadd.s32 @!p0 s3, s7;
	s7 =	simm.s32 @!p0 $0x108  }
0x21: {  	s3 =	sadd.s32 s3, s9;
	s6 =	sadd.s32 @!p0 $0x88, s6;
	s7 =	simm.s32 @p2 $0x1082  }
0x22: {  	[simem:s7], [sflag:s8] =	dma.local @!p0 [hbm:s6], $0xF7A  }
0x23: {  	s9 =	sor.u32 $0xD0000000, s2;
	s6 =	simm.s32 $0x108;
	_ =	swait.ge @!p0 [sflag:s8], $0x0  }
0x24: {  	s3 =	sadd.s32 $0x88, s3;
	s6 =	simm.s32 @!p1 $0x1082;
	[sflag:s4] =	ssyncset.s32 $0xFFFFF086  }
0x25: {  	[simem:s6], [sflag:s4] =	dma.local [hbm:s3], $0xF7A  }
0x26: {  	[smem:$0x3F91] =	sst s1;
	(tag) =	ssettag s2;
	_ =	strace s9  }
0x27: {  	s1 =	sld [smem:$0x3FA1]  }
0x28: {  	s2 =	sld [smem:$0x3FA2]  }
0x29: {  	s4 =	sld [smem:$0x3FA4]  }
0x2a: {  	p0 =	seq.s32 s5, $0x0;
	s5 =	sld [smem:$0x3FA5]  }
0x2b: {  	s6 =	sld [smem:$0x3FA6]  }
0x2c: {  	s7 =	sld [smem:$0x3FA7]  }
0x2d: {  	s3 =	simm.s32 $0x108;
	s8 =	sld [smem:$0x3FA8]  }
0x2e: {  	s3 =	simm.s32 @!p0 $0x1082;
	s9 =	sld [smem:$0x3FA9]  }
0x2f: {  	lr =	sadd.s32 s0, s3;
	s0 =	sld [smem:$0x3FA0]  }
0x30: {  	s3 =	sld [smem:$0x3FA3]  }
0x31: {  	[smem:$0x3FAC] =	sst s10  }
0x32: {  	s10 =	sld [smem:$0x3FAA];
	_ =	sdelay $0x3  }
0x33: {  	p0 =	seq.s32 s10, $0x1;
	s10 =	sld [smem:$0x3FAC];
	_ =	sdelay $0x3  }
0x34: {  	[smem:$0x3FAC] =	sst s10  }
0x35: {  	s10 =	sld [smem:$0x3FAB];
	_ =	sdelay $0x3  }
0x36: {  	p1 =	seq.s32 s10, $0x1;
	s10 =	sld [smem:$0x3FAC];
	_ =	sdelay $0x3  }
0x37: {  	[smem:$0x3FAC] =	sst s10  }
0x38: {  	s10 =	sld [smem:$0x3FAD]  }
0x39: {  	_ = 	snop;
	(pc) =	sbr.ind lr, $3  }
0x3a: {  	_ = 	snop  }
0x3b: {  	_ = 	snop  }
0x3c: {  	p2 =	seq.s32 s10, $0x1;
	s10 =	sld [smem:$0x3FAC]  }
0x3d: {  	_ =	shalt  }
0x3e: {  	_ =	shalt  }
0x3f: {  	_ =	shalt  }
0x40: {  	_ =	shalt  }
0x41: {  	_ =	shalt  }
0x42: {  	_ =	shalt  }
0x43: {  	_ =	shalt  }
0x44: {  	_ =	shalt  }
0x45: {  	_ =	shalt  }
0x46: {  	_ =	shalt  }
0x47: {  	_ =	shalt  }
0x48: {  	_ =	shalt  }
0x49: {  	_ =	shalt  }
0x4a: {  	_ =	shalt  }
0x4b: {  	_ =	shalt  }
0x4c: {  	_ =	shalt  }
0x4d: {  	_ =	shalt  }
0x4e: {  	_ =	shalt  }
0x4f: {  	_ =	shalt  }
0x50: {  	_ =	shalt  }
0x51: {  	_ =	shalt  }
0x52: {  	_ =	shalt  }
0x53: {  	_ =	shalt  }
0x54: {  	_ =	shalt  }
0x55: {  	_ =	shalt  }
0x56: {  	_ =	shalt  }
0x57: {  	_ =	shalt  }
0x58: {  	_ =	shalt  }
0x59: {  	_ =	shalt  }
0x5a: {  	_ =	shalt  }
0x5b: {  	_ =	shalt  }
0x5c: {  	_ =	shalt  }
0x5d: {  	_ =	shalt  }
0x5e: {  	_ =	shalt  }
0x5f: {  	_ =	shalt  }
0x60: {  	_ =	shalt  }
0x61: {  	_ =	shalt  }
0x62: {  	_ =	shalt  }
0x63: {  	_ =	shalt  }
0x64: {  	_ =	shalt  }
0x65: {  	_ =	shalt  }
0x66: {  	_ =	shalt  }
0x67: {  	_ =	shalt  }
0x68: {  	_ =	shalt  }
0x69: {  	_ =	shalt  }
0x6a: {  	_ =	shalt  }
0x6b: {  	_ =	shalt  }
0x6c: {  	_ =	shalt  }
0x6d: {  	_ =	shalt  }
0x6e: {  	_ =	shalt  }
0x6f: {  	_ =	shalt  }
0x70: {  	_ =	shalt  }
0x71: {  	_ =	shalt  }
0x72: {  	_ =	shalt  }
0x73: {  	_ =	shalt  }
0x74: {  	_ =	shalt  }
0x75: {  	_ =	shalt  }
0x76: {  	_ =	shalt  }
0x77: {  	_ =	shalt  }
0x78: {  	_ =	shalt  }
0x79: {  	_ =	shalt  }
0x7a: {  	_ =	shalt  }
0x7b: {  	_ =	shalt  }
0x7c: {  	_ =	shalt  }
0x7d: {  	_ =	shalt  }
0x7e: {  	_ =	shalt  }
0x7f: {  	_ =	shalt  }
0x80: {  	_ =	shalt  }
0x81: {  	_ =	shalt  }
0x82: {  	_ =	shalt  }
0x83: {  	_ =	shalt  }
0x84: {  	_ =	shalt  }
0x85: {  	_ =	shalt  }
0x86: {  	_ =	shalt  }
0x87: {  	_ =	shalt  }
.Lfunc_end0:
.L_simem_size_0:
called_computation_lowered:
.L_overlay_start_0:
0x88: {  	s0 =	sld [smem:$0x3FD9]  }
0x89: {  	s1 =	sld [smem:$0x3FFE];
	_ =	sdelay $0x3  }
0x8a: {  	s0 =	sadd.s32 s1, s0  }
0x8b: {  	[smem:$0x3FB8] =	sst s0  }
0x8c: {  	_ = 	snop  }
0x8d: {  	(tm) =	ssettm $0x1  }
0x8e: {  	s15 =	sld [smem:$0x3FFB];
	_ =	sdelay $0x3  }
0x8f: {  	_ =	strace s15  }
0x90: {  	s0 =	sld [smem:$0x3FFC];
	_ =	sdelay $0x3  }
0x91: {  	_ =	strace s0  }
0x92: {  	s0 =	sld [smem:$0x3FFD];
	_ =	sdelay $0x3  }
0x93: {  	_ =	strace s0  }
0x94: {  	_ =	strace $0x8FFFFFFF  }
0x95: {  	s16 =	sld [smem:$0x3FDB];
	_ =	sdelay $0x1  }
0x96: {  	s17 =	simm.s32 $_scs_section_size  }
0x97: {  	s2 =	simm.s32 $_size__tile_overlayer_lowered;
	s3 =	simm.s32 $_tile_overlayer_lowered  }
0x98: {  	s20 =	simm.s32 $0x1BFF;
	s19 =	sshll.u32 s3, $0x1;
	s0 =	sadd.s32 s17, s16  }
0x99: {  	s4 =	simm.s32 $0x0;
	s18 =	sshll.u32 s2, $0x1;
	s2 =	sadd.s32 s19, s0  }
0x9a: {  	[timem:s4], [sflag:s20] =	dma.local [hbm:s2], s18  }
0x9b: {  	_ =	swait.ge [sflag:s20], s18  }
0x9c: {  	s1 =	ssub.s32 $0x0, s18;
	[sflag:s20] =	ssyncset.done $0x0  }
0x9d: {  	[sflag:s20] =	ssyncadd.s32 s1;
	_ =	sdelay $0x1  }
0x9e: {  	s21 =	simm.s32 $0x1B8B  }
0x9f: {  	_ =	swait.ge [sflag:s21], $0x1  }
0xa0: {  	[sflag:s21] =	ssyncset.done $0x0  }
0xa1: {  	s23 =	simm.s32 $0x1B8E;
	s22 =	sld [smem:$0x3FFE];
	[sflag:s21] =	ssyncadd.s32 $0xFFFFFFFF  }
0xa2: {  	s24 =	simm.s32 $execute0_lowered;
	[smem:$0x3FD2] =	sst s23  }
0xa3: {  	s2 =	sshll.u32 s24, $0x1;
	_ =	strace $0x80000046;
	[dreg:$0x1] =	wrdreg $0xFFFFFFFF  }
0xa4: {  	s25 =	simm.s32 $_size_execute0_lowered;
	s0 =	sadd.s32 s0, s2;
	[dreg:$0x0] =	wrdreg $0x0  }
0xa5: {  	s2 =	sshll.u32 s25, $0x1;
	[dreg:$0x2] =	wrdreg s0  }
0xa6: {  	[dreg:$0x3] =	wrdreg s2  }
0xa7: {  	[dreg:$0x4] =	wrdreg $0xC0  }
0xa8: {  	_ =	task [dreg:s4], $0x5FFFF  }
0xa9: {  	[dreg:$0x1] =	wrdreg $0xFFFFFFFF  }
0xaa: {  	[dreg:$0x0] =	wrdreg $0x60  }
0xab: {  	[dreg:$0x2] =	wrdreg s22  }
0xac: {  	[dreg:$0x3] =	wrdreg $0x9  }
0xad: {  	_ =	task.clear_ibuf [dreg:s4], $0x4FFFF;
	_ =	strace $0x90000046  }
0xae: {  	s26 =	simm.s32 $0x9;
	_ =	strace $0x80000048  }
0xaf: {  	_ =	swait.ge [sflag:s26], $0x1  }
0xb0: {  	[sflag:s26] =	ssyncadd.s32 $0xFFFFFFFF  }
0xb1: {  	_ =	strace $0x90000048  }
0xb2: {  	_ =	sfence  }
0xb3: {  	s28 =	sld [smem:$0x0];
	_ =	sdelay $0x1  }
0xb4: {  	s29 =	srdreg.scid  }
0xb5: {  	s30 =	sshll.u32 s29, $0xD;
	s31 =	sshrl.u32 s29, $0x2  }
0xb6: {  	s1 =	sand.u32 $0x1, s29;
	s2 =	sand.u32 $0x4000, s30;
	s0 =	sadd.s32 s31, s28  }
0xb7: {  	s1 =	sor.u32 s2, s1;
	s0 =	sshll.u32 s0, $0x11  }
0xb8: {  	s0 =	sor.u32 s0, s1  }
0xb9: {  	s0 =	sadd.s32 $0x8F2B, s0  }
0xba: {  	[sflag:s0] =	ssyncadd.remote.s32 $0x1  }
0xbb: {  	_ =	sfence.sel $0xFFFF  }
0xbc: {  	[dreg:$0x0] =	wrdreg $0xFFFFFFFF;
	(pc) =	sbr.abs _section_cstart, $3  }
0xbd: {  	[dreg:$0x1] =	wrdreg $0xFFFFFFFF  }
0xbe: {  	_ =	task.clear_ibuf [dreg:s4], $0x2FFFF;
	_ =	strace $0x9FFFFFFF  }
0xbf: {  	(tm) =	ssettm $0x7FFFFFFF  }
tec
execute0_lowered:
.L_overlay_start_1:
0x0: {  	(tag) =	ssettag $0x1  }
0x1: {  	s0 =	rddreg [dreg:$0x0]  }
0x2: {  	s14 =	stileid.u32;
	_ =	strace $0x80000047;
	s2 =	simm.s32 $0x1  }
0x3: {  	v1 =	vimm.s32 $0xFFFFFFFF;
	s1 =	smin.u32 s14, $0x4;
	[sflag:s2] =	ssyncpa.u1 $0x0  }
0x4: {  	s1 =	sadd.s32 s14, s1;
	[tilespmem:$0x10] =	vst v1  }
0x5: {  	v0 =	vimm.f32 $0.0e+00;
	p0 =	slt.u32 s14, $0x4;
	[tilespmem:$0x20] =	vst v1;
	s3 =	smul.u32 $0x1F40, s1;
	s1 =	simm.s32 $0x3E80  }
0x6: {  	[tilespmem:$0x30] =	vst v0;
	s1 =	simm.s32 @!p0 $0x1F40  }
0x7: {  	[tilespmem:$0x40] =	vst v0;
	s1 =	sadd.s32 s1, s3  }
0x8: {  	[tilespmem:$0x50] =	vst v0;
	s4 =	smin.u32 s1, $0x27100  }
0x9: {  	[tilespmem:$0x60] =	vst v1;
	s9 =	ssub.s32 s4, s3  }
0xa: {  	s7 =	simm.s32 $0x2;
	s8 =	simm.s32 $0x8;
	[tilespmem:$0x70] =	vst v1;
	p0 =	sgt.s32 s9, $0x0  }
0xb: {  	s31 =	simm.s32 $0x9;
	s16 =	simm.s32 $0x0;
	[tilespmem:$0x80] =	vst v1;
	s9 =	simm.s32 @!p0 $0x0  }
0xc: {  	s17 =	simm.s32 $0xF0;
	s18 =	simm.s32 $0xFFFFFFFF;
	v1 =	vimm.s32 $0x0;
	[tilespmem:$0xB0] =	vst v0;
	s5 =	smulhi.u32 $0x10624DD3, s9  }
0xd: {  	s19 =	simm.s32 $0xFFFFC280;
	s20 =	simm.s32 $0xFFFFFFFE;
	s21 =	simm.s32 $0xF;
	[tilespmem:$0x90] =	vst v1  }
0xe: {  	[tilespmem:$0xA0] =	vst v1;
	[sflag:s7] =	ssyncpa.u1 $0x0;
	s7 =	simm.s32 $0x7;
	s10 =	sshrl.u32 s5, $0x9  }
0xf: {  	s25 =	simm.s32 $0x0;
	[sflag:s7] =	ssyncpa.u1 $0x0;
	s11 =	smul.u32 $0x1F40, s10  }
0x10: {  	s24 =	simm.s32 $0x0;
	s6 =	sadd.s32 $0xF000, s0;
	[sflag:s8] =	ssyncpa.u1 $0x0  }
.Ltmp0:
0x11: {  	s23 =	smov.u32 s3;
	p0 =	sne.s32 s9, s11;
	(pc) =	sbr.rel .LBB2_1-.Ltmp0, $4  }
0x12: {  	s1 =	sadd.s32 $0x19400, s0;
	[sflag:s31] =	ssyncpa.u1 $0x0;
	s2 =	simm.s32 @!p0 $0x0  }
0x13: {  	s5 =	sadd.s32 $0xA000, s0;
	p0 =	por $0x0, $0x0;
	s9 =	sadd.s32 s2, s10  }
0x14: {  	vm0 =	vmmov $0xffff;
	v2 =	vlaneseq.u32;
	s10 =	sshll.u32 s14, $0x1;
	s14 =	sshllo.u32 s14, $0x1;
	s11 =	sadd.s32 $0x1, s9  }
0x15: {  	vm1 =	vmxor vm1, vm1;
	vm2 =	vmmov $0x1;
	vm3 =	vcmask $0x3F3C;
	s12 =	sadd.s32 $0x2, s9;
	s13 =	sor.u32 $0x81, s10;
	s15 =	sor.u32 $0x80, s10  }
.LBB2_9:
0x16: {  	p1 =	slt.u32 s24, $0x3  }
0x17: {  	s0 =	simm.s32 @!p1 $0x2  }
0x18: {  	_ =	swait.ge @!p1 [sflag:s0], $0x1F40  }
0x19: {  	[sflag:s0] =	ssyncset.done @!p1 $0x0  }
0x1a: {  	[sflag:s0] =	ssyncadd.s32 @!p1 $0xFFFFE0C0;
	s0 =	simm.s32 @!p1 $0x9  }
0x1b: {  	_ =	swait.ge @!p1 [sflag:s0], $0x10  }
0x1c: {  	[sflag:s0] =	ssyncset.done @!p1 $0x0  }
0x1d: {  	[sflag:s0] =	ssyncadd.s32 @!p1 $0xFFFFFFF0;
	p1 =	sne.s32 s24, s12  }
.Ltmp1:
0x1e: {  	s2 =	sadd.s32 $0x1F40, s23;
	(pc) =	sbr.rel @!p1 .LBB2_10-.Ltmp1, $4  }
0x1f: {  	s22 =	smov.u32 s3;
	s31 =	sadd.s32 $0x1, s24;
	s17 =	sadd.s32 $0x1F40, s17  }
0x20: {  	s18 =	sadd.s32 $0x1, s18;
	s25 =	smov.u32 s23;
	p2 =	slt.s32 s2, s4  }
0x21: {  	p0 =	por !p0, !p0;
	s19 =	sadd.s32 $0x1F40, s19;
	s22 =	smov.u32 @p2 s2  }
0x22: {  	s20 =	sadd.s32 $0x1, s20;
	s23 =	smov.u32 s22;
	s24 =	smov.u32 s31  }
.LBB2_1:
0x23: {  	p1 =	sge.u32 s24, s9  }
0x24: {  	s0 =	smulhi.u32 @!p1 $0xAAAAAAAB, s24;
	_ =	sdelay $0x1  }
0x25: {  	s0 =	sshrl.u32 @!p1 s0, $0x1  }
0x26: {  	s0 =	smul.u32 @!p1 $0x3, s0;
	_ =	sdelay $0x1  }
0x27: {  	s0 =	ssub.s32 @!p1 s24, s0  }
0x28: {  	s0 =	smul.u32 @!p1 $0x7D00, s0;
	_ =	sdelay $0x1  }
0x29: {  	s2 =	sshrl.u32 @!p1 s23, $0x3;
	s0 =	sshrl.u32 @!p1 s0, $0x2  }
0x2a: {  	s22 =	sand.u32 @!p1 $0x7, s23;
	s2 =	sadd.s32 @!p1 s5, s2;
	s0 =	sadd.s32 @!p1 $0x100, s0  }
0x2b: {  	[tilespmem:s0], [sflag:$0x7] =	stream.linear.gather @!p1 [hbm4b:s2+s22], $0x1F40, $0x38;
	[tilespmem:$0x11A60] =	vst v63  }
0x2c: {  	s0 =	sadd.s32 $0xFFFFFFFF, s24  }
0x2d: {  	p1 =	sge.u32 s0, s9  }
.Ltmp2:
0x2e: {  	_ = 	snop;
	(pc) =	sbr.rel @p1 .LBB2_5-.Ltmp2, $1  }
0x2f: {  	_ =	sdelay $0x3  }
0x30: {  	s2 =	smulhi.u32 $0xAAAAAAAB, s0;
	_ =	sdelay $0x1  }
0x31: {  	s2 =	sshrl.u32 s2, $0x1  }
0x32: {  	s2 =	smul.u32 $0x3, s2;
	_ =	sdelay $0x1  }
0x33: {  	s2 =	ssub.s32 s0, s2  }
0x34: {  	s2 =	smul.u32 $0x7D00, s2  }
0x35: {  	_ =	swait.ge [sflag:s7], $0x1F40  }
0x36: {  	[sflag:s7] =	ssyncset.done $0x0;
	s2 =	sshrl.u32 s2, $0x2  }
0x37: {  	[sflag:s7] =	ssyncadd.s32 $0xFFFFE0C0;
	(ifvalue) =	ssetifvalue $0xFFFFFFFF;
	v3 =	vld.msk [tilespmem:s2+$0x100 ss:$0x1], $0xffff;
	_ =	sdelay $0x2  }
0x38: {  	s30 =	smulhi.u32 $0xAAAAAAAB, s18;
	p1 =	sne.s32 s24, $0x1  }
0x39: {  	v4 =	vimm.s32 @!p1 $0x0  }
0x3a: {  	s2 =	sshrl.u32 s30, $0x1;
	v4 =	vperm.xlane @!p1 v3, v4  }
0x3b: {  	s22 =	sshll.u32 s24, $0x4;
	s2 =	smul.u32 $0xFFFE8900, s2;
	vm4 =	vlt.u32 v3, $0x2800  }
0x3c: {  	s22 =	sand.u32 $0x10, s22;
	v3 =	vnsel vm4, $0xFFFFFFFE, v3;
	vm4 =	vlt.u32 @!p1 v4, $0x2800  }
0x3d: {  	s2 =	sshra.s32 s2, $0x2;
	[tilespmem:s22+$0x60] =	vst v3;
	v3 =	vnsel @!p1 vm4, $0xFFFFFFFE, v4  }
0x3e: {  	s28 =	sadd.s32 s2, s17;
	[tilespmem:$0x80] =	vst @!p1 v3  }
0x3f: {  	v3 =	vld.msk [tilespmem:s28+$0x0 ss:$0x1], $0xffff;
	_ =	sdelay $0x4  }
0x40: {  	(xrf1) =	vunique.msk.u32 $0xffff, v3;
	_ =	sdelay $0xd  }
0x41: {  	v4 =	vimm.s32 $0xFFFFFFFF;
	v5, _, _ =	vpop (xrf1)  }
0x42: {  	vm5 =	vne.s32 v3, v4;
	vm4 =	veq.s32 v5, v2  }
0x43: {  	vm6 =	vlt.u32 v3, $0x2800;
	vm4 =	vmand vm5, vm4  }
0x44: {  	vm4 =	vmand vm6, vm4  }
0x45: {  	v4 =	vnsel vm4, $0xFFFFFFFF, v3  }
0x46: {  	s31 =	sand.u32 $0x1, s0  }
0x47: {  	s0 =	simm.s32 $0x1F40;
	p1 =	seq.s32 s31, $0x1  }
0x48: {  	s0 =	simm.s32 @!p1 $0x0  }
0x49: {  	s26 =	sadd.s32 $0x7DF0, s0;
	(ifvalue) =	ssetifvalue $0xFFFFFFFF  }
0x4a: {  	v3 =	vperm.xlane v3, v1;
	[tilespmem:s26], [sflag:$0x8] =	stream.indirect_vreg.gather [hbm4b:s1+s16], $0x1, v4, vm0, $0x4038;
	v4 =	vnsel vm6, $0xFFFFFFFE, v4;
	[tilespmem:$0x11A60] =	vst v63  }
0x4b: {  	s2 =	simm.s32 $0x0;
	s22 =	sadd.s32 $0xFFFFFFF0, s28;
	[tilespmem:s28+$0x0] =	vst v4  }
.LBB2_3:
0x4c: {  	v4 =	vld.msk [tilespmem:s22+$0x0 ss:$0x1], $0xffff;
	s2 =	sadd.s32 $0x10, s2;
	v5 =	vmov v3;
	s28 =	smov.u32 s22  }
0x4d: {  	p1 =	slt.u32 s2, $0x1F30;
	_ =	sdelay $0x4  }
0x4e: {  	v3 =	vperm.xlane v4, v1;
	(xrf1) =	vunique.msk.u32 $0xffff, v4;
	_ =	sdelay $0xd  }
0x4f: {  	v6, _, _ =	vpop (xrf1)  }
0x50: {  	vm5 =	vne.s32 v4, v5;
	vm4 =	veq.s32 v6, v2  }
0x51: {  	vm6 =	vlt.u32 v4, $0x2800;
	vm4 =	vmand vm5, vm4  }
0x52: {  	vm4 =	vmand vm6, vm4  }
0x53: {  	v4 =	vnsel vm4, $0xFFFFFFFF, v4  }
.Ltmp3:
0x54: {  	v5 =	vnsel vm6, $0xFFFFFFFE, v4;
	(pc) =	sbr.rel @p1 .LBB2_3-.Ltmp3, $3  }
0x55: {  	_ =	sdelay $0x1  }
0x56: {  	s22 =	sadd.s32 $0xFFFFFFF0, s22;
	s26 =	sadd.s32 $0xFFFFFFF0, s26;
	(ifvalue) =	ssetifvalue $0xFFFFFFFF  }
0x57: {  	[tilespmem:s26], [sflag:$0x8] =	stream.indirect_vreg.gather [hbm4b:s1+s16], $0x1, v4, vm0, $0x4038;
	[tilespmem:s28+$0x0] =	vst v5  }
0x58: {  	s2 =	sshrl.u32 s25, $0x3  }
0x59: {  	s0 =	sadd.s32 $0x9D40, s0;
	s2 =	sadd.s32 s6, s2  }
0x5a: {  	[tilespmem:s0], [sflag:$0x8] =	stream.linear.gather [hbm:s2], $0x1F40, $0x38;
	[tilespmem:$0x11A60] =	vst v63  }
.LBB2_5:
0x5b: {  	p1 =	slt.u32 s24, $0x2  }
0x5c: {  	p2 =	sge.u32 @!p1 s24, s12  }
0x5d: {  	p1 =	por p1, p2  }
.Ltmp4:
0x5e: {  	_ = 	snop;
	(pc) =	sbr.rel @p1 .LBB2_9-.Ltmp4, $1  }
0x5f: {  	_ =	sdelay $0x3  }
0x60: {  	s0 =	sadd.s32 $0xFFFFFFFE, s24  }
0x61: {  	s2 =	smulhi.u32 $0xAAAAAAAB, s0;
	_ =	sdelay $0x1  }
0x62: {  	s2 =	sshrl.u32 s2, $0x1  }
0x63: {  	s2 =	smul.u32 $0x3, s2;
	_ =	sdelay $0x1  }
0x64: {  	s0 =	ssub.s32 s0, s2  }
0x65: {  	_ =	swait.ge [sflag:s8], $0x3E80;
	s0 =	smul.u32 $0x1F40, s0  }
0x66: {  	p1 =	sne.s32 s24, s11;
	[sflag:s8] =	ssyncset.done $0x0  }
0x67: {  	[sflag:s8] =	ssyncadd.s32 $0xFFFFC180;
	s2 =	sadd.s32 @!p1 $0x203F, s0  }
0x68: {  	[spmem:s13] =	stream.linear.scatter @!p1 [tilespmem:s2], [sflag:$0x1], $0x1, $0x38;
	[tilespmem:$0x11A60] =	vst v63  }
0x69: {  	s2 =	simm.s32 @!p1 $0x1  }
0x6a: {  	_ =	swait.ge @!p1 [sflag:s2], $0x1  }
0x6b: {  	s22 =	sshll.u32 s24, $0x4;
	[sflag:s2] =	ssyncset.done @!p1 $0x0  }
0x6c: {  	s25 =	sand.u32 $0x10, s22;
	[sflag:s2] =	ssyncadd.s32 @!p1 $0xFFFFFFFF  }
0x6d: {  	s2 =	sxor.u32 $0x10, s25;
	v4 =	vld [tilespmem:s25+$0x10]  }
0x6e: {  	v5 =	vld [tilespmem:s2+$0x60]  }
0x6f: {  	v3 =	vld [tilespmem:$0x80];
	_ =	sdelay $0x2  }
0x70: {  	(v2sf) =	vpush v4, $0x0  }
0x71: {  	(v2sf) =	vpush v5, $0x0  }
0x72: {  	(v2sf) =	vpush v3, $0x0;
	_ =	sdelay $0xc  }
0x73: {  	s22 =	spop (v2sf)  }
0x74: {  	s26 =	spop (v2sf)  }
0x75: {  	s28 =	spop (v2sf)  }
0x76: {  	p2 =	seq.s32 s22, s26;
	p3 =	seq.s32 s28, s22  }
0x77: {  	p3 =	por p2, p3  }
0x78: {  	s26 =	sand.u32 $0x1, s24;
	v4 =	vpsel p3, $0xFFFFFFFF, v4  }
0x79: {  	s29 =	smul.u32 $0x1F40, s26;
	[tilespmem:s25+$0x10] =	vst.msk $0x1, v4  }
0x7a: {  	v4 =	vld [tilespmem:$0x30]  }
0x7b: {  	v5 =	vld [tilespmem:s29+$0x9D40]  }
0x7c: {  	v6 =	vld [tilespmem:s25+$0x40];
	_ =	sdelay $0x3  }
0x7d: {  	vm4 =	vmmov vm1;
	v5 =	vadd.f32 v5, v4  }
0x7e: {  	vm5 =	vmmov vm2;
	vm4 =	vmmov @p2 vm2;
	s22 =	sshll.u32 s26, $0x4;
	v4 =	vadd.f32 v6, v4  }
0x7f: {  	s26 =	sor.u32 $0x11A40, s22;
	vm5 =	vmmov @p3 vm1;
	[tilespmem:s29+$0x9D40] =	vst.msk vm4, v5  }
0x80: {  	[tilespmem:s26+$0x0] =	vst.msk vm5, v4  }
0x81: {  	v4 =	vld [tilespmem:s29+$0x7DF0];
	_ =	sdelay $0x3  }
0x82: {  	v5 =	vimm.f32 $0.0e+00  }
0x83: {  	v4 =	vshift.insert v4, v5, s21  }
0x84: {  	s22 =	sor.u32 $0x40, s2  }
0x85: {  	[tilespmem:s22+$0x0] =	vst.msk $0x1, v4  }
0x86: {  	[tilespmem:s29+$0x7DFF] =	vst.msk $0x1, v5  }
0x87: {  	v4 =	vld [tilespmem:s0+$0x2030];
	_ =	sdelay $0x1  }
0x88: {  	s22 =	smulhi.u32 $0xAAAAAAAB, s20;
	s0 =	simm.s32 $0x1  }
0x89: {  	s0 =	simm.s32 @!p0 $0x0  }
0x8a: {  	s22 =	sshrl.u32 s22, $0x1;
	s0 =	smul.u32 $0x7D00, s0  }
0x8b: {  	s22 =	smul.u32 $0xFFFE8900, s22;
	v4 =	vshift.insert v4, v1, s21  }
0x8c: {  	s0 =	sshrl.u32 s0, $0x2  }
0x8d: {  	s22 =	sshra.s32 s22, $0x2;
	s30 =	sadd.s32 $0x9D40, s0;
	[tilespmem:s2+$0x10] =	vst.msk $0x1, v4  }
0x8e: {  	s22 =	sadd.s32 s22, s19;
	v6 =	vld [tilespmem:s30+$0x0]  }
0x8f: {  	v7 =	vld [tilespmem:s22+$0x0];
	_ =	sdelay $0x3  }
0x90: {  	v5 =	vadd.f32 v6, v5  }
0x91: {  	vm4 =	vne.s32 v7, $0xFFFFFFFF  }
0x92: {  	(xrf2) =	vadd.seg.scan.f32 vm4, v5;
	_ =	sdelay $0x3  }
0x93: {  	s31 =	sadd.s32 $0x5EC0, s0;
	v5 =	vperm.xlane v4, v1  }
0x94: {  	v6 =	vld [tilespmem:s31+$0x0]  }
0x95: {  	vm5 =	veq.s32 v7, v3;
	vm6 =	veq.s32 v7, v5  }
0x96: {  	vm7 =	vgt.u32 v7, $0xFFFFFFFD;
	vm6 =	vmor vm6, vm5  }
0x97: {  	vm6 =	vmor vm6, vm7  }
0x98: {  	v9 =	vld [tilespmem:$0xA0];
	v7 =	vsel vm6, $0xFFFFFFFF, v7  }
0x99: {  	v10 =	vld [tilespmem:$0x90];
	v6 =	vsel vm5, $0x0, v6;
	v8, _, _ =	vpop (xrf2)  }
0x9a: {  	v6 =	vadd.f32 v8, v6  }
0x9b: {  	s0 =	sadd.s32 $0xDBC0, s0  }
0x9c: {  	vm4 =	vmand vm4, vm3;
	[tilespmem:s0+$0x0] =	vst v6;
	(ifvalue) =	ssetifvalue $0xFFFFFFFF  }
0x9d: {  	vm6 =	veq.s32 v9, $0x1;
	[hbm4b:s1+s16] =	stream.indirect_vreg.scatter [tilespmem:s0], [sflag:$0x2], $0x1, v7, vm0, $0x4038;
	v7 =	vsel vm4, $0x0, v8;
	[tilespmem:$0x11A60] =	vst v63  }
0x9e: {  	s2 =	simm.s32 $0x0;
	s22 =	sadd.s32 $0x10, s22;
	vm4 =	vmor vm6, vm5;
	v6 =	vsel vm5, v8, v10;
	v7 =	vshift.insert v7, v0, s21  }
.LBB2_7:
0x9f: {  	v8 =	vld [tilespmem:s22+$0x0];
	s30 =	sadd.s32 $0x10, s30  }
0xa0: {  	s31 =	sadd.s32 $0x10, s31;
	v9 =	vld [tilespmem:s30+$0x0]  }
0xa1: {  	s2 =	sadd.s32 $0x10, s2;
	v10 =	vld [tilespmem:s31+$0x0]  }
0xa2: {  	p2 =	slt.u32 s2, $0x1F30;
	_ =	sdelay $0x2  }
0xa3: {  	v7 =	vadd.f32 v9, v7  }
0xa4: {  	vm5 =	vne.s32 v8, $0xFFFFFFFF  }
0xa5: {  	vm6 =	vmand vm5, vm3;
	(xrf2) =	vadd.seg.scan.f32 vm5, v7;
	_ =	sdelay $0x5  }
0xa6: {  	vm7 =	veq.s32 v8, v5;
	vm5 =	veq.s32 v8, v3  }
0xa7: {  	vm8 =	vgt.u32 v8, $0xFFFFFFFD;
	vm4 =	vmor vm4, vm5;
	vm7 =	vmor vm7, vm5  }
0xa8: {  	vm7 =	vmor vm7, vm8  }
0xa9: {  	v8 =	vsel vm7, $0xFFFFFFFF, v8  }
.Ltmp5:
0xaa: {  	v7 =	vsel vm5, $0x0, v10;
	v9, _, _ =	vpop (xrf2);
	(pc) =	sbr.rel @p2 .LBB2_7-.Ltmp5, $4  }
0xab: {  	v6 =	vsel vm5, v9, v6;
	v10 =	vadd.f32 v9, v7;
	v7 =	vsel vm6, $0x0, v9  }
0xac: {  	s0 =	sadd.s32 $0x10, s0;
	v7 =	vshift.insert v7, v0, s21  }
0xad: {  	s22 =	sadd.s32 $0x10, s22;
	[tilespmem:s0+$0x0] =	vst v10;
	(ifvalue) =	ssetifvalue $0xFFFFFFFF  }
0xae: {  	[hbm4b:s1+s16] =	stream.indirect_vreg.scatter [tilespmem:s0], [sflag:$0x2], $0x1, v8, vm0, $0x4038;
	[tilespmem:$0x11A60] =	vst v63  }
0xaf: {  	v3 =	vld [tilespmem:s29+$0xFAF0];
	_ =	sdelay $0x4  }
0xb0: {  	v3 =	vshift.insert v3, v0, s21  }
0xb1: {  	s0 =	simm.s32 $0x30  }
0xb2: {  	[tilespmem:s0+$0x0] =	vst.msk $0x1, v3  }
0xb3: {  	v3 =	vsel vm4, $0x1, v1;
	[tilespmem:$0x90] =	vst v6  }
0xb4: {  	s0 =	sadd.s32 @!p1 $0xFAFF, s29;
	[tilespmem:$0xA0] =	vst v3  }
0xb5: {  	[spmem:s14] =	stream.linear.scatter @!p1 [tilespmem:s0], [sflag:$0x1], $0x1, $0x38;
	[tilespmem:$0x11A60] =	vst v63  }
0xb6: {  	s0 =	simm.s32 @!p1 $0x1  }
0xb7: {  	v3 =	vmctz.xlane @!p1 vm4;
	_ =	swait.ge @!p1 [sflag:s0], $0x1  }
0xb8: {  	(v2sf) =	vpush @!p1 v4, $0x0  }
0xb9: {  	(v2sf) =	vpush @!p1 v3, $0x0;
	_ =	sdelay $0xd  }
0xba: {  	s2 =	spop @!p1 (v2sf)  }
0xbb: {  	s22 =	spop @!p1 (v2sf)  }
0xbc: {  	p2 =	sne.s32 @!p1 s28, s2;
	p3 =	slt.s32 @!p1 s22, $0xF  }
0xbd: {  	[sflag:s0] =	ssyncset.done @!p1 $0x0;
	p2 =	por p2, p1;
	p3 =	por !p3, p1  }
0xbe: {  	[sflag:s0] =	ssyncadd.s32 @!p1 $0xFFFFFFFF;
	v3 =	vimm.s32 @!p2 $0xFFFFFFFF;
	s22 =	simm.s32 @p3 $0xF  }
0xbf: {  	[tilespmem:$0x80] =	vst @!p2 v3;
	s2 =	sadd.s32 @!p1 $0x90, s22  }
0xc0: {  	[spmem:s10] =	stream.linear.scatter @!p1 [tilespmem:s2], [sflag:$0x1], $0x1, $0x38;
	[tilespmem:$0x11A60] =	vst v63  }
0xc1: {  	_ =	swait.ge @!p1 [sflag:s0], $0x1  }
0xc2: {  	[sflag:s0] =	ssyncset.done @!p1 $0x0  }
0xc3: {  	s2 =	simm.s32 @!p1 $0x80;
	[sflag:s0] =	ssyncadd.s32 @!p1 $0xFFFFFFFF  }
0xc4: {  	[spmem:s15] =	stream.linear.scatter @!p1 [tilespmem:s2], [sflag:$0x1], $0x1, $0x38;
	[tilespmem:$0x11A60] =	vst v63  }
0xc5: {  	_ =	swait.ge @!p1 [sflag:s0], $0x1  }
0xc6: {  	[sflag:s0] =	ssyncset.done @!p1 $0x0  }
0xc7: {  	[sflag:s0] =	ssyncadd.s32 @!p1 $0xFFFFFFFF;
	(ifvalue) =	ssetifvalue $0xFFFFFFFF;
	v3 =	vld [tilespmem:s25+$0x10];
	_ =	sdelay $0x3  }
.Ltmp6:
0xc8: {  	_ = 	snop;
	(pc) =	sbr.rel .LBB2_9-.Ltmp6, $3  }
0xc9: {  	_ =	sdelay $0x1  }
0xca: {  	(ifvalue) =	ssetifvalue $0xFFFFFFFF  }
0xcb: {  	[hbm4b:s1+s16] =	stream.indirect_vreg.scatter [tilespmem:s26], [sflag:$0x9], $0x1, v3, vm0, $0x4038;
	[tilespmem:$0x11A60] =	vst v63  }
.LBB2_10:
0xcc: {  	_ =	sfence.sel $0x180000  }
0xcd: {  	s0 =	simm.s32 $0x7;
	[bflag:$0x0] =	sbarrier.arrive $0xFFFF  }
0xce: {  	s26 =	simm.s32 $0x8;
	[sflag:s0] =	ssyncpa.u1 $0x1  }
0xcf: {  	s28 =	simm.s32 $0x9;
	[sflag:s26] =	ssyncpa.u1 $0x1  }
0xd0: {  	[sflag:s28] =	ssyncpa.u1 $0x1  }
0xd1: {  	_ =	sfence.stream.spmem  }
0xd2: {  	s29 =	simm.s32 $0x3;
	[bflag:$0x0] =	sbarrier.arrive $0xFFFF  }
0xd3: {  	s30 =	simm.s32 $0x4;
	[sflag:s29] =	ssyncpa.u1 $0x1  }
0xd4: {  	s31 =	simm.s32 $0x3C;
	s2 =	stileid.u32;
	[sflag:s30] =	ssyncpa.u1 $0x1  }
0xd5: {  	p0 =	sne.s32 s2, $0x0;
	[sflag:s31] =	ssyncpa.u1 $0x1  }
0xd6: {  	s0 =	simm.s32 @p0 $0x1;
	_ =	sfence @p0  }
0xd7: {  	[sflag:s0] =	ssyncpa.u1 @p0 $0x1;
	s0 =	simm.s32 @p0 $0x2  }
0xd8: {  	[sflag:s0] =	ssyncpa.u1 @p0 $0x1  }
0xd9: {  	_ =	strace @p0 $0x90000047  }
0xda: {  	[bflag:$0x2] =	sbarrier.arrive @p0 $0xFFFF  }
0xdb: {  	_ =	shalt @p0  }
.LBB2_11:
0xdc: {  	_ =	sfence.stream.spmem;
	s0 =	simm.s32 $0x5  }
0xdd: {  	s2 =	simm.s32 $0x80;
	s3 =	simm.s32 $0xC0;
	[sflag:s0] =	ssyncpa.u1 $0x0  }
0xde: {  	[tilespmem:s3], [sflag:$0x5] =	stream.linear.gather [spmem:s2], $0x20, $0x38;
	[tilespmem:$0x11A60] =	vst v63  }
0xdf: {  	s2 =	simm.s32 $0x0;
	s3 =	simm.s32 $0xE0  }
0xe0: {  	[tilespmem:s3], [sflag:$0x5] =	stream.linear.gather [spmem:s2], $0x20, $0x38;
	[tilespmem:$0x11A60] =	vst v63  }
.Ltmp7:
0xe1: {  	_ = 	snop;
	(pc) =	sbr.rel .LBB2_12-.Ltmp7, $4  }
0xe2: {  	_ =	swait.ge [sflag:s0], $0x40  }
0xe3: {  	[sflag:s0] =	ssyncset.done $0x0  }
0xe4: {  	s31 =	simm.s32 $0x6;
	[sflag:s0] =	ssyncadd.s32 $0xFFFFFFC0  }
0xe5: {  	s4 =	simm.s32 $0x0;
	[sflag:s31] =	ssyncpa.u1 $0x0  }
.LBB2_17:
0xe6: {  	p0 =	sgt.u32 s5, $0x27FF  }
0xe7: {  	s0 =	sshrl.u32 @!p0 s5, $0x3  }
0xe8: {  	s5 =	sand.u32 @!p0 $0x7, s5;
	s6 =	simm.s32 @!p0 $0xB0;
	s0 =	sadd.s32 @!p0 s1, s0  }
0xe9: {  	[tilespmem:s6], [sflag:$0x6] =	stream.linear.gather @!p0 [hbm4b:s0+s5], $0x1, $0x38;
	[tilespmem:$0x11A60] =	vst v63  }
0xea: {  	s0 =	simm.s32 @!p0 $0x6  }
0xeb: {  	_ =	swait.ge @!p0 [sflag:s0], $0x1  }
0xec: {  	[sflag:s0] =	ssyncset.done @!p0 $0x0  }
0xed: {  	[sflag:s0] =	ssyncadd.s32 @!p0 $0xFFFFFFFF  }
0xee: {  	v2 =	vmov @!p0 s4;
	v1 =	vld.msk @!p0 [tilespmem:$0xB0], $0x1;
	_ =	sdelay $0x3  }
0xef: {  	s0 =	simm.s32 @!p0 $0xE0  }
0xf0: {  	[tilespmem:v2+s0+$0x0], v1 =	vst.idx.ret.add.f32.msk @!p0 $0x1, v1  }
0xf1: {  	[tilespmem:s2+$0xC0] =	vst.msk $0x1, v0  }
0xf2: {  	v0 =	vld.msk [tilespmem:s4+$0xE0], $0x1;
	_ =	sdelay $0x4  }
0xf3: {  	[tilespmem:s2+$0xE0] =	vst.msk $0x1, v0;
	s2 =	sadd.s32 $0x1, s2  }
.LBB2_19:
0xf4: {  	s4 =	sadd.s32 $0x1, s4  }
0xf5: {  	p0 =	sne.s32 s4, $0x20  }
.Ltmp8:
0xf6: {  	_ = 	snop;
	(pc) =	sbr.rel @!p0 .LBB2_20-.Ltmp8, $1  }
0xf7: {  	_ =	sdelay $0x3  }
.LBB2_12:
0xf8: {  	v0 =	vld.msk [tilespmem:s4+$0xC0], $0x1;
	_ =	sdelay $0x4  }
0xf9: {  	(v2sf) =	vpush v0, $0x0;
	_ =	sdelay $0xe  }
0xfa: {  	s5 =	spop (v2sf)  }
0xfb: {  	p0 =	seq.s32 s5, $0xFFFFFFFF  }
.Ltmp9:
0xfc: {  	_ = 	snop;
	(pc) =	sbr.rel @p0 .LBB2_19-.Ltmp9, $1  }
0xfd: {  	_ =	sdelay $0x3  }
0xfe: {  	p0 =	slt.s32 s2, $0x1  }
.Ltmp10:
0xff: {  	_ = 	snop;
	(pc) =	sbr.rel @p0 .LBB2_17-.Ltmp10, $1  }
0x100: {  	_ =	sdelay $0x3  }
0x101: {  	s0 =	simm.s32 $0xC0;
	p0 =	por $0x0, $0x0  }
0x102: {  	v1 =	vld.msk @!p0 [tilespmem:s0+$0x0], $0x1;
	_ =	sdelay $0x4  }
0x103: {  	(v2sf) =	vpush @!p0 v1, $0x0;
	_ =	sdelay $0xd  }
0x104: {  	p2 =	sne.s32 s2, $0x1  }
.Ltmp11:
0x105: {  	s6 =	spop @!p0 (v2sf);
	(pc) =	sbr.rel @!p2 .LBB2_16-.Ltmp11, $4  }
0x106: {  	p1 =	seq.s32 @!p0 s5, s6  }
0x107: {  	s6 =	simm.s32 $0x0;
	p1 =	por !p1, p0  }
0x108: {  	s8 =	simm.s32 $0xFFFFFFFF;
	s6 =	simm.s32 @p1 $0xFFFFFFFF  }
0x109: {  	s7 =	simm.s32 $0x1;
	s6 =	smov.u32 @p0 s8  }
.LBB2_15:
0x10a: {  	s8 =	smov.u32 s6;
	p0 =	sne.s32 s6, $0xFFFFFFFF  }
0x10b: {  	s0 =	sadd.s32 $0x1, s0;
	s6 =	smov.u32 s7;
	s7 =	sadd.s32 $0x1, s7  }
0x10c: {  	p1 =	sne.s32 s2, s7;
	v1 =	vld.msk @!p0 [tilespmem:s0+$0x0], $0x1;
	_ =	sdelay $0x4  }
0x10d: {  	(v2sf) =	vpush @!p0 v1, $0x0;
	_ =	sdelay $0xe  }
.Ltmp12:
0x10e: {  	s9 =	spop @!p0 (v2sf);
	(pc) =	sbr.rel @p1 .LBB2_15-.Ltmp12, $4  }
0x10f: {  	p2 =	seq.s32 @!p0 s5, s9  }
0x110: {  	p2 =	por !p2, p0  }
0x111: {  	s6 =	simm.s32 @p2 $0xFFFFFFFF  }
0x112: {  	s6 =	smov.u32 @p0 s8  }
.LBB2_16:
0x113: {  	p0 =	sne.s32 s6, $0xFFFFFFFF  }
.Ltmp13:
0x114: {  	_ = 	snop;
	(pc) =	sbr.rel @!p0 .LBB2_17-.Ltmp13, $1  }
0x115: {  	_ =	sdelay $0x3  }
0x116: {  	v0 =	vld.msk [tilespmem:s4+$0xE0], $0x1;
	v1 =	vmov s6  }
.Ltmp14:
0x117: {  	_ = 	snop;
	(pc) =	sbr.rel .LBB2_19-.Ltmp14, $2  }
0x118: {  	_ =	sdelay $0x2  }
0x119: {  	[tilespmem:v1+s3+$0x0], v0 =	vst.idx.ret.add.f32.msk $0x1, v0  }
.LBB2_20:
0x11a: {  	p0 =	slt.s32 s2, $0x1  }
.Ltmp15:
0x11b: {  	_ = 	snop;
	(pc) =	sbr.rel @p0 .LBB2_24-.Ltmp15, $3  }
0x11c: {  	_ =	sdelay $0x1  }
0x11d: {  	s0 =	simm.s32 $0x6  }
0x11e: {  	s3 =	simm.s32 $0x0;
	[sflag:s0] =	ssyncpa.u1 $0x1  }
0x11f: {  	s0 =	simm.s32 $0xC0  }
0x120: {  	v0 =	vld.msk [tilespmem:s0+$0x0], $0x1;
	_ =	sdelay $0x4  }
0x121: {  	(v2sf) =	vpush v0, $0x0;
	_ =	sdelay $0xe  }
0x122: {  	s2 =	sadd.s32 $0xFFFFFFFF, s2;
	s4 =	spop (v2sf)  }
0x123: {  	p1 =	sne.s32 s2, $0x0;
	p0 =	sgt.u32 s4, $0x27FF  }
.Ltmp16:
0x124: {  	s5 =	sshrl.u32 @!p0 s4, $0x3;
	(pc) =	sbr.rel @!p1 .LBB2_23-.Ltmp16, $4  }
0x125: {  	s0 =	simm.s32 $0xE0;
	s4 =	sand.u32 @!p0 $0x7, s4;
	s5 =	sadd.s32 @!p0 s1, s5  }
0x126: {  	[hbm4b:s5+s4] =	stream.linear.scatter @!p0 [tilespmem:s0], [sflag:$0x5], $0x1, $0x38;
	[tilespmem:$0x11A60] =	vst v63  }
0x127: {  	s5 =	simm.s32 $0x0  }
0x128: {  	s4 =	simm.s32 $0xC1;
	s5 =	simm.s32 @!p0 $0x4  }
.LBB2_22:
0x129: {  	v0 =	vld.msk [tilespmem:s4+$0x0], $0x1;
	s2 =	sadd.s32 $0xFFFFFFFF, s2;
	s3 =	sadd.s32 s3, s5  }
0x12a: {  	p0 =	sne.s32 s2, $0x0;
	_ =	sdelay $0x3  }
0x12b: {  	(v2sf) =	vpush v0, $0x0;
	_ =	sdelay $0xe  }
.Ltmp17:
0x12c: {  	s6 =	spop (v2sf);
	(pc) =	sbr.rel @p0 .LBB2_22-.Ltmp17, $4  }
0x12d: {  	s5 =	simm.s32 $0x0;
	p1 =	sgt.u32 s6, $0x27FF  }
0x12e: {  	s0 =	sadd.s32 $0x1, s0;
	s5 =	simm.s32 @!p1 $0x4;
	s7 =	sshrl.u32 @!p1 s6, $0x3  }
0x12f: {  	s4 =	sadd.s32 $0x1, s4;
	s6 =	sand.u32 @!p1 $0x7, s6;
	s7 =	sadd.s32 @!p1 s1, s7  }
0x130: {  	[hbm4b:s7+s6] =	stream.linear.scatter @!p1 [tilespmem:s0], [sflag:$0x5], $0x1, $0x38;
	[tilespmem:$0x11A60] =	vst v63  }
.LBB2_23:
0x131: {  	s0 =	sadd.s32 s3, s5  }
0x132: {  	s3 =	sshrl.u32 s0, $0x2  }
.LBB2_24:
0x133: {  	s0 =	simm.s32 $0x5  }
0x134: {  	_ =	swait.ge [sflag:s0], s3  }
0x135: {  	s1 =	ssub.s32 $0x0, s3;
	[sflag:s0] =	ssyncset.done $0x0  }
0x136: {  	[sflag:s0] =	ssyncadd.s32 s1  }
0x137: {  	[sflag:s0] =	ssyncpa.u1 $0x1  }
0x138: {  	s29 =	simm.s32 $0x1;
	_ =	sfence  }
0x139: {  	s30 =	simm.s32 $0x2;
	[sflag:s29] =	ssyncpa.u1 $0x1  }
0x13a: {  	[sflag:s30] =	ssyncpa.u1 $0x1  }
0x13b: {  	_ =	strace $0x90000047  }
0x13c: {  	[bflag:$0x2] =	sbarrier.arrive $0xFFFF  }
0x13d: {  	s31 =	rddreg [dreg:$0x1]  }
0x13e: {  	s0 =	sadd.s32 $0x100000, s31  }
0x13f: {  	[sflag:s0] =	ssyncadd.tile.s32 $0x1;
	_ =	shalt  }
.Lfunc_end2:
_tile_overlayer_lowered:
.L_overlay_start_2:
0x140: {  	(tag) =	ssettag $0x2  }
0x141: {  	s0 =	rddreg [dreg:$0x0];
	s2 =	stileid.u32  }
0x142: {  	s1 =	rddreg [dreg:$0x1];
	p0 =	sne.s32 s2, $0x0  }
0x143: {  	s3 =	rddreg [dreg:$0x2];
	[bflag:$0x3] =	sbarrier.arrive $0xFFFF;
	s2 =	simm.s32 @!p0 $0x1C01  }
0x144: {  	[timem:s3], [sflag:s2] =	dma.local @!p0 [hbm:s0], s1  }
0x145: {  	s0 =	simm.s32 @!p0 $0x1  }
0x146: {  	_ =	swait.ge @!p0 [sflag:s0], s1  }
0x147: {  	s1 =	ssub.s32 @!p0 $0x0, s1;
	[sflag:s0] =	ssyncset.done @!p0 $0x0  }
0x148: {  	[sflag:s0] =	ssyncadd.s32 @!p0 s1  }
0x149: {  	[bflag:$0x3] =	sbarrier.arrive $0xFFFF  }
0x14a: {  	_ =	shalt  }

</sc_bundles>
